<compile_context>
chip_gen: v7x
topology: tpu7x:2x2x1
jax: 0.10.2.dev20260603
libtpu: 0.0.44.dev20260713+nightly
codegen_flags: <defaults>
</compile_context>

<pallas_src>
import functools

import jax
import jax.numpy as jnp
from jax import lax
from jax.experimental import pallas as pl
from jax.experimental.pallas import tpu as pltpu
from jax.experimental.pallas import tpu_sc as plsc

_T = 128
_RES = 256
_RBLK = 1024
_CHUNKS = (12, 12, 8)


def _ray_kernel(o_ref, d_ref, ts_ref, bound_ref, idx_ref, near_ref, span_ref):
    bound = bound_ref[0, 0]
    ts = ts_ref[0:1, :]
    o3 = o_ref[...]
    d3 = d_ref[...]
    los = []
    his = []
    for c in range(3):
        oc = o3[:, c:c + 1]
        dc = d3[:, c:c + 1]
        denom = dc + 1e-15
        tmin = (-bound - oc) / denom
        tmax = (bound - oc) / denom
        los.append(jnp.minimum(tmin, tmax))
        his.append(jnp.maximum(tmin, tmax))
    near = jnp.maximum(jnp.maximum(los[0], los[1]), los[2])
    far = jnp.minimum(jnp.minimum(his[0], his[1]), his[2])
    miss = far < near
    near = jnp.where(miss, 1e9, near)
    far = jnp.where(miss, 1e9, far)
    near = jnp.maximum(near, 0.05)
    span = far - near
    z = near + span * ts
    gs = []
    for c in range(3):
        oc = o3[:, c:c + 1]
        dc = d3[:, c:c + 1]
        xyz = oc + dc * z
        q = (xyz + bound) / (2.0 * bound) * _RES
        gs.append(jnp.clip(jnp.floor(q), 0.0, _RES - 1).astype(jnp.int32))
    g0, g1, g2 = gs
    flat = (g0 * _RES + g1) * _RES + g2
    idx_ref[...] = flat
    near_ref[...] = near
    span_ref[...] = span


def _comp_kernel(sig_ref, o_ref, d_ref, near_ref, span_ref, ts_ref, bg_ref,
                 img_ref):
    ts = ts_ref[0:1, :]
    near = near_ref[...]
    span = span_ref[...]
    sig = sig_ref[...]
    delta = span * (1.0 / (_T - 1))
    sd = sig * delta
    alphas = 1.0 - jnp.exp(-sd)
    r_i = lax.broadcasted_iota(jnp.int32, (_T, _T), 0)
    c_i = lax.broadcasted_iota(jnp.int32, (_T, _T), 1)
    tri = (r_i < c_i).astype(jnp.float32)
    cum_excl = jax.lax.dot_general(
        sd, tri, (((1,), (0,)), ((), ())),
        precision=jax.lax.Precision.HIGHEST,
        preferred_element_type=jnp.float32)
    trans = jnp.exp(-cum_excl)
    weights = alphas * trans
    wsum = jnp.sum(weights, axis=1, keepdims=True)
    z = near + span * ts
    o3 = o_ref[...]
    d3 = d_ref[...]
    cols = []
    for c in range(3):
        xyz = o3[:, c:c + 1] + d3[:, c:c + 1] * z
        rgb = 1.0 / (1.0 + jnp.exp(-xyz))
        img_c = jnp.sum(weights * rgb, axis=1, keepdims=True)
        img_c = img_c + (1.0 - wsum) * bg_ref[0, c]
        cols.append(img_c)
    img_ref[...] = jnp.concatenate(cols, axis=1)


def _sc_gather(table, idx2):
    total = idx2.shape[0] * idx2.shape[1]
    idx1 = idx2.reshape(total)
    info = plsc.get_sparse_core_info()
    nc, ns = info.num_cores, info.num_subcores
    nw = nc * ns
    chunk = 8192
    spw = total // nw
    nrounds = spw // chunk
    npairs = nrounds // 2
    mesh = plsc.VectorSubcoreMesh(core_axis_name="c", subcore_axis_name="s")

    @functools.partial(
        pl.kernel,
        out_type=jax.ShapeDtypeStruct((total,), jnp.float32),
        mesh=mesh,
        scratch_types=[
            pltpu.VMEM((chunk,), jnp.int32),
            pltpu.VMEM((chunk,), jnp.int32),
            pltpu.VMEM((chunk,), jnp.float32),
            pltpu.VMEM((chunk,), jnp.float32),
            pltpu.SemaphoreType.DMA,
            pltpu.SemaphoreType.DMA,
            pltpu.SemaphoreType.DMA,
            pltpu.SemaphoreType.DMA,
            pltpu.SemaphoreType.DMA,
            pltpu.SemaphoreType.DMA,
        ],
    )
    def gather_k(table_hbm, idx_hbm, out_hbm, idx_v0, idx_v1, val_v0, val_v1,
                 si0, si1, sg0, sg1, ss0, ss1):
        wid = lax.axis_index("s") * nc + lax.axis_index("c")
        base = wid * spw
        idx_v = (idx_v0, idx_v1)
        val_v = (val_v0, val_v1)
        si = (si0, si1)
        sg = (sg0, sg1)
        ss = (ss0, ss1)

        def hslice(g):
            return pl.ds(base + g * chunk, chunk)

        def idx_load(g, b):
            pltpu.async_copy(idx_hbm.at[hslice(g)], idx_v[b], si[b])

        def idx_wait(b):
            pltpu.make_async_copy(idx_hbm.at[hslice(0)], idx_v[b], si[b]).wait()

        def gather_start(b):
            pltpu.async_copy(table_hbm.at[idx_v[b]], val_v[b], sg[b])

        def gather_wait(b):
            pltpu.make_async_copy(table_hbm.at[idx_v[b]], val_v[b],
                                  sg[b]).wait()

        def store_start(g, b):
            pltpu.async_copy(val_v[b], out_hbm.at[hslice(g)], ss[b])

        def store_wait(b):
            pltpu.make_async_copy(val_v[b], out_hbm.at[hslice(0)],
                                  ss[b]).wait()

        idx_load(0, 0)
        idx_load(1, 1)

        for b in (0, 1):
            idx_wait(b)
            gather_start(b)
        for b in (0, 1):
            gather_wait(b)
            store_start(b, b)
            idx_load(b + 2, b)

        def body(p, carry):
            g0 = 2 * p
            for b in (0, 1):
                idx_wait(b)
                store_wait(b)
                gather_start(b)
            for b in (0, 1):
                gather_wait(b)
                store_start(g0 + b, b)
                idx_load(g0 + b + 2, b)
            return carry

        lax.fori_loop(1, npairs - 1, body, 0)

        for b in (0, 1):
            idx_wait(b)
            store_wait(b)
            gather_start(b)
        for b in (0, 1):
            gather_wait(b)
            store_start(nrounds - 2 + b, b)
        for b in (0, 1):
            store_wait(b)

    return gather_k(table, idx1).reshape(idx2.shape)


def kernel(rays_o, rays_d, density_grid, bg_color, bound):
    b, n, _ = rays_o.shape
    rows = b * n
    o2 = rays_o.reshape(rows, 3)
    d2 = rays_d.reshape(rows, 3)
    boundf = jnp.asarray(bound).astype(jnp.float32).reshape(1, 1)
    ts = jnp.linspace(0.0, 1.0, _T, dtype=jnp.float32).reshape(1, _T)
    bg2 = bg_color.reshape(1, 3)
    table = density_grid.reshape(-1)
    def stage_a(c0, nblk_c):
        rows_c = nblk_c * _RBLK
        return pl.pallas_call(
            _ray_kernel,
            grid=(nblk_c,),
            in_specs=[
                pl.BlockSpec((_RBLK, 3), lambda i: (c0 + i, 0)),
                pl.BlockSpec((_RBLK, 3), lambda i: (c0 + i, 0)),
                pl.BlockSpec((1, _T), lambda i: (0, 0)),
                pl.BlockSpec((1, 1), lambda i: (0, 0)),
            ],
            out_specs=[
                pl.BlockSpec((_RBLK, _T), lambda i: (i, 0)),
                pl.BlockSpec((_RBLK, 1), lambda i: (i, 0)),
                pl.BlockSpec((_RBLK, 1), lambda i: (i, 0)),
            ],
            out_shape=[
                jax.ShapeDtypeStruct((rows_c, _T), jnp.int32),
                jax.ShapeDtypeStruct((rows_c, 1), jnp.float32),
                jax.ShapeDtypeStruct((rows_c, 1), jnp.float32),
            ],
        )(o2, d2, ts, boundf)

    def stage_c(c0, nblk_c, sig, near, span):
        rows_c = nblk_c * _RBLK
        return pl.pallas_call(
            _comp_kernel,
            grid=(nblk_c,),
            in_specs=[
                pl.BlockSpec((_RBLK, _T), lambda i: (i, 0)),
                pl.BlockSpec((_RBLK, 3), lambda i: (c0 + i, 0)),
                pl.BlockSpec((_RBLK, 3), lambda i: (c0 + i, 0)),
                pl.BlockSpec((_RBLK, 1), lambda i: (i, 0)),
                pl.BlockSpec((_RBLK, 1), lambda i: (i, 0)),
                pl.BlockSpec((1, _T), lambda i: (0, 0)),
                pl.BlockSpec((1, 3), lambda i: (0, 0)),
            ],
            out_specs=pl.BlockSpec((_RBLK, 3), lambda i: (i, 0)),
            out_shape=jax.ShapeDtypeStruct((rows_c, 3), jnp.float32),
        )(sig, o2, d2, near, span, ts, bg2)

    starts = []
    s = 0
    for nb in _CHUNKS:
        starts.append(s)
        s += nb
    assert s * _RBLK == rows

    abc = [stage_a(c0, nb) for c0, nb in zip(starts, _CHUNKS)]
    sigs = [_sc_gather(table, a[0]) for a in abc]
    parts = [
        stage_c(c0, nb, sig, a[1], a[2])
        for c0, nb, sig, a in zip(starts, _CHUNKS, sigs, abc)
    ]

    img = parts[0] if len(parts) == 1 else jnp.concatenate(parts, axis=0)
    image = img.reshape(b, n, 3)
    return image, image[..., 0]

# --- scband reference (transcript-rebuilt; emitter-appended) ---
"""Pipeline reference for scband-nerf-renderer-85014582657247 (READ-ONLY COPY).

The authoritative reference and input builder live on the scoring server;
editing this copy changes nothing except your own understanding.
"""

import jax, jax.numpy as jnp
import numpy as np

B, N, T, R = 8, 4096, 128, 256

def setup_inputs(seed: int = 0) -> dict:
    key = jax.random.key(seed)
    k1, k2, k3 = jax.random.split(key, 3)
    rays_o = (jax.random.uniform(k1, (B, N, 3), dtype=jnp.float32) * 2.0 - 1.0) * 0.5
    rays_d = jax.random.normal(k2, (B, N, 3), dtype=jnp.float32)
    rays_d = rays_d / (jnp.linalg.norm(rays_d, axis=-1, keepdims=True) + 1e-8)
    density_grid = jax.random.uniform(k3, (R, R, R), dtype=jnp.float32) * 0.5
    bg_color = jnp.ones((3,), dtype=jnp.float32)
    return {"rays_o": rays_o, "rays_d": rays_d, "density_grid": density_grid, "bg_color": bg_color, "bound": 2}


def _near_far_cube(rays_o, rays_d, bound):
    tmin = (-bound - rays_o) / (rays_d + 1e-15)
    tmax = (bound - rays_o) / (rays_d + 1e-15)
    near = jnp.max(jnp.minimum(tmin, tmax), axis=-1)
    far = jnp.min(jnp.maximum(tmin, tmax), axis=-1)
    mask = far < near
    near = jnp.where(mask, 1e9, near)
    far = jnp.where(mask, 1e9, far)
    near = jnp.maximum(near, 0.05)
    return near, far


def reference(rays_o, rays_d, density_grid, bg_color, bound):
    bound = jnp.asarray(bound).astype(jnp.float32)
    near, far = _near_far_cube(rays_o, rays_d, bound)
    ts = jnp.linspace(0.0, 1.0, T, dtype=jnp.float32)
    z = near[..., None] + (far - near)[..., None] * ts  # [B,N,T]
    xyzs = rays_o[..., None, :] + rays_d[..., None, :] * z[..., None]  # [B,N,T,3]
    deltas = jnp.concatenate([z[..., 1:] - z[..., :-1], ((far - near) / (T - 1))[..., None]], axis=-1)
    res = density_grid.shape[0]
    gidx = jnp.clip(jnp.floor((xyzs + bound) / (2.0 * bound) * res), 0, res - 1).astype(jnp.int32)
    flat = (gidx[..., 0] * res + gidx[..., 1]) * res + gidx[..., 2]
    sigmas = jnp.take(density_grid.reshape(-1), flat.reshape(-1), axis=0).reshape(flat.shape)  # large gather
    rgbs = jax.nn.sigmoid(xyzs)
    alphas = 1.0 - jnp.exp(-sigmas * deltas)
    trans = jnp.cumprod(1.0 - alphas + 1e-10, axis=-1)
    trans = jnp.concatenate([jnp.ones_like(trans[..., :1]), trans[..., :-1]], axis=-1)
    weights = alphas * trans  # composite_rays_train weights
    weights_sum = jnp.sum(weights, axis=-1)
    image = jnp.sum(weights[..., None] * rgbs, axis=-2)
    image = image + (1.0 - weights_sum)[..., None] * bg_color
    depth = image[..., 0]
    return image, depth

if __name__ == "__main__":
    import jax
    _d = setup_inputs()
    print(jax.jit(kernel)(*tuple(_d.values())))

</pallas_src>

<mosaic_0001>
#map = affine_map<(d0, d1) -> (0)>
module attributes {stable_mosaic.version = 14 : i64} {
  func.func @gather_k(%arg0: i32, %arg1: i32, %arg2: memref<16777216xf32, #tpu.memory_space<hbm>>, %arg3: memref<1572864xi32, #tpu.memory_space<hbm>>, %arg4: memref<1572864xf32, #tpu.memory_space<hbm>>, %arg5: memref<8192xi32, #tpu.memory_space<vmem>>, %arg6: memref<8192xi32, #tpu.memory_space<vmem>>, %arg7: memref<8192xf32, #tpu.memory_space<vmem>>, %arg8: memref<8192xf32, #tpu.memory_space<vmem>>, %arg9: memref<!tpu.dma_semaphore, #tpu.memory_space<semaphore_mem>>, %arg10: memref<!tpu.dma_semaphore, #tpu.memory_space<semaphore_mem>>, %arg11: memref<!tpu.dma_semaphore, #tpu.memory_space<semaphore_mem>>, %arg12: memref<!tpu.dma_semaphore, #tpu.memory_space<semaphore_mem>>, %arg13: memref<!tpu.dma_semaphore, #tpu.memory_space<semaphore_mem>>, %arg14: memref<!tpu.dma_semaphore, #tpu.memory_space<semaphore_mem>>) attributes {dimension_semantics = [#tpu.dimension_semantics<core_parallel>, #tpu.dimension_semantics<subcore_parallel>], iteration_bounds = array<i64: 2, 16>, scalar_prefetch = 0 : i64, scratch_operands = 10 : i64, tpu.core_type = #tpu.core_type<sc_vector_subcore>, window_params = [{transform_indices = #map}, {transform_indices = #map}, {transform_indices = #map}]} {
    %mul3A = arith.constant 2 : i32
    %mul3A_0 = arith.muli %arg1, %mul3A : i32
    %add3A = arith.addi %mul3A_0, %arg0 : i32
    %mul3A_1 = arith.constant 49152 : i32
    %mul3A_2 = arith.muli %add3A, %mul3A_1 : i32
    %add3A_3 = arith.constant 0 : i32
    %add3A_4 = arith.addi %mul3A_2, %add3A_3 : i32
    %dma_start3A = tpu.memref_slice %arg3[%add3A_4] : memref<1572864xi32, #tpu.memory_space<hbm>> -> memref<8192xi32, #tpu.memory_space<hbm>>
    %dma_start3A_5 = tpu.memref_slice %arg3[%add3A_4] : memref<1572864xi32, #tpu.memory_space<hbm>> -> memref<8192xi32, #tpu.memory_space<hbm>>
    tpu.enqueue_dma source(%dma_start3A_5 : memref<8192xi32, #tpu.memory_space<hbm>>) target(%arg5 : memref<8192xi32, #tpu.memory_space<vmem>>) target_semaphore(%arg9 : memref<!tpu.dma_semaphore, #tpu.memory_space<semaphore_mem>>)
    %add3A_6 = arith.constant 8192 : i32
    %add3A_7 = arith.addi %mul3A_2, %add3A_6 : i32
    %dma_start3A_8 = tpu.memref_slice %arg3[%add3A_7] : memref<1572864xi32, #tpu.memory_space<hbm>> -> memref<8192xi32, #tpu.memory_space<hbm>>
    %dma_start3A_9 = tpu.memref_slice %arg3[%add3A_7] : memref<1572864xi32, #tpu.memory_space<hbm>> -> memref<8192xi32, #tpu.memory_space<hbm>>
    tpu.enqueue_dma source(%dma_start3A_9 : memref<8192xi32, #tpu.memory_space<hbm>>) target(%arg6 : memref<8192xi32, #tpu.memory_space<vmem>>) target_semaphore(%arg10 : memref<!tpu.dma_semaphore, #tpu.memory_space<semaphore_mem>>)
    %add3A_10 = arith.constant 0 : i32
    %add3A_11 = arith.addi %mul3A_2, %add3A_10 : i32
    %dma_wait3A = tpu.memref_slice %arg3[%add3A_11] : memref<1572864xi32, #tpu.memory_space<hbm>> -> memref<8192xi32, #tpu.memory_space<hbm>>
    %dma_wait3A_12 = tpu.memref_slice %arg3[%add3A_11] : memref<1572864xi32, #tpu.memory_space<hbm>> -> memref<8192xi32, #tpu.memory_space<hbm>>
    tpu.wait_dma2 semaphore(%arg9 : memref<!tpu.dma_semaphore, #tpu.memory_space<semaphore_mem>>) src(%dma_wait3A_12 : memref<8192xi32, #tpu.memory_space<hbm>>) dst(%arg5 : memref<8192xi32, #tpu.memory_space<vmem>>)
    %dma_start3A_13 = arith.constant 0 : i32
    %dma_start3A_14 = tpu.memref_slice %arg2[%dma_start3A_13] : memref<16777216xf32, #tpu.memory_space<hbm>> -> memref<16777216xf32, #tpu.memory_space<hbm>>
    tpu.enqueue_indirect_dma source(%dma_start3A_14 : memref<16777216xf32, #tpu.memory_space<hbm>>) target(%arg7 : memref<8192xf32, #tpu.memory_space<vmem>>) offsets(%arg5 : memref<8192xi32, #tpu.memory_space<vmem>>) semaphore(%arg11 : memref<!tpu.dma_semaphore, #tpu.memory_space<semaphore_mem>>)
    %add3A_15 = arith.constant 0 : i32
    %add3A_16 = arith.addi %mul3A_2, %add3A_15 : i32
    %dma_wait3A_17 = tpu.memref_slice %arg3[%add3A_16] : memref<1572864xi32, #tpu.memory_space<hbm>> -> memref<8192xi32, #tpu.memory_space<hbm>>
    %dma_wait3A_18 = tpu.memref_slice %arg3[%add3A_16] : memref<1572864xi32, #tpu.memory_space<hbm>> -> memref<8192xi32, #tpu.memory_space<hbm>>
    tpu.wait_dma2 semaphore(%arg10 : memref<!tpu.dma_semaphore, #tpu.memory_space<semaphore_mem>>) src(%dma_wait3A_18 : memref<8192xi32, #tpu.memory_space<hbm>>) dst(%arg6 : memref<8192xi32, #tpu.memory_space<vmem>>)
    %dma_start3A_19 = arith.constant 0 : i32
    %dma_start3A_20 = tpu.memref_slice %arg2[%dma_start3A_19] : memref<16777216xf32, #tpu.memory_space<hbm>> -> memref<16777216xf32, #tpu.memory_space<hbm>>
    tpu.enqueue_indirect_dma source(%dma_start3A_20 : memref<16777216xf32, #tpu.memory_space<hbm>>) target(%arg8 : memref<8192xf32, #tpu.memory_space<vmem>>) offsets(%arg6 : memref<8192xi32, #tpu.memory_space<vmem>>) semaphore(%arg12 : memref<!tpu.dma_semaphore, #tpu.memory_space<semaphore_mem>>)
    %dma_wait3A_21 = arith.constant 0 : i32
    %dma_wait3A_22 = tpu.memref_slice %arg2[%dma_wait3A_21] : memref<16777216xf32, #tpu.memory_space<hbm>> -> memref<16777216xf32, #tpu.memory_space<hbm>>
    tpu.wait_indirect_dma semaphore(%arg11 : memref<!tpu.dma_semaphore, #tpu.memory_space<semaphore_mem>>) src(%dma_wait3A_22 : memref<16777216xf32, #tpu.memory_space<hbm>>) dst(%arg7 : memref<8192xf32, #tpu.memory_space<vmem>>)
    %add3A_23 = arith.constant 0 : i32
    %add3A_24 = arith.addi %mul3A_2, %add3A_23 : i32
    %dma_start3A_25 = tpu.memref_slice %arg4[%add3A_24] : memref<1572864xf32, #tpu.memory_space<hbm>> -> memref<8192xf32, #tpu.memory_space<hbm>>
    %dma_start3A_26 = tpu.memref_slice %arg4[%add3A_24] : memref<1572864xf32, #tpu.memory_space<hbm>> -> memref<8192xf32, #tpu.memory_space<hbm>>
    tpu.enqueue_dma source(%arg7 : memref<8192xf32, #tpu.memory_space<vmem>>) target(%dma_start3A_26 : memref<8192xf32, #tpu.memory_space<hbm>>) target_semaphore(%arg13 : memref<!tpu.dma_semaphore, #tpu.memory_space<semaphore_mem>>)
    %add3A_27 = arith.constant 16384 : i32
    %add3A_28 = arith.addi %mul3A_2, %add3A_27 : i32
    %dma_start3A_29 = tpu.memref_slice %arg3[%add3A_28] : memref<1572864xi32, #tpu.memory_space<hbm>> -> memref<8192xi32, #tpu.memory_space<hbm>>
    %dma_start3A_30 = tpu.memref_slice %arg3[%add3A_28] : memref<1572864xi32, #tpu.memory_space<hbm>> -> memref<8192xi32, #tpu.memory_space<hbm>>
    tpu.enqueue_dma source(%dma_start3A_30 : memref<8192xi32, #tpu.memory_space<hbm>>) target(%arg5 : memref<8192xi32, #tpu.memory_space<vmem>>) target_semaphore(%arg9 : memref<!tpu.dma_semaphore, #tpu.memory_space<semaphore_mem>>)
    %dma_wait3A_31 = arith.constant 0 : i32
    %dma_wait3A_32 = tpu.memref_slice %arg2[%dma_wait3A_31] : memref<16777216xf32, #tpu.memory_space<hbm>> -> memref<16777216xf32, #tpu.memory_space<hbm>>
    tpu.wait_indirect_dma semaphore(%arg12 : memref<!tpu.dma_semaphore, #tpu.memory_space<semaphore_mem>>) src(%dma_wait3A_32 : memref<16777216xf32, #tpu.memory_space<hbm>>) dst(%arg8 : memref<8192xf32, #tpu.memory_space<vmem>>)
    %add3A_33 = arith.constant 8192 : i32
    %add3A_34 = arith.addi %mul3A_2, %add3A_33 : i32
    %dma_start3A_35 = tpu.memref_slice %arg4[%add3A_34] : memref<1572864xf32, #tpu.memory_space<hbm>> -> memref<8192xf32, #tpu.memory_space<hbm>>
    %dma_start3A_36 = tpu.memref_slice %arg4[%add3A_34] : memref<1572864xf32, #tpu.memory_space<hbm>> -> memref<8192xf32, #tpu.memory_space<hbm>>
    tpu.enqueue_dma source(%arg8 : memref<8192xf32, #tpu.memory_space<vmem>>) target(%dma_start3A_36 : memref<8192xf32, #tpu.memory_space<hbm>>) target_semaphore(%arg14 : memref<!tpu.dma_semaphore, #tpu.memory_space<semaphore_mem>>)
    %add3A_37 = arith.constant 24576 : i32
    %add3A_38 = arith.addi %mul3A_2, %add3A_37 : i32
    %dma_start3A_39 = tpu.memref_slice %arg3[%add3A_38] : memref<1572864xi32, #tpu.memory_space<hbm>> -> memref<8192xi32, #tpu.memory_space<hbm>>
    %dma_start3A_40 = tpu.memref_slice %arg3[%add3A_38] : memref<1572864xi32, #tpu.memory_space<hbm>> -> memref<8192xi32, #tpu.memory_space<hbm>>
    tpu.enqueue_dma source(%dma_start3A_40 : memref<8192xi32, #tpu.memory_space<hbm>>) target(%arg6 : memref<8192xi32, #tpu.memory_space<vmem>>) target_semaphore(%arg10 : memref<!tpu.dma_semaphore, #tpu.memory_space<semaphore_mem>>)
    %scan3A = arith.constant 0 : i32
    %scan3A_41 = arith.constant 1 : i32
    %mul3A_42 = arith.constant 2 : i32
    %mul3A_43 = arith.muli %mul3A_42, %scan3A_41 : i32
    %add3A_44 = arith.constant 0 : i32
    %add3A_45 = arith.addi %mul3A_2, %add3A_44 : i32
    %dma_wait3A_46 = tpu.memref_slice %arg3[%add3A_45] : memref<1572864xi32, #tpu.memory_space<hbm>> -> memref<8192xi32, #tpu.memory_space<hbm>>
    %dma_wait3A_47 = tpu.memref_slice %arg3[%add3A_45] : memref<1572864xi32, #tpu.memory_space<hbm>> -> memref<8192xi32, #tpu.memory_space<hbm>>
    tpu.wait_dma2 semaphore(%arg9 : memref<!tpu.dma_semaphore, #tpu.memory_space<semaphore_mem>>) src(%dma_wait3A_47 : memref<8192xi32, #tpu.memory_space<hbm>>) dst(%arg5 : memref<8192xi32, #tpu.memory_space<vmem>>)
    %add3A_48 = arith.constant 0 : i32
    %add3A_49 = arith.addi %mul3A_2, %add3A_48 : i32
    %dma_wait3A_50 = tpu.memref_slice %arg4[%add3A_49] : memref<1572864xf32, #tpu.memory_space<hbm>> -> memref<8192xf32, #tpu.memory_space<hbm>>
    %dma_wait3A_51 = tpu.memref_slice %arg4[%add3A_49] : memref<1572864xf32, #tpu.memory_space<hbm>> -> memref<8192xf32, #tpu.memory_space<hbm>>
    tpu.wait_dma2 semaphore(%arg13 : memref<!tpu.dma_semaphore, #tpu.memory_space<semaphore_mem>>) src(%arg7 : memref<8192xf32, #tpu.memory_space<vmem>>) dst(%dma_wait3A_51 : memref<8192xf32, #tpu.memory_space<hbm>>)
    %dma_start3A_52 = arith.constant 0 : i32
    %dma_start3A_53 = tpu.memref_slice %arg2[%dma_start3A_52] : memref<16777216xf32, #tpu.memory_space<hbm>> -> memref<16777216xf32, #tpu.memory_space<hbm>>
    tpu.enqueue_indirect_dma source(%dma_start3A_53 : memref<16777216xf32, #tpu.memory_space<hbm>>) target(%arg7 : memref<8192xf32, #tpu.memory_space<vmem>>) offsets(%arg5 : memref<8192xi32, #tpu.memory_space<vmem>>) semaphore(%arg11 : memref<!tpu.dma_semaphore, #tpu.memory_space<semaphore_mem>>)
    %add3A_54 = arith.constant 0 : i32
    %add3A_55 = arith.addi %mul3A_2, %add3A_54 : i32
    %dma_wait3A_56 = tpu.memref_slice %arg3[%add3A_55] : memref<1572864xi32, #tpu.memory_space<hbm>> -> memref<8192xi32, #tpu.memory_space<hbm>>
    %dma_wait3A_57 = tpu.memref_slice %arg3[%add3A_55] : memref<1572864xi32, #tpu.memory_space<hbm>> -> memref<8192xi32, #tpu.memory_space<hbm>>
    tpu.wait_dma2 semaphore(%arg10 : memref<!tpu.dma_semaphore, #tpu.memory_space<semaphore_mem>>) src(%dma_wait3A_57 : memref<8192xi32, #tpu.memory_space<hbm>>) dst(%arg6 : memref<8192xi32, #tpu.memory_space<vmem>>)
    %add3A_58 = arith.constant 0 : i32
    %add3A_59 = arith.addi %mul3A_2, %add3A_58 : i32
    %dma_wait3A_60 = tpu.memref_slice %arg4[%add3A_59] : memref<1572864xf32, #tpu.memory_space<hbm>> -> memref<8192xf32, #tpu.memory_space<hbm>>
    %dma_wait3A_61 = tpu.memref_slice %arg4[%add3A_59] : memref<1572864xf32, #tpu.memory_space<hbm>> -> memref<8192xf32, #tpu.memory_space<hbm>>
    tpu.wait_dma2 semaphore(%arg14 : memref<!tpu.dma_semaphore, #tpu.memory_space<semaphore_mem>>) src(%arg8 : memref<8192xf32, #tpu.memory_space<vmem>>) dst(%dma_wait3A_61 : memref<8192xf32, #tpu.memory_space<hbm>>)
    %dma_start3A_62 = arith.constant 0 : i32
    %dma_start3A_63 = tpu.memref_slice %arg2[%dma_start3A_62] : memref<16777216xf32, #tpu.memory_space<hbm>> -> memref<16777216xf32, #tpu.memory_space<hbm>>
    tpu.enqueue_indirect_dma source(%dma_start3A_63 : memref<16777216xf32, #tpu.memory_space<hbm>>) target(%arg8 : memref<8192xf32, #tpu.memory_space<vmem>>) offsets(%arg6 : memref<8192xi32, #tpu.memory_space<vmem>>) semaphore(%arg12 : memref<!tpu.dma_semaphore, #tpu.memory_space<semaphore_mem>>)
    %dma_wait3A_64 = arith.constant 0 : i32
    %dma_wait3A_65 = tpu.memref_slice %arg2[%dma_wait3A_64] : memref<16777216xf32, #tpu.memory_space<hbm>> -> memref<16777216xf32, #tpu.memory_space<hbm>>
    tpu.wait_indirect_dma semaphore(%arg11 : memref<!tpu.dma_semaphore, #tpu.memory_space<semaphore_mem>>) src(%dma_wait3A_65 : memref<16777216xf32, #tpu.memory_space<hbm>>) dst(%arg7 : memref<8192xf32, #tpu.memory_space<vmem>>)
    %add3A_66 = arith.constant 0 : i32
    %add3A_67 = arith.addi %mul3A_43, %add3A_66 : i32
    %mul3A_68 = arith.constant 8192 : i32
    %mul3A_69 = arith.muli %add3A_67, %mul3A_68 : i32
    %add3A_70 = arith.addi %mul3A_2, %mul3A_69 : i32
    %dma_start3A_71 = tpu.memref_slice %arg4[%add3A_70] : memref<1572864xf32, #tpu.memory_space<hbm>> -> memref<8192xf32, #tpu.memory_space<hbm>>
    %dma_start3A_72 = tpu.memref_slice %arg4[%add3A_70] : memref<1572864xf32, #tpu.memory_space<hbm>> -> memref<8192xf32, #tpu.memory_space<hbm>>
    tpu.enqueue_dma source(%arg7 : memref<8192xf32, #tpu.memory_space<vmem>>) target(%dma_start3A_72 : memref<8192xf32, #tpu.memory_space<hbm>>) target_semaphore(%arg13 : memref<!tpu.dma_semaphore, #tpu.memory_space<semaphore_mem>>)
    %add3A_73 = arith.constant 0 : i32
    %add3A_74 = arith.addi %mul3A_43, %add3A_73 : i32
    %add3A_75 = arith.constant 2 : i32
    %add3A_76 = arith.addi %add3A_74, %add3A_75 : i32
    %mul3A_77 = arith.constant 8192 : i32
    %mul3A_78 = arith.muli %add3A_76, %mul3A_77 : i32
    %add3A_79 = arith.addi %mul3A_2, %mul3A_78 : i32
    %dma_start3A_80 = tpu.memref_slice %arg3[%add3A_79] : memref<1572864xi32, #tpu.memory_space<hbm>> -> memref<8192xi32, #tpu.memory_space<hbm>>
    %dma_start3A_81 = tpu.memref_slice %arg3[%add3A_79] : memref<1572864xi32, #tpu.memory_space<hbm>> -> memref<8192xi32, #tpu.memory_space<hbm>>
    tpu.enqueue_dma source(%dma_start3A_81 : memref<8192xi32, #tpu.memory_space<hbm>>) target(%arg5 : memref<8192xi32, #tpu.memory_space<vmem>>) target_semaphore(%arg9 : memref<!tpu.dma_semaphore, #tpu.memory_space<semaphore_mem>>)
    %dma_wait3A_82 = arith.constant 0 : i32
    %dma_wait3A_83 = tpu.memref_slice %arg2[%dma_wait3A_82] : memref<16777216xf32, #tpu.memory_space<hbm>> -> memref<16777216xf32, #tpu.memory_space<hbm>>
    tpu.wait_indirect_dma semaphore(%arg12 : memref<!tpu.dma_semaphore, #tpu.memory_space<semaphore_mem>>) src(%dma_wait3A_83 : memref<16777216xf32, #tpu.memory_space<hbm>>) dst(%arg8 : memref<8192xf32, #tpu.memory_space<vmem>>)
    %add3A_84 = arith.constant 1 : i32
    %add3A_85 = arith.addi %mul3A_43, %add3A_84 : i32
    %mul3A_86 = arith.constant 8192 : i32
    %mul3A_87 = arith.muli %add3A_85, %mul3A_86 : i32
    %add3A_88 = arith.addi %mul3A_2, %mul3A_87 : i32
    %dma_start3A_89 = tpu.memref_slice %arg4[%add3A_88] : memref<1572864xf32, #tpu.memory_space<hbm>> -> memref<8192xf32, #tpu.memory_space<hbm>>
    %dma_start3A_90 = tpu.memref_slice %arg4[%add3A_88] : memref<1572864xf32, #tpu.memory_space<hbm>> -> memref<8192xf32, #tpu.memory_space<hbm>>
    tpu.enqueue_dma source(%arg8 : memref<8192xf32, #tpu.memory_space<vmem>>) target(%dma_start3A_90 : memref<8192xf32, #tpu.memory_space<hbm>>) target_semaphore(%arg14 : memref<!tpu.dma_semaphore, #tpu.memory_space<semaphore_mem>>)
    %add3A_91 = arith.constant 1 : i32
    %add3A_92 = arith.addi %mul3A_43, %add3A_91 : i32
    %add3A_93 = arith.constant 2 : i32
    %add3A_94 = arith.addi %add3A_92, %add3A_93 : i32
    %mul3A_95 = arith.constant 8192 : i32
    %mul3A_96 = arith.muli %add3A_94, %mul3A_95 : i32
    %add3A_97 = arith.addi %mul3A_2, %mul3A_96 : i32
    %dma_start3A_98 = tpu.memref_slice %arg3[%add3A_97] : memref<1572864xi32, #tpu.memory_space<hbm>> -> memref<8192xi32, #tpu.memory_space<hbm>>
    %dma_start3A_99 = tpu.memref_slice %arg3[%add3A_97] : memref<1572864xi32, #tpu.memory_space<hbm>> -> memref<8192xi32, #tpu.memory_space<hbm>>
    tpu.enqueue_dma source(%dma_start3A_99 : memref<8192xi32, #tpu.memory_space<hbm>>) target(%arg6 : memref<8192xi32, #tpu.memory_space<vmem>>) target_semaphore(%arg10 : memref<!tpu.dma_semaphore, #tpu.memory_space<semaphore_mem>>)
    %scan3A_100 = arith.constant 1 : i32
    %add3A_101 = arith.constant 0 : i32
    %add3A_102 = arith.addi %mul3A_2, %add3A_101 : i32
    %dma_wait3A_103 = tpu.memref_slice %arg3[%add3A_102] : memref<1572864xi32, #tpu.memory_space<hbm>> -> memref<8192xi32, #tpu.memory_space<hbm>>
    %dma_wait3A_104 = tpu.memref_slice %arg3[%add3A_102] : memref<1572864xi32, #tpu.memory_space<hbm>> -> memref<8192xi32, #tpu.memory_space<hbm>>
    tpu.wait_dma2 semaphore(%arg9 : memref<!tpu.dma_semaphore, #tpu.memory_space<semaphore_mem>>) src(%dma_wait3A_104 : memref<8192xi32, #tpu.memory_space<hbm>>) dst(%arg5 : memref<8192xi32, #tpu.memory_space<vmem>>)
    %add3A_105 = arith.constant 0 : i32
    %add3A_106 = arith.addi %mul3A_2, %add3A_105 : i32
    %dma_wait3A_107 = tpu.memref_slice %arg4[%add3A_106] : memref<1572864xf32, #tpu.memory_space<hbm>> -> memref<8192xf32, #tpu.memory_space<hbm>>
    %dma_wait3A_108 = tpu.memref_slice %arg4[%add3A_106] : memref<1572864xf32, #tpu.memory_space<hbm>> -> memref<8192xf32, #tpu.memory_space<hbm>>
    tpu.wait_dma2 semaphore(%arg13 : memref<!tpu.dma_semaphore, #tpu.memory_space<semaphore_mem>>) src(%arg7 : memref<8192xf32, #tpu.memory_space<vmem>>) dst(%dma_wait3A_108 : memref<8192xf32, #tpu.memory_space<hbm>>)
    %dma_start3A_109 = arith.constant 0 : i32
    %dma_start3A_110 = tpu.memref_slice %arg2[%dma_start3A_109] : memref<16777216xf32, #tpu.memory_space<hbm>> -> memref<16777216xf32, #tpu.memory_space<hbm>>
    tpu.enqueue_indirect_dma source(%dma_start3A_110 : memref<16777216xf32, #tpu.memory_space<hbm>>) target(%arg7 : memref<8192xf32, #tpu.memory_space<vmem>>) offsets(%arg5 : memref<8192xi32, #tpu.memory_space<vmem>>) semaphore(%arg11 : memref<!tpu.dma_semaphore, #tpu.memory_space<semaphore_mem>>)
    %add3A_111 = arith.constant 0 : i32
    %add3A_112 = arith.addi %mul3A_2, %add3A_111 : i32
    %dma_wait3A_113 = tpu.memref_slice %arg3[%add3A_112] : memref<1572864xi32, #tpu.memory_space<hbm>> -> memref<8192xi32, #tpu.memory_space<hbm>>
    %dma_wait3A_114 = tpu.memref_slice %arg3[%add3A_112] : memref<1572864xi32, #tpu.memory_space<hbm>> -> memref<8192xi32, #tpu.memory_space<hbm>>
    tpu.wait_dma2 semaphore(%arg10 : memref<!tpu.dma_semaphore, #tpu.memory_space<semaphore_mem>>) src(%dma_wait3A_114 : memref<8192xi32, #tpu.memory_space<hbm>>) dst(%arg6 : memref<8192xi32, #tpu.memory_space<vmem>>)
    %add3A_115 = arith.constant 0 : i32
    %add3A_116 = arith.addi %mul3A_2, %add3A_115 : i32
    %dma_wait3A_117 = tpu.memref_slice %arg4[%add3A_116] : memref<1572864xf32, #tpu.memory_space<hbm>> -> memref<8192xf32, #tpu.memory_space<hbm>>
    %dma_wait3A_118 = tpu.memref_slice %arg4[%add3A_116] : memref<1572864xf32, #tpu.memory_space<hbm>> -> memref<8192xf32, #tpu.memory_space<hbm>>
    tpu.wait_dma2 semaphore(%arg14 : memref<!tpu.dma_semaphore, #tpu.memory_space<semaphore_mem>>) src(%arg8 : memref<8192xf32, #tpu.memory_space<vmem>>) dst(%dma_wait3A_118 : memref<8192xf32, #tpu.memory_space<hbm>>)
    %dma_start3A_119 = arith.constant 0 : i32
    %dma_start3A_120 = tpu.memref_slice %arg2[%dma_start3A_119] : memref<16777216xf32, #tpu.memory_space<hbm>> -> memref<16777216xf32, #tpu.memory_space<hbm>>
    tpu.enqueue_indirect_dma source(%dma_start3A_120 : memref<16777216xf32, #tpu.memory_space<hbm>>) target(%arg8 : memref<8192xf32, #tpu.memory_space<vmem>>) offsets(%arg6 : memref<8192xi32, #tpu.memory_space<vmem>>) semaphore(%arg12 : memref<!tpu.dma_semaphore, #tpu.memory_space<semaphore_mem>>)
    %dma_wait3A_121 = arith.constant 0 : i32
    %dma_wait3A_122 = tpu.memref_slice %arg2[%dma_wait3A_121] : memref<16777216xf32, #tpu.memory_space<hbm>> -> memref<16777216xf32, #tpu.memory_space<hbm>>
    tpu.wait_indirect_dma semaphore(%arg11 : memref<!tpu.dma_semaphore, #tpu.memory_space<semaphore_mem>>) src(%dma_wait3A_122 : memref<16777216xf32, #tpu.memory_space<hbm>>) dst(%arg7 : memref<8192xf32, #tpu.memory_space<vmem>>)
    %add3A_123 = arith.constant 32768 : i32
    %add3A_124 = arith.addi %mul3A_2, %add3A_123 : i32
    %dma_start3A_125 = tpu.memref_slice %arg4[%add3A_124] : memref<1572864xf32, #tpu.memory_space<hbm>> -> memref<8192xf32, #tpu.memory_space<hbm>>
    %dma_start3A_126 = tpu.memref_slice %arg4[%add3A_124] : memref<1572864xf32, #tpu.memory_space<hbm>> -> memref<8192xf32, #tpu.memory_space<hbm>>
    tpu.enqueue_dma source(%arg7 : memref<8192xf32, #tpu.memory_space<vmem>>) target(%dma_start3A_126 : memref<8192xf32, #tpu.memory_space<hbm>>) target_semaphore(%arg13 : memref<!tpu.dma_semaphore, #tpu.memory_space<semaphore_mem>>)
    %dma_wait3A_127 = arith.constant 0 : i32
    %dma_wait3A_128 = tpu.memref_slice %arg2[%dma_wait3A_127] : memref<16777216xf32, #tpu.memory_space<hbm>> -> memref<16777216xf32, #tpu.memory_space<hbm>>
    tpu.wait_indirect_dma semaphore(%arg12 : memref<!tpu.dma_semaphore, #tpu.memory_space<semaphore_mem>>) src(%dma_wait3A_128 : memref<16777216xf32, #tpu.memory_space<hbm>>) dst(%arg8 : memref<8192xf32, #tpu.memory_space<vmem>>)
    %add3A_129 = arith.constant 40960 : i32
    %add3A_130 = arith.addi %mul3A_2, %add3A_129 : i32
    %dma_start3A_131 = tpu.memref_slice %arg4[%add3A_130] : memref<1572864xf32, #tpu.memory_space<hbm>> -> memref<8192xf32, #tpu.memory_space<hbm>>
    %dma_start3A_132 = tpu.memref_slice %arg4[%add3A_130] : memref<1572864xf32, #tpu.memory_space<hbm>> -> memref<8192xf32, #tpu.memory_space<hbm>>
    tpu.enqueue_dma source(%arg8 : memref<8192xf32, #tpu.memory_space<vmem>>) target(%dma_start3A_132 : memref<8192xf32, #tpu.memory_space<hbm>>) target_semaphore(%arg14 : memref<!tpu.dma_semaphore, #tpu.memory_space<semaphore_mem>>)
    %add3A_133 = arith.constant 0 : i32
    %add3A_134 = arith.addi %mul3A_2, %add3A_133 : i32
    %dma_wait3A_135 = tpu.memref_slice %arg4[%add3A_134] : memref<1572864xf32, #tpu.memory_space<hbm>> -> memref<8192xf32, #tpu.memory_space<hbm>>
    %dma_wait3A_136 = tpu.memref_slice %arg4[%add3A_134] : memref<1572864xf32, #tpu.memory_space<hbm>> -> memref<8192xf32, #tpu.memory_space<hbm>>
    tpu.wait_dma2 semaphore(%arg13 : memref<!tpu.dma_semaphore, #tpu.memory_space<semaphore_mem>>) src(%arg7 : memref<8192xf32, #tpu.memory_space<vmem>>) dst(%dma_wait3A_136 : memref<8192xf32, #tpu.memory_space<hbm>>)
    %add3A_137 = arith.constant 0 : i32
    %add3A_138 = arith.addi %mul3A_2, %add3A_137 : i32
    %dma_wait3A_139 = tpu.memref_slice %arg4[%add3A_138] : memref<1572864xf32, #tpu.memory_space<hbm>> -> memref<8192xf32, #tpu.memory_space<hbm>>
    %dma_wait3A_140 = tpu.memref_slice %arg4[%add3A_138] : memref<1572864xf32, #tpu.memory_space<hbm>> -> memref<8192xf32, #tpu.memory_space<hbm>>
    tpu.wait_dma2 semaphore(%arg14 : memref<!tpu.dma_semaphore, #tpu.memory_space<semaphore_mem>>) src(%arg8 : memref<8192xf32, #tpu.memory_space<vmem>>) dst(%dma_wait3A_140 : memref<8192xf32, #tpu.memory_space<hbm>>)
    return
  }
}

#map = affine_map<(d0, d1) -> (0)>
module attributes {stable_mosaic.version = 14 : i64} {
  func.func @gather_k(%arg0: i32, %arg1: i32, %arg2: memref<16777216xf32, #tpu.memory_space<hbm>>, %arg3: memref<1048576xi32, #tpu.memory_space<hbm>>, %arg4: memref<1048576xf32, #tpu.memory_space<hbm>>, %arg5: memref<8192xi32, #tpu.memory_space<vmem>>, %arg6: memref<8192xi32, #tpu.memory_space<vmem>>, %arg7: memref<8192xf32, #tpu.memory_space<vmem>>, %arg8: memref<8192xf32, #tpu.memory_space<vmem>>, %arg9: memref<!tpu.dma_semaphore, #tpu.memory_space<semaphore_mem>>, %arg10: memref<!tpu.dma_semaphore, #tpu.memory_space<semaphore_mem>>, %arg11: memref<!tpu.dma_semaphore, #tpu.memory_space<semaphore_mem>>, %arg12: memref<!tpu.dma_semaphore, #tpu.memory_space<semaphore_mem>>, %arg13: memref<!tpu.dma_semaphore, #tpu.memory_space<semaphore_mem>>, %arg14: memref<!tpu.dma_semaphore, #tpu.memory_space<semaphore_mem>>) attributes {dimension_semantics = [#tpu.dimension_semantics<core_parallel>, #tpu.dimension_semantics<subcore_parallel>], iteration_bounds = array<i64: 2, 16>, scalar_prefetch = 0 : i64, scratch_operands = 10 : i64, tpu.core_type = #tpu.core_type<sc_vector_subcore>, window_params = [{transform_indices = #map}, {transform_indices = #map}, {transform_indices = #map}]} {
    %mul3A = arith.constant 2 : i32
    %mul3A_0 = arith.muli %arg1, %mul3A : i32
    %add3A = arith.addi %mul3A_0, %arg0 : i32
    %mul3A_1 = arith.constant 32768 : i32
    %mul3A_2 = arith.muli %add3A, %mul3A_1 : i32
    %add3A_3 = arith.constant 0 : i32
    %add3A_4 = arith.addi %mul3A_2, %add3A_3 : i32
    %dma_start3A = tpu.memref_slice %arg3[%add3A_4] : memref<1048576xi32, #tpu.memory_space<hbm>> -> memref<8192xi32, #tpu.memory_space<hbm>>
    %dma_start3A_5 = tpu.memref_slice %arg3[%add3A_4] : memref<1048576xi32, #tpu.memory_space<hbm>> -> memref<8192xi32, #tpu.memory_space<hbm>>
    tpu.enqueue_dma source(%dma_start3A_5 : memref<8192xi32, #tpu.memory_space<hbm>>) target(%arg5 : memref<8192xi32, #tpu.memory_space<vmem>>) target_semaphore(%arg9 : memref<!tpu.dma_semaphore, #tpu.memory_space<semaphore_mem>>)
    %add3A_6 = arith.constant 8192 : i32
    %add3A_7 = arith.addi %mul3A_2, %add3A_6 : i32
    %dma_start3A_8 = tpu.memref_slice %arg3[%add3A_7] : memref<1048576xi32, #tpu.memory_space<hbm>> -> memref<8192xi32, #tpu.memory_space<hbm>>
    %dma_start3A_9 = tpu.memref_slice %arg3[%add3A_7] : memref<1048576xi32, #tpu.memory_space<hbm>> -> memref<8192xi32, #tpu.memory_space<hbm>>
    tpu.enqueue_dma source(%dma_start3A_9 : memref<8192xi32, #tpu.memory_space<hbm>>) target(%arg6 : memref<8192xi32, #tpu.memory_space<vmem>>) target_semaphore(%arg10 : memref<!tpu.dma_semaphore, #tpu.memory_space<semaphore_mem>>)
    %add3A_10 = arith.constant 0 : i32
    %add3A_11 = arith.addi %mul3A_2, %add3A_10 : i32
    %dma_wait3A = tpu.memref_slice %arg3[%add3A_11] : memref<1048576xi32, #tpu.memory_space<hbm>> -> memref<8192xi32, #tpu.memory_space<hbm>>
    %dma_wait3A_12 = tpu.memref_slice %arg3[%add3A_11] : memref<1048576xi32, #tpu.memory_space<hbm>> -> memref<8192xi32, #tpu.memory_space<hbm>>
    tpu.wait_dma2 semaphore(%arg9 : memref<!tpu.dma_semaphore, #tpu.memory_space<semaphore_mem>>) src(%dma_wait3A_12 : memref<8192xi32, #tpu.memory_space<hbm>>) dst(%arg5 : memref<8192xi32, #tpu.memory_space<vmem>>)
    %dma_start3A_13 = arith.constant 0 : i32
    %dma_start3A_14 = tpu.memref_slice %arg2[%dma_start3A_13] : memref<16777216xf32, #tpu.memory_space<hbm>> -> memref<16777216xf32, #tpu.memory_space<hbm>>
    tpu.enqueue_indirect_dma source(%dma_start3A_14 : memref<16777216xf32, #tpu.memory_space<hbm>>) target(%arg7 : memref<8192xf32, #tpu.memory_space<vmem>>) offsets(%arg5 : memref<8192xi32, #tpu.memory_space<vmem>>) semaphore(%arg11 : memref<!tpu.dma_semaphore, #tpu.memory_space<semaphore_mem>>)
    %add3A_15 = arith.constant 0 : i32
    %add3A_16 = arith.addi %mul3A_2, %add3A_15 : i32
    %dma_wait3A_17 = tpu.memref_slice %arg3[%add3A_16] : memref<1048576xi32, #tpu.memory_space<hbm>> -> memref<8192xi32, #tpu.memory_space<hbm>>
    %dma_wait3A_18 = tpu.memref_slice %arg3[%add3A_16] : memref<1048576xi32, #tpu.memory_space<hbm>> -> memref<8192xi32, #tpu.memory_space<hbm>>
    tpu.wait_dma2 semaphore(%arg10 : memref<!tpu.dma_semaphore, #tpu.memory_space<semaphore_mem>>) src(%dma_wait3A_18 : memref<8192xi32, #tpu.memory_space<hbm>>) dst(%arg6 : memref<8192xi32, #tpu.memory_space<vmem>>)
    %dma_start3A_19 = arith.constant 0 : i32
    %dma_start3A_20 = tpu.memref_slice %arg2[%dma_start3A_19] : memref<16777216xf32, #tpu.memory_space<hbm>> -> memref<16777216xf32, #tpu.memory_space<hbm>>
    tpu.enqueue_indirect_dma source(%dma_start3A_20 : memref<16777216xf32, #tpu.memory_space<hbm>>) target(%arg8 : memref<8192xf32, #tpu.memory_space<vmem>>) offsets(%arg6 : memref<8192xi32, #tpu.memory_space<vmem>>) semaphore(%arg12 : memref<!tpu.dma_semaphore, #tpu.memory_space<semaphore_mem>>)
    %dma_wait3A_21 = arith.constant 0 : i32
    %dma_wait3A_22 = tpu.memref_slice %arg2[%dma_wait3A_21] : memref<16777216xf32, #tpu.memory_space<hbm>> -> memref<16777216xf32, #tpu.memory_space<hbm>>
    tpu.wait_indirect_dma semaphore(%arg11 : memref<!tpu.dma_semaphore, #tpu.memory_space<semaphore_mem>>) src(%dma_wait3A_22 : memref<16777216xf32, #tpu.memory_space<hbm>>) dst(%arg7 : memref<8192xf32, #tpu.memory_space<vmem>>)
    %add3A_23 = arith.constant 0 : i32
    %add3A_24 = arith.addi %mul3A_2, %add3A_23 : i32
    %dma_start3A_25 = tpu.memref_slice %arg4[%add3A_24] : memref<1048576xf32, #tpu.memory_space<hbm>> -> memref<8192xf32, #tpu.memory_space<hbm>>
    %dma_start3A_26 = tpu.memref_slice %arg4[%add3A_24] : memref<1048576xf32, #tpu.memory_space<hbm>> -> memref<8192xf32, #tpu.memory_space<hbm>>
    tpu.enqueue_dma source(%arg7 : memref<8192xf32, #tpu.memory_space<vmem>>) target(%dma_start3A_26 : memref<8192xf32, #tpu.memory_space<hbm>>) target_semaphore(%arg13 : memref<!tpu.dma_semaphore, #tpu.memory_space<semaphore_mem>>)
    %add3A_27 = arith.constant 16384 : i32
    %add3A_28 = arith.addi %mul3A_2, %add3A_27 : i32
    %dma_start3A_29 = tpu.memref_slice %arg3[%add3A_28] : memref<1048576xi32, #tpu.memory_space<hbm>> -> memref<8192xi32, #tpu.memory_space<hbm>>
    %dma_start3A_30 = tpu.memref_slice %arg3[%add3A_28] : memref<1048576xi32, #tpu.memory_space<hbm>> -> memref<8192xi32, #tpu.memory_space<hbm>>
    tpu.enqueue_dma source(%dma_start3A_30 : memref<8192xi32, #tpu.memory_space<hbm>>) target(%arg5 : memref<8192xi32, #tpu.memory_space<vmem>>) target_semaphore(%arg9 : memref<!tpu.dma_semaphore, #tpu.memory_space<semaphore_mem>>)
    %dma_wait3A_31 = arith.constant 0 : i32
    %dma_wait3A_32 = tpu.memref_slice %arg2[%dma_wait3A_31] : memref<16777216xf32, #tpu.memory_space<hbm>> -> memref<16777216xf32, #tpu.memory_space<hbm>>
    tpu.wait_indirect_dma semaphore(%arg12 : memref<!tpu.dma_semaphore, #tpu.memory_space<semaphore_mem>>) src(%dma_wait3A_32 : memref<16777216xf32, #tpu.memory_space<hbm>>) dst(%arg8 : memref<8192xf32, #tpu.memory_space<vmem>>)
    %add3A_33 = arith.constant 8192 : i32
    %add3A_34 = arith.addi %mul3A_2, %add3A_33 : i32
    %dma_start3A_35 = tpu.memref_slice %arg4[%add3A_34] : memref<1048576xf32, #tpu.memory_space<hbm>> -> memref<8192xf32, #tpu.memory_space<hbm>>
    %dma_start3A_36 = tpu.memref_slice %arg4[%add3A_34] : memref<1048576xf32, #tpu.memory_space<hbm>> -> memref<8192xf32, #tpu.memory_space<hbm>>
    tpu.enqueue_dma source(%arg8 : memref<8192xf32, #tpu.memory_space<vmem>>) target(%dma_start3A_36 : memref<8192xf32, #tpu.memory_space<hbm>>) target_semaphore(%arg14 : memref<!tpu.dma_semaphore, #tpu.memory_space<semaphore_mem>>)
    %add3A_37 = arith.constant 24576 : i32
    %add3A_38 = arith.addi %mul3A_2, %add3A_37 : i32
    %dma_start3A_39 = tpu.memref_slice %arg3[%add3A_38] : memref<1048576xi32, #tpu.memory_space<hbm>> -> memref<8192xi32, #tpu.memory_space<hbm>>
    %dma_start3A_40 = tpu.memref_slice %arg3[%add3A_38] : memref<1048576xi32, #tpu.memory_space<hbm>> -> memref<8192xi32, #tpu.memory_space<hbm>>
    tpu.enqueue_dma source(%dma_start3A_40 : memref<8192xi32, #tpu.memory_space<hbm>>) target(%arg6 : memref<8192xi32, #tpu.memory_space<vmem>>) target_semaphore(%arg10 : memref<!tpu.dma_semaphore, #tpu.memory_space<semaphore_mem>>)
    %scan3A = arith.constant 0 : i32
    %scan3A_41 = arith.constant 1 : i32
    %scan3A_42 = arith.constant 0 : i32
    %scan3A_43 = arith.addi %scan3A_41, %scan3A_42 : i32
    %scan3A_44 = arith.constant 0 : i32
    %add3A_45 = arith.constant 0 : i32
    %add3A_46 = arith.addi %mul3A_2, %add3A_45 : i32
    %dma_wait3A_47 = tpu.memref_slice %arg3[%add3A_46] : memref<1048576xi32, #tpu.memory_space<hbm>> -> memref<8192xi32, #tpu.memory_space<hbm>>
    %dma_wait3A_48 = tpu.memref_slice %arg3[%add3A_46] : memref<1048576xi32, #tpu.memory_space<hbm>> -> memref<8192xi32, #tpu.memory_space<hbm>>
    tpu.wait_dma2 semaphore(%arg9 : memref<!tpu.dma_semaphore, #tpu.memory_space<semaphore_mem>>) src(%dma_wait3A_48 : memref<8192xi32, #tpu.memory_space<hbm>>) dst(%arg5 : memref<8192xi32, #tpu.memory_space<vmem>>)
    %add3A_49 = arith.constant 0 : i32
    %add3A_50 = arith.addi %mul3A_2, %add3A_49 : i32
    %dma_wait3A_51 = tpu.memref_slice %arg4[%add3A_50] : memref<1048576xf32, #tpu.memory_space<hbm>> -> memref<8192xf32, #tpu.memory_space<hbm>>
    %dma_wait3A_52 = tpu.memref_slice %arg4[%add3A_50] : memref<1048576xf32, #tpu.memory_space<hbm>> -> memref<8192xf32, #tpu.memory_space<hbm>>
    tpu.wait_dma2 semaphore(%arg13 : memref<!tpu.dma_semaphore, #tpu.memory_space<semaphore_mem>>) src(%arg7 : memref<8192xf32, #tpu.memory_space<vmem>>) dst(%dma_wait3A_52 : memref<8192xf32, #tpu.memory_space<hbm>>)
    %dma_start3A_53 = arith.constant 0 : i32
    %dma_start3A_54 = tpu.memref_slice %arg2[%dma_start3A_53] : memref<16777216xf32, #tpu.memory_space<hbm>> -> memref<16777216xf32, #tpu.memory_space<hbm>>
    tpu.enqueue_indirect_dma source(%dma_start3A_54 : memref<16777216xf32, #tpu.memory_space<hbm>>) target(%arg7 : memref<8192xf32, #tpu.memory_space<vmem>>) offsets(%arg5 : memref<8192xi32, #tpu.memory_space<vmem>>) semaphore(%arg11 : memref<!tpu.dma_semaphore, #tpu.memory_space<semaphore_mem>>)
    %add3A_55 = arith.constant 0 : i32
    %add3A_56 = arith.addi %mul3A_2, %add3A_55 : i32
    %dma_wait3A_57 = tpu.memref_slice %arg3[%add3A_56] : memref<1048576xi32, #tpu.memory_space<hbm>> -> memref<8192xi32, #tpu.memory_space<hbm>>
    %dma_wait3A_58 = tpu.memref_slice %arg3[%add3A_56] : memref<1048576xi32, #tpu.memory_space<hbm>> -> memref<8192xi32, #tpu.memory_space<hbm>>
    tpu.wait_dma2 semaphore(%arg10 : memref<!tpu.dma_semaphore, #tpu.memory_space<semaphore_mem>>) src(%dma_wait3A_58 : memref<8192xi32, #tpu.memory_space<hbm>>) dst(%arg6 : memref<8192xi32, #tpu.memory_space<vmem>>)
    %add3A_59 = arith.constant 0 : i32
    %add3A_60 = arith.addi %mul3A_2, %add3A_59 : i32
    %dma_wait3A_61 = tpu.memref_slice %arg4[%add3A_60] : memref<1048576xf32, #tpu.memory_space<hbm>> -> memref<8192xf32, #tpu.memory_space<hbm>>
    %dma_wait3A_62 = tpu.memref_slice %arg4[%add3A_60] : memref<1048576xf32, #tpu.memory_space<hbm>> -> memref<8192xf32, #tpu.memory_space<hbm>>
    tpu.wait_dma2 semaphore(%arg14 : memref<!tpu.dma_semaphore, #tpu.memory_space<semaphore_mem>>) src(%arg8 : memref<8192xf32, #tpu.memory_space<vmem>>) dst(%dma_wait3A_62 : memref<8192xf32, #tpu.memory_space<hbm>>)
    %dma_start3A_63 = arith.constant 0 : i32
    %dma_start3A_64 = tpu.memref_slice %arg2[%dma_start3A_63] : memref<16777216xf32, #tpu.memory_space<hbm>> -> memref<16777216xf32, #tpu.memory_space<hbm>>
    tpu.enqueue_indirect_dma source(%dma_start3A_64 : memref<16777216xf32, #tpu.memory_space<hbm>>) target(%arg8 : memref<8192xf32, #tpu.memory_space<vmem>>) offsets(%arg6 : memref<8192xi32, #tpu.memory_space<vmem>>) semaphore(%arg12 : memref<!tpu.dma_semaphore, #tpu.memory_space<semaphore_mem>>)
    %dma_wait3A_65 = arith.constant 0 : i32
    %dma_wait3A_66 = tpu.memref_slice %arg2[%dma_wait3A_65] : memref<16777216xf32, #tpu.memory_space<hbm>> -> memref<16777216xf32, #tpu.memory_space<hbm>>
    tpu.wait_indirect_dma semaphore(%arg11 : memref<!tpu.dma_semaphore, #tpu.memory_space<semaphore_mem>>) src(%dma_wait3A_66 : memref<16777216xf32, #tpu.memory_space<hbm>>) dst(%arg7 : memref<8192xf32, #tpu.memory_space<vmem>>)
    %add3A_67 = arith.constant 16384 : i32
    %add3A_68 = arith.addi %mul3A_2, %add3A_67 : i32
    %dma_start3A_69 = tpu.memref_slice %arg4[%add3A_68] : memref<1048576xf32, #tpu.memory_space<hbm>> -> memref<8192xf32, #tpu.memory_space<hbm>>
    %dma_start3A_70 = tpu.memref_slice %arg4[%add3A_68] : memref<1048576xf32, #tpu.memory_space<hbm>> -> memref<8192xf32, #tpu.memory_space<hbm>>
    tpu.enqueue_dma source(%arg7 : memref<8192xf32, #tpu.memory_space<vmem>>) target(%dma_start3A_70 : memref<8192xf32, #tpu.memory_space<hbm>>) target_semaphore(%arg13 : memref<!tpu.dma_semaphore, #tpu.memory_space<semaphore_mem>>)
    %dma_wait3A_71 = arith.constant 0 : i32
    %dma_wait3A_72 = tpu.memref_slice %arg2[%dma_wait3A_71] : memref<16777216xf32, #tpu.memory_space<hbm>> -> memref<16777216xf32, #tpu.memory_space<hbm>>
    tpu.wait_indirect_dma semaphore(%arg12 : memref<!tpu.dma_semaphore, #tpu.memory_space<semaphore_mem>>) src(%dma_wait3A_72 : memref<16777216xf32, #tpu.memory_space<hbm>>) dst(%arg8 : memref<8192xf32, #tpu.memory_space<vmem>>)
    %add3A_73 = arith.constant 24576 : i32
    %add3A_74 = arith.addi %mul3A_2, %add3A_73 : i32
    %dma_start3A_75 = tpu.memref_slice %arg4[%add3A_74] : memref<1048576xf32, #tpu.memory_space<hbm>> -> memref<8192xf32, #tpu.memory_space<hbm>>
    %dma_start3A_76 = tpu.memref_slice %arg4[%add3A_74] : memref<1048576xf32, #tpu.memory_space<hbm>> -> memref<8192xf32, #tpu.memory_space<hbm>>
    tpu.enqueue_dma source(%arg8 : memref<8192xf32, #tpu.memory_space<vmem>>) target(%dma_start3A_76 : memref<8192xf32, #tpu.memory_space<hbm>>) target_semaphore(%arg14 : memref<!tpu.dma_semaphore, #tpu.memory_space<semaphore_mem>>)
    %add3A_77 = arith.constant 0 : i32
    %add3A_78 = arith.addi %mul3A_2, %add3A_77 : i32
    %dma_wait3A_79 = tpu.memref_slice %arg4[%add3A_78] : memref<1048576xf32, #tpu.memory_space<hbm>> -> memref<8192xf32, #tpu.memory_space<hbm>>
    %dma_wait3A_80 = tpu.memref_slice %arg4[%add3A_78] : memref<1048576xf32, #tpu.memory_space<hbm>> -> memref<8192xf32, #tpu.memory_space<hbm>>
    tpu.wait_dma2 semaphore(%arg13 : memref<!tpu.dma_semaphore, #tpu.memory_space<semaphore_mem>>) src(%arg7 : memref<8192xf32, #tpu.memory_space<vmem>>) dst(%dma_wait3A_80 : memref<8192xf32, #tpu.memory_space<hbm>>)
    %add3A_81 = arith.constant 0 : i32
    %add3A_82 = arith.addi %mul3A_2, %add3A_81 : i32
    %dma_wait3A_83 = tpu.memref_slice %arg4[%add3A_82] : memref<1048576xf32, #tpu.memory_space<hbm>> -> memref<8192xf32, #tpu.memory_space<hbm>>
    %dma_wait3A_84 = tpu.memref_slice %arg4[%add3A_82] : memref<1048576xf32, #tpu.memory_space<hbm>> -> memref<8192xf32, #tpu.memory_space<hbm>>
    tpu.wait_dma2 semaphore(%arg14 : memref<!tpu.dma_semaphore, #tpu.memory_space<semaphore_mem>>) src(%arg8 : memref<8192xf32, #tpu.memory_space<vmem>>) dst(%dma_wait3A_84 : memref<8192xf32, #tpu.memory_space<hbm>>)
    return
  }
}

#map = affine_map<(d0, d1) -> (0)>
module attributes {stable_mosaic.version = 14 : i64} {
  func.func @gather_k(%arg0: i32, %arg1: i32, %arg2: memref<16777216xf32, #tpu.memory_space<hbm>>, %arg3: memref<1572864xi32, #tpu.memory_space<hbm>>, %arg4: memref<1572864xf32, #tpu.memory_space<hbm>>, %arg5: memref<8192xi32, #tpu.memory_space<vmem>>, %arg6: memref<8192xi32, #tpu.memory_space<vmem>>, %arg7: memref<8192xf32, #tpu.memory_space<vmem>>, %arg8: memref<8192xf32, #tpu.memory_space<vmem>>, %arg9: memref<!tpu.dma_semaphore, #tpu.memory_space<semaphore_mem>>, %arg10: memref<!tpu.dma_semaphore, #tpu.memory_space<semaphore_mem>>, %arg11: memref<!tpu.dma_semaphore, #tpu.memory_space<semaphore_mem>>, %arg12: memref<!tpu.dma_semaphore, #tpu.memory_space<semaphore_mem>>, %arg13: memref<!tpu.dma_semaphore, #tpu.memory_space<semaphore_mem>>, %arg14: memref<!tpu.dma_semaphore, #tpu.memory_space<semaphore_mem>>) attributes {dimension_semantics = [#tpu.dimension_semantics<core_parallel>, #tpu.dimension_semantics<subcore_parallel>], iteration_bounds = array<i64: 2, 16>, scalar_prefetch = 0 : i64, scratch_operands = 10 : i64, tpu.core_type = #tpu.core_type<sc_vector_subcore>, window_params = [{transform_indices = #map}, {transform_indices = #map}, {transform_indices = #map}]} {
    %mul3A = arith.constant 2 : i32
    %mul3A_0 = arith.muli %arg1, %mul3A : i32
    %add3A = arith.addi %mul3A_0, %arg0 : i32
    %mul3A_1 = arith.constant 49152 : i32
    %mul3A_2 = arith.muli %add3A, %mul3A_1 : i32
    %add3A_3 = arith.constant 0 : i32
    %add3A_4 = arith.addi %mul3A_2, %add3A_3 : i32
    %dma_start3A = tpu.memref_slice %arg3[%add3A_4] : memref<1572864xi32, #tpu.memory_space<hbm>> -> memref<8192xi32, #tpu.memory_space<hbm>>
    %dma_start3A_5 = tpu.memref_slice %arg3[%add3A_4] : memref<1572864xi32, #tpu.memory_space<hbm>> -> memref<8192xi32, #tpu.memory_space<hbm>>
    tpu.enqueue_dma source(%dma_start3A_5 : memref<8192xi32, #tpu.memory_space<hbm>>) target(%arg5 : memref<8192xi32, #tpu.memory_space<vmem>>) target_semaphore(%arg9 : memref<!tpu.dma_semaphore, #tpu.memory_space<semaphore_mem>>)
    %add3A_6 = arith.constant 8192 : i32
    %add3A_7 = arith.addi %mul3A_2, %add3A_6 : i32
    %dma_start3A_8 = tpu.memref_slice %arg3[%add3A_7] : memref<1572864xi32, #tpu.memory_space<hbm>> -> memref<8192xi32, #tpu.memory_space<hbm>>
    %dma_start3A_9 = tpu.memref_slice %arg3[%add3A_7] : memref<1572864xi32, #tpu.memory_space<hbm>> -> memref<8192xi32, #tpu.memory_space<hbm>>
    tpu.enqueue_dma source(%dma_start3A_9 : memref<8192xi32, #tpu.memory_space<hbm>>) target(%arg6 : memref<8192xi32, #tpu.memory_space<vmem>>) target_semaphore(%arg10 : memref<!tpu.dma_semaphore, #tpu.memory_space<semaphore_mem>>)
    %add3A_10 = arith.constant 0 : i32
    %add3A_11 = arith.addi %mul3A_2, %add3A_10 : i32
    %dma_wait3A = tpu.memref_slice %arg3[%add3A_11] : memref<1572864xi32, #tpu.memory_space<hbm>> -> memref<8192xi32, #tpu.memory_space<hbm>>
    %dma_wait3A_12 = tpu.memref_slice %arg3[%add3A_11] : memref<1572864xi32, #tpu.memory_space<hbm>> -> memref<8192xi32, #tpu.memory_space<hbm>>
    tpu.wait_dma2 semaphore(%arg9 : memref<!tpu.dma_semaphore, #tpu.memory_space<semaphore_mem>>) src(%dma_wait3A_12 : memref<8192xi32, #tpu.memory_space<hbm>>) dst(%arg5 : memref<8192xi32, #tpu.memory_space<vmem>>)
    %dma_start3A_13 = arith.constant 0 : i32
    %dma_start3A_14 = tpu.memref_slice %arg2[%dma_start3A_13] : memref<16777216xf32, #tpu.memory_space<hbm>> -> memref<16777216xf32, #tpu.memory_space<hbm>>
    tpu.enqueue_indirect_dma source(%dma_start3A_14 : memref<16777216xf32, #tpu.memory_space<hbm>>) target(%arg7 : memref<8192xf32, #tpu.memory_space<vmem>>) offsets(%arg5 : memref<8192xi32, #tpu.memory_space<vmem>>) semaphore(%arg11 : memref<!tpu.dma_semaphore, #tpu.memory_space<semaphore_mem>>)
    %add3A_15 = arith.constant 0 : i32
    %add3A_16 = arith.addi %mul3A_2, %add3A_15 : i32
    %dma_wait3A_17 = tpu.memref_slice %arg3[%add3A_16] : memref<1572864xi32, #tpu.memory_space<hbm>> -> memref<8192xi32, #tpu.memory_space<hbm>>
    %dma_wait3A_18 = tpu.memref_slice %arg3[%add3A_16] : memref<1572864xi32, #tpu.memory_space<hbm>> -> memref<8192xi32, #tpu.memory_space<hbm>>
    tpu.wait_dma2 semaphore(%arg10 : memref<!tpu.dma_semaphore, #tpu.memory_space<semaphore_mem>>) src(%dma_wait3A_18 : memref<8192xi32, #tpu.memory_space<hbm>>) dst(%arg6 : memref<8192xi32, #tpu.memory_space<vmem>>)
    %dma_start3A_19 = arith.constant 0 : i32
    %dma_start3A_20 = tpu.memref_slice %arg2[%dma_start3A_19] : memref<16777216xf32, #tpu.memory_space<hbm>> -> memref<16777216xf32, #tpu.memory_space<hbm>>
    tpu.enqueue_indirect_dma source(%dma_start3A_20 : memref<16777216xf32, #tpu.memory_space<hbm>>) target(%arg8 : memref<8192xf32, #tpu.memory_space<vmem>>) offsets(%arg6 : memref<8192xi32, #tpu.memory_space<vmem>>) semaphore(%arg12 : memref<!tpu.dma_semaphore, #tpu.memory_space<semaphore_mem>>)
    %dma_wait3A_21 = arith.constant 0 : i32
    %dma_wait3A_22 = tpu.memref_slice %arg2[%dma_wait3A_21] : memref<16777216xf32, #tpu.memory_space<hbm>> -> memref<16777216xf32, #tpu.memory_space<hbm>>
    tpu.wait_indirect_dma semaphore(%arg11 : memref<!tpu.dma_semaphore, #tpu.memory_space<semaphore_mem>>) src(%dma_wait3A_22 : memref<16777216xf32, #tpu.memory_space<hbm>>) dst(%arg7 : memref<8192xf32, #tpu.memory_space<vmem>>)
    %add3A_23 = arith.constant 0 : i32
    %add3A_24 = arith.addi %mul3A_2, %add3A_23 : i32
    %dma_start3A_25 = tpu.memref_slice %arg4[%add3A_24] : memref<1572864xf32, #tpu.memory_space<hbm>> -> memref<8192xf32, #tpu.memory_space<hbm>>
    %dma_start3A_26 = tpu.memref_slice %arg4[%add3A_24] : memref<1572864xf32, #tpu.memory_space<hbm>> -> memref<8192xf32, #tpu.memory_space<hbm>>
    tpu.enqueue_dma source(%arg7 : memref<8192xf32, #tpu.memory_space<vmem>>) target(%dma_start3A_26 : memref<8192xf32, #tpu.memory_space<hbm>>) target_semaphore(%arg13 : memref<!tpu.dma_semaphore, #tpu.memory_space<semaphore_mem>>)
    %add3A_27 = arith.constant 16384 : i32
    %add3A_28 = arith.addi %mul3A_2, %add3A_27 : i32
    %dma_start3A_29 = tpu.memref_slice %arg3[%add3A_28] : memref<1572864xi32, #tpu.memory_space<hbm>> -> memref<8192xi32, #tpu.memory_space<hbm>>
    %dma_start3A_30 = tpu.memref_slice %arg3[%add3A_28] : memref<1572864xi32, #tpu.memory_space<hbm>> -> memref<8192xi32, #tpu.memory_space<hbm>>
    tpu.enqueue_dma source(%dma_start3A_30 : memref<8192xi32, #tpu.memory_space<hbm>>) target(%arg5 : memref<8192xi32, #tpu.memory_space<vmem>>) target_semaphore(%arg9 : memref<!tpu.dma_semaphore, #tpu.memory_space<semaphore_mem>>)
    %dma_wait3A_31 = arith.constant 0 : i32
    %dma_wait3A_32 = tpu.memref_slice %arg2[%dma_wait3A_31] : memref<16777216xf32, #tpu.memory_space<hbm>> -> memref<16777216xf32, #tpu.memory_space<hbm>>
    tpu.wait_indirect_dma semaphore(%arg12 : memref<!tpu.dma_semaphore, #tpu.memory_space<semaphore_mem>>) src(%dma_wait3A_32 : memref<16777216xf32, #tpu.memory_space<hbm>>) dst(%arg8 : memref<8192xf32, #tpu.memory_space<vmem>>)
    %add3A_33 = arith.constant 8192 : i32
    %add3A_34 = arith.addi %mul3A_2, %add3A_33 : i32
    %dma_start3A_35 = tpu.memref_slice %arg4[%add3A_34] : memref<1572864xf32, #tpu.memory_space<hbm>> -> memref<8192xf32, #tpu.memory_space<hbm>>
    %dma_start3A_36 = tpu.memref_slice %arg4[%add3A_34] : memref<1572864xf32, #tpu.memory_space<hbm>> -> memref<8192xf32, #tpu.memory_space<hbm>>
    tpu.enqueue_dma source(%arg8 : memref<8192xf32, #tpu.memory_space<vmem>>) target(%dma_start3A_36 : memref<8192xf32, #tpu.memory_space<hbm>>) target_semaphore(%arg14 : memref<!tpu.dma_semaphore, #tpu.memory_space<semaphore_mem>>)
    %add3A_37 = arith.constant 24576 : i32
    %add3A_38 = arith.addi %mul3A_2, %add3A_37 : i32
    %dma_start3A_39 = tpu.memref_slice %arg3[%add3A_38] : memref<1572864xi32, #tpu.memory_space<hbm>> -> memref<8192xi32, #tpu.memory_space<hbm>>
    %dma_start3A_40 = tpu.memref_slice %arg3[%add3A_38] : memref<1572864xi32, #tpu.memory_space<hbm>> -> memref<8192xi32, #tpu.memory_space<hbm>>
    tpu.enqueue_dma source(%dma_start3A_40 : memref<8192xi32, #tpu.memory_space<hbm>>) target(%arg6 : memref<8192xi32, #tpu.memory_space<vmem>>) target_semaphore(%arg10 : memref<!tpu.dma_semaphore, #tpu.memory_space<semaphore_mem>>)
    %scan3A = arith.constant 0 : i32
    %scan3A_41 = arith.constant 1 : i32
    %mul3A_42 = arith.constant 2 : i32
    %mul3A_43 = arith.muli %mul3A_42, %scan3A_41 : i32
    %add3A_44 = arith.constant 0 : i32
    %add3A_45 = arith.addi %mul3A_2, %add3A_44 : i32
    %dma_wait3A_46 = tpu.memref_slice %arg3[%add3A_45] : memref<1572864xi32, #tpu.memory_space<hbm>> -> memref<8192xi32, #tpu.memory_space<hbm>>
    %dma_wait3A_47 = tpu.memref_slice %arg3[%add3A_45] : memref<1572864xi32, #tpu.memory_space<hbm>> -> memref<8192xi32, #tpu.memory_space<hbm>>
    tpu.wait_dma2 semaphore(%arg9 : memref<!tpu.dma_semaphore, #tpu.memory_space<semaphore_mem>>) src(%dma_wait3A_47 : memref<8192xi32, #tpu.memory_space<hbm>>) dst(%arg5 : memref<8192xi32, #tpu.memory_space<vmem>>)
    %add3A_48 = arith.constant 0 : i32
    %add3A_49 = arith.addi %mul3A_2, %add3A_48 : i32
    %dma_wait3A_50 = tpu.memref_slice %arg4[%add3A_49] : memref<1572864xf32, #tpu.memory_space<hbm>> -> memref<8192xf32, #tpu.memory_space<hbm>>
    %dma_wait3A_51 = tpu.memref_slice %arg4[%add3A_49] : memref<1572864xf32, #tpu.memory_space<hbm>> -> memref<8192xf32, #tpu.memory_space<hbm>>
    tpu.wait_dma2 semaphore(%arg13 : memref<!tpu.dma_semaphore, #tpu.memory_space<semaphore_mem>>) src(%arg7 : memref<8192xf32, #tpu.memory_space<vmem>>) dst(%dma_wait3A_51 : memref<8192xf32, #tpu.memory_space<hbm>>)
    %dma_start3A_52 = arith.constant 0 : i32
    %dma_start3A_53 = tpu.memref_slice %arg2[%dma_start3A_52] : memref<16777216xf32, #tpu.memory_space<hbm>> -> memref<16777216xf32, #tpu.memory_space<hbm>>
    tpu.enqueue_indirect_dma source(%dma_start3A_53 : memref<16777216xf32, #tpu.memory_space<hbm>>) target(%arg7 : memref<8192xf32, #tpu.memory_space<vmem>>) offsets(%arg5 : memref<8192xi32, #tpu.memory_space<vmem>>) semaphore(%arg11 : memref<!tpu.dma_semaphore, #tpu.memory_space<semaphore_mem>>)
    %add3A_54 = arith.constant 0 : i32
    %add3A_55 = arith.addi %mul3A_2, %add3A_54 : i32
    %dma_wait3A_56 = tpu.memref_slice %arg3[%add3A_55] : memref<1572864xi32, #tpu.memory_space<hbm>> -> memref<8192xi32, #tpu.memory_space<hbm>>
    %dma_wait3A_57 = tpu.memref_slice %arg3[%add3A_55] : memref<1572864xi32, #tpu.memory_space<hbm>> -> memref<8192xi32, #tpu.memory_space<hbm>>
    tpu.wait_dma2 semaphore(%arg10 : memref<!tpu.dma_semaphore, #tpu.memory_space<semaphore_mem>>) src(%dma_wait3A_57 : memref<8192xi32, #tpu.memory_space<hbm>>) dst(%arg6 : memref<8192xi32, #tpu.memory_space<vmem>>)
    %add3A_58 = arith.constant 0 : i32
    %add3A_59 = arith.addi %mul3A_2, %add3A_58 : i32
    %dma_wait3A_60 = tpu.memref_slice %arg4[%add3A_59] : memref<1572864xf32, #tpu.memory_space<hbm>> -> memref<8192xf32, #tpu.memory_space<hbm>>
    %dma_wait3A_61 = tpu.memref_slice %arg4[%add3A_59] : memref<1572864xf32, #tpu.memory_space<hbm>> -> memref<8192xf32, #tpu.memory_space<hbm>>
    tpu.wait_dma2 semaphore(%arg14 : memref<!tpu.dma_semaphore, #tpu.memory_space<semaphore_mem>>) src(%arg8 : memref<8192xf32, #tpu.memory_space<vmem>>) dst(%dma_wait3A_61 : memref<8192xf32, #tpu.memory_space<hbm>>)
    %dma_start3A_62 = arith.constant 0 : i32
    %dma_start3A_63 = tpu.memref_slice %arg2[%dma_start3A_62] : memref<16777216xf32, #tpu.memory_space<hbm>> -> memref<16777216xf32, #tpu.memory_space<hbm>>
    tpu.enqueue_indirect_dma source(%dma_start3A_63 : memref<16777216xf32, #tpu.memory_space<hbm>>) target(%arg8 : memref<8192xf32, #tpu.memory_space<vmem>>) offsets(%arg6 : memref<8192xi32, #tpu.memory_space<vmem>>) semaphore(%arg12 : memref<!tpu.dma_semaphore, #tpu.memory_space<semaphore_mem>>)
    %dma_wait3A_64 = arith.constant 0 : i32
    %dma_wait3A_65 = tpu.memref_slice %arg2[%dma_wait3A_64] : memref<16777216xf32, #tpu.memory_space<hbm>> -> memref<16777216xf32, #tpu.memory_space<hbm>>
    tpu.wait_indirect_dma semaphore(%arg11 : memref<!tpu.dma_semaphore, #tpu.memory_space<semaphore_mem>>) src(%dma_wait3A_65 : memref<16777216xf32, #tpu.memory_space<hbm>>) dst(%arg7 : memref<8192xf32, #tpu.memory_space<vmem>>)
    %add3A_66 = arith.constant 0 : i32
    %add3A_67 = arith.addi %mul3A_43, %add3A_66 : i32
    %mul3A_68 = arith.constant 8192 : i32
    %mul3A_69 = arith.muli %add3A_67, %mul3A_68 : i32
    %add3A_70 = arith.addi %mul3A_2, %mul3A_69 : i32
    %dma_start3A_71 = tpu.memref_slice %arg4[%add3A_70] : memref<1572864xf32, #tpu.memory_space<hbm>> -> memref<8192xf32, #tpu.memory_space<hbm>>
    %dma_start3A_72 = tpu.memref_slice %arg4[%add3A_70] : memref<1572864xf32, #tpu.memory_space<hbm>> -> memref<8192xf32, #tpu.memory_space<hbm>>
    tpu.enqueue_dma source(%arg7 : memref<8192xf32, #tpu.memory_space<vmem>>) target(%dma_start3A_72 : memref<8192xf32, #tpu.memory_space<hbm>>) target_semaphore(%arg13 : memref<!tpu.dma_semaphore, #tpu.memory_space<semaphore_mem>>)
    %add3A_73 = arith.constant 0 : i32
    %add3A_74 = arith.addi %mul3A_43, %add3A_73 : i32
    %add3A_75 = arith.constant 2 : i32
    %add3A_76 = arith.addi %add3A_74, %add3A_75 : i32
    %mul3A_77 = arith.constant 8192 : i32
    %mul3A_78 = arith.muli %add3A_76, %mul3A_77 : i32
    %add3A_79 = arith.addi %mul3A_2, %mul3A_78 : i32
    %dma_start3A_80 = tpu.memref_slice %arg3[%add3A_79] : memref<1572864xi32, #tpu.memory_space<hbm>> -> memref<8192xi32, #tpu.memory_space<hbm>>
    %dma_start3A_81 = tpu.memref_slice %arg3[%add3A_79] : memref<1572864xi32, #tpu.memory_space<hbm>> -> memref<8192xi32, #tpu.memory_space<hbm>>
    tpu.enqueue_dma source(%dma_start3A_81 : memref<8192xi32, #tpu.memory_space<hbm>>) target(%arg5 : memref<8192xi32, #tpu.memory_space<vmem>>) target_semaphore(%arg9 : memref<!tpu.dma_semaphore, #tpu.memory_space<semaphore_mem>>)
    %dma_wait3A_82 = arith.constant 0 : i32
    %dma_wait3A_83 = tpu.memref_slice %arg2[%dma_wait3A_82] : memref<16777216xf32, #tpu.memory_space<hbm>> -> memref<16777216xf32, #tpu.memory_space<hbm>>
    tpu.wait_indirect_dma semaphore(%arg12 : memref<!tpu.dma_semaphore, #tpu.memory_space<semaphore_mem>>) src(%dma_wait3A_83 : memref<16777216xf32, #tpu.memory_space<hbm>>) dst(%arg8 : memref<8192xf32, #tpu.memory_space<vmem>>)
    %add3A_84 = arith.constant 1 : i32
    %add3A_85 = arith.addi %mul3A_43, %add3A_84 : i32
    %mul3A_86 = arith.constant 8192 : i32
    %mul3A_87 = arith.muli %add3A_85, %mul3A_86 : i32
    %add3A_88 = arith.addi %mul3A_2, %mul3A_87 : i32
    %dma_start3A_89 = tpu.memref_slice %arg4[%add3A_88] : memref<1572864xf32, #tpu.memory_space<hbm>> -> memref<8192xf32, #tpu.memory_space<hbm>>
    %dma_start3A_90 = tpu.memref_slice %arg4[%add3A_88] : memref<1572864xf32, #tpu.memory_space<hbm>> -> memref<8192xf32, #tpu.memory_space<hbm>>
    tpu.enqueue_dma source(%arg8 : memref<8192xf32, #tpu.memory_space<vmem>>) target(%dma_start3A_90 : memref<8192xf32, #tpu.memory_space<hbm>>) target_semaphore(%arg14 : memref<!tpu.dma_semaphore, #tpu.memory_space<semaphore_mem>>)
    %add3A_91 = arith.constant 1 : i32
    %add3A_92 = arith.addi %mul3A_43, %add3A_91 : i32
    %add3A_93 = arith.constant 2 : i32
    %add3A_94 = arith.addi %add3A_92, %add3A_93 : i32
    %mul3A_95 = arith.constant 8192 : i32
    %mul3A_96 = arith.muli %add3A_94, %mul3A_95 : i32
    %add3A_97 = arith.addi %mul3A_2, %mul3A_96 : i32
    %dma_start3A_98 = tpu.memref_slice %arg3[%add3A_97] : memref<1572864xi32, #tpu.memory_space<hbm>> -> memref<8192xi32, #tpu.memory_space<hbm>>
    %dma_start3A_99 = tpu.memref_slice %arg3[%add3A_97] : memref<1572864xi32, #tpu.memory_space<hbm>> -> memref<8192xi32, #tpu.memory_space<hbm>>
    tpu.enqueue_dma source(%dma_start3A_99 : memref<8192xi32, #tpu.memory_space<hbm>>) target(%arg6 : memref<8192xi32, #tpu.memory_space<vmem>>) target_semaphore(%arg10 : memref<!tpu.dma_semaphore, #tpu.memory_space<semaphore_mem>>)
    %scan3A_100 = arith.constant 1 : i32
    %add3A_101 = arith.constant 0 : i32
    %add3A_102 = arith.addi %mul3A_2, %add3A_101 : i32
    %dma_wait3A_103 = tpu.memref_slice %arg3[%add3A_102] : memref<1572864xi32, #tpu.memory_space<hbm>> -> memref<8192xi32, #tpu.memory_space<hbm>>
    %dma_wait3A_104 = tpu.memref_slice %arg3[%add3A_102] : memref<1572864xi32, #tpu.memory_space<hbm>> -> memref<8192xi32, #tpu.memory_space<hbm>>
    tpu.wait_dma2 semaphore(%arg9 : memref<!tpu.dma_semaphore, #tpu.memory_space<semaphore_mem>>) src(%dma_wait3A_104 : memref<8192xi32, #tpu.memory_space<hbm>>) dst(%arg5 : memref<8192xi32, #tpu.memory_space<vmem>>)
    %add3A_105 = arith.constant 0 : i32
    %add3A_106 = arith.addi %mul3A_2, %add3A_105 : i32
    %dma_wait3A_107 = tpu.memref_slice %arg4[%add3A_106] : memref<1572864xf32, #tpu.memory_space<hbm>> -> memref<8192xf32, #tpu.memory_space<hbm>>
    %dma_wait3A_108 = tpu.memref_slice %arg4[%add3A_106] : memref<1572864xf32, #tpu.memory_space<hbm>> -> memref<8192xf32, #tpu.memory_space<hbm>>
    tpu.wait_dma2 semaphore(%arg13 : memref<!tpu.dma_semaphore, #tpu.memory_space<semaphore_mem>>) src(%arg7 : memref<8192xf32, #tpu.memory_space<vmem>>) dst(%dma_wait3A_108 : memref<8192xf32, #tpu.memory_space<hbm>>)
    %dma_start3A_109 = arith.constant 0 : i32
    %dma_start3A_110 = tpu.memref_slice %arg2[%dma_start3A_109] : memref<16777216xf32, #tpu.memory_space<hbm>> -> memref<16777216xf32, #tpu.memory_space<hbm>>
    tpu.enqueue_indirect_dma source(%dma_start3A_110 : memref<16777216xf32, #tpu.memory_space<hbm>>) target(%arg7 : memref<8192xf32, #tpu.memory_space<vmem>>) offsets(%arg5 : memref<8192xi32, #tpu.memory_space<vmem>>) semaphore(%arg11 : memref<!tpu.dma_semaphore, #tpu.memory_space<semaphore_mem>>)
    %add3A_111 = arith.constant 0 : i32
    %add3A_112 = arith.addi %mul3A_2, %add3A_111 : i32
    %dma_wait3A_113 = tpu.memref_slice %arg3[%add3A_112] : memref<1572864xi32, #tpu.memory_space<hbm>> -> memref<8192xi32, #tpu.memory_space<hbm>>
    %dma_wait3A_114 = tpu.memref_slice %arg3[%add3A_112] : memref<1572864xi32, #tpu.memory_space<hbm>> -> memref<8192xi32, #tpu.memory_space<hbm>>
    tpu.wait_dma2 semaphore(%arg10 : memref<!tpu.dma_semaphore, #tpu.memory_space<semaphore_mem>>) src(%dma_wait3A_114 : memref<8192xi32, #tpu.memory_space<hbm>>) dst(%arg6 : memref<8192xi32, #tpu.memory_space<vmem>>)
    %add3A_115 = arith.constant 0 : i32
    %add3A_116 = arith.addi %mul3A_2, %add3A_115 : i32
    %dma_wait3A_117 = tpu.memref_slice %arg4[%add3A_116] : memref<1572864xf32, #tpu.memory_space<hbm>> -> memref<8192xf32, #tpu.memory_space<hbm>>
    %dma_wait3A_118 = tpu.memref_slice %arg4[%add3A_116] : memref<1572864xf32, #tpu.memory_space<hbm>> -> memref<8192xf32, #tpu.memory_space<hbm>>
    tpu.wait_dma2 semaphore(%arg14 : memref<!tpu.dma_semaphore, #tpu.memory_space<semaphore_mem>>) src(%arg8 : memref<8192xf32, #tpu.memory_space<vmem>>) dst(%dma_wait3A_118 : memref<8192xf32, #tpu.memory_space<hbm>>)
    %dma_start3A_119 = arith.constant 0 : i32
    %dma_start3A_120 = tpu.memref_slice %arg2[%dma_start3A_119] : memref<16777216xf32, #tpu.memory_space<hbm>> -> memref<16777216xf32, #tpu.memory_space<hbm>>
    tpu.enqueue_indirect_dma source(%dma_start3A_120 : memref<16777216xf32, #tpu.memory_space<hbm>>) target(%arg8 : memref<8192xf32, #tpu.memory_space<vmem>>) offsets(%arg6 : memref<8192xi32, #tpu.memory_space<vmem>>) semaphore(%arg12 : memref<!tpu.dma_semaphore, #tpu.memory_space<semaphore_mem>>)
    %dma_wait3A_121 = arith.constant 0 : i32
    %dma_wait3A_122 = tpu.memref_slice %arg2[%dma_wait3A_121] : memref<16777216xf32, #tpu.memory_space<hbm>> -> memref<16777216xf32, #tpu.memory_space<hbm>>
    tpu.wait_indirect_dma semaphore(%arg11 : memref<!tpu.dma_semaphore, #tpu.memory_space<semaphore_mem>>) src(%dma_wait3A_122 : memref<16777216xf32, #tpu.memory_space<hbm>>) dst(%arg7 : memref<8192xf32, #tpu.memory_space<vmem>>)
    %add3A_123 = arith.constant 32768 : i32
    %add3A_124 = arith.addi %mul3A_2, %add3A_123 : i32
    %dma_start3A_125 = tpu.memref_slice %arg4[%add3A_124] : memref<1572864xf32, #tpu.memory_space<hbm>> -> memref<8192xf32, #tpu.memory_space<hbm>>
    %dma_start3A_126 = tpu.memref_slice %arg4[%add3A_124] : memref<1572864xf32, #tpu.memory_space<hbm>> -> memref<8192xf32, #tpu.memory_space<hbm>>
    tpu.enqueue_dma source(%arg7 : memref<8192xf32, #tpu.memory_space<vmem>>) target(%dma_start3A_126 : memref<8192xf32, #tpu.memory_space<hbm>>) target_semaphore(%arg13 : memref<!tpu.dma_semaphore, #tpu.memory_space<semaphore_mem>>)
    %dma_wait3A_127 = arith.constant 0 : i32
    %dma_wait3A_128 = tpu.memref_slice %arg2[%dma_wait3A_127] : memref<16777216xf32, #tpu.memory_space<hbm>> -> memref<16777216xf32, #tpu.memory_space<hbm>>
    tpu.wait_indirect_dma semaphore(%arg12 : memref<!tpu.dma_semaphore, #tpu.memory_space<semaphore_mem>>) src(%dma_wait3A_128 : memref<16777216xf32, #tpu.memory_space<hbm>>) dst(%arg8 : memref<8192xf32, #tpu.memory_space<vmem>>)
    %add3A_129 = arith.constant 40960 : i32
    %add3A_130 = arith.addi %mul3A_2, %add3A_129 : i32
    %dma_start3A_131 = tpu.memref_slice %arg4[%add3A_130] : memref<1572864xf32, #tpu.memory_space<hbm>> -> memref<8192xf32, #tpu.memory_space<hbm>>
    %dma_start3A_132 = tpu.memref_slice %arg4[%add3A_130] : memref<1572864xf32, #tpu.memory_space<hbm>> -> memref<8192xf32, #tpu.memory_space<hbm>>
    tpu.enqueue_dma source(%arg8 : memref<8192xf32, #tpu.memory_space<vmem>>) target(%dma_start3A_132 : memref<8192xf32, #tpu.memory_space<hbm>>) target_semaphore(%arg14 : memref<!tpu.dma_semaphore, #tpu.memory_space<semaphore_mem>>)
    %add3A_133 = arith.constant 0 : i32
    %add3A_134 = arith.addi %mul3A_2, %add3A_133 : i32
    %dma_wait3A_135 = tpu.memref_slice %arg4[%add3A_134] : memref<1572864xf32, #tpu.memory_space<hbm>> -> memref<8192xf32, #tpu.memory_space<hbm>>
    %dma_wait3A_136 = tpu.memref_slice %arg4[%add3A_134] : memref<1572864xf32, #tpu.memory_space<hbm>> -> memref<8192xf32, #tpu.memory_space<hbm>>
    tpu.wait_dma2 semaphore(%arg13 : memref<!tpu.dma_semaphore, #tpu.memory_space<semaphore_mem>>) src(%arg7 : memref<8192xf32, #tpu.memory_space<vmem>>) dst(%dma_wait3A_136 : memref<8192xf32, #tpu.memory_space<hbm>>)
    %add3A_137 = arith.constant 0 : i32
    %add3A_138 = arith.addi %mul3A_2, %add3A_137 : i32
    %dma_wait3A_139 = tpu.memref_slice %arg4[%add3A_138] : memref<1572864xf32, #tpu.memory_space<hbm>> -> memref<8192xf32, #tpu.memory_space<hbm>>
    %dma_wait3A_140 = tpu.memref_slice %arg4[%add3A_138] : memref<1572864xf32, #tpu.memory_space<hbm>> -> memref<8192xf32, #tpu.memory_space<hbm>>
    tpu.wait_dma2 semaphore(%arg14 : memref<!tpu.dma_semaphore, #tpu.memory_space<semaphore_mem>>) src(%arg8 : memref<8192xf32, #tpu.memory_space<vmem>>) dst(%dma_wait3A_140 : memref<8192xf32, #tpu.memory_space<hbm>>)
    return
  }
}

module attributes {stable_mosaic.version = 14 : i64} {
  func.func @_ray_kernel(%arg0: i32, %arg1: memref<1024x3xf32, #tpu.memory_space<vmem>>, %arg2: memref<1024x3xf32, #tpu.memory_space<vmem>>, %arg3: memref<1x128xf32, #tpu.memory_space<vmem>>, %arg4: memref<1x1xf32, #tpu.memory_space<vmem>>, %arg5: memref<1024x128xi32, #tpu.memory_space<vmem>>, %arg6: memref<1024x1xf32, #tpu.memory_space<vmem>>, %arg7: memref<1024x1xf32, #tpu.memory_space<vmem>>) attributes {dimension_semantics = [#tpu.dimension_semantics<arbitrary>], iteration_bounds = array<i64: 12>, scalar_prefetch = 0 : i64, scratch_operands = 0 : i64, tpu.core_type = #tpu.core_type<tc>, window_params = [{transform_indices = @transform_0, window_bounds = array<i64: 1024, 3>}, {transform_indices = @transform_1, window_bounds = array<i64: 1024, 3>}, {pipeline_mode = #tpu.pipeline_mode<synchronous>, transform_indices = @transform_2, window_bounds = array<i64: 1, 128>}, {pipeline_mode = #tpu.pipeline_mode<synchronous>, transform_indices = @transform_3, window_bounds = array<i64: 1, 1>}, {transform_indices = @transform_4, window_bounds = array<i64: 1024, 128>}, {transform_indices = @transform_5, window_bounds = array<i64: 1024, 1>}, {transform_indices = @transform_6, window_bounds = array<i64: 1024, 1>}]} {
    %get3A = arith.constant 0 : index
    %get3A_0 = arith.constant 0 : index
    %get3A_1 = vector.load %arg4[%get3A, %get3A_0] : memref<1x1xf32, #tpu.memory_space<vmem>>, vector<1x1xf32>
    %get3A_2 = vector.extract %get3A_1[0, 0] : f32 from vector<1x1xf32>
    %get3A_3 = arith.constant 0 : index
    %get3A_4 = arith.constant 0 : index
    %get3A_5 = vector.load %arg3[%get3A_3, %get3A_4] : memref<1x128xf32, #tpu.memory_space<vmem>>, vector<1x128xf32>
    %get3A_6 = arith.constant 0 : index
    %get3A_7 = arith.constant 0 : index
    %get3A_8 = vector.load %arg1[%get3A_6, %get3A_7] : memref<1024x3xf32, #tpu.memory_space<vmem>>, vector<1024x3xf32>
    %get3A_9 = arith.constant 0 : index
    %get3A_10 = arith.constant 0 : index
    %get3A_11 = vector.load %arg2[%get3A_9, %get3A_10] : memref<1024x3xf32, #tpu.memory_space<vmem>>, vector<1024x3xf32>
    %slice3A = vector.extract_strided_slice %get3A_8 {offsets = [0, 0], sizes = [1024, 1], strides = [1, 1]} : vector<1024x3xf32> to vector<1024x1xf32>
    %slice3A_12 = vector.extract_strided_slice %get3A_11 {offsets = [0, 0], sizes = [1024, 1], strides = [1, 1]} : vector<1024x3xf32> to vector<1024x1xf32>
    %add3A = arith.constant 1.000000e-15 : f32
    %add3A_13 = vector.broadcast %add3A : f32 to vector<1024x1xf32>
    %add3A_14 = arith.addf %slice3A_12, %add3A_13 : vector<1024x1xf32>
    %neg3A = arith.constant 0.000000e+00 : f32
    %neg3A_15 = arith.subf %neg3A, %get3A_2 : f32
    %sub3A = vector.broadcast %neg3A_15 : f32 to vector<1024x1xf32>
    %sub3A_16 = arith.subf %sub3A, %slice3A : vector<1024x1xf32>
    %div3A = arith.divf %sub3A_16, %add3A_14 : vector<1024x1xf32>
    %sub3A_17 = vector.broadcast %get3A_2 : f32 to vector<1024x1xf32>
    %sub3A_18 = arith.subf %sub3A_17, %slice3A : vector<1024x1xf32>
    %div3A_19 = arith.divf %sub3A_18, %add3A_14 : vector<1024x1xf32>
    %min3A = arith.minimumf %div3A, %div3A_19 : vector<1024x1xf32>
    %max3A = arith.maximumf %div3A, %div3A_19 : vector<1024x1xf32>
    %slice3A_20 = vector.extract_strided_slice %get3A_8 {offsets = [0, 1], sizes = [1024, 1], strides = [1, 1]} : vector<1024x3xf32> to vector<1024x1xf32>
    %slice3A_21 = vector.extract_strided_slice %get3A_11 {offsets = [0, 1], sizes = [1024, 1], strides = [1, 1]} : vector<1024x3xf32> to vector<1024x1xf32>
    %add3A_22 = arith.constant 1.000000e-15 : f32
    %add3A_23 = vector.broadcast %add3A_22 : f32 to vector<1024x1xf32>
    %add3A_24 = arith.addf %slice3A_21, %add3A_23 : vector<1024x1xf32>
    %neg3A_25 = arith.constant 0.000000e+00 : f32
    %neg3A_26 = arith.subf %neg3A_25, %get3A_2 : f32
    %sub3A_27 = vector.broadcast %neg3A_26 : f32 to vector<1024x1xf32>
    %sub3A_28 = arith.subf %sub3A_27, %slice3A_20 : vector<1024x1xf32>
    %div3A_29 = arith.divf %sub3A_28, %add3A_24 : vector<1024x1xf32>
    %sub3A_30 = vector.broadcast %get3A_2 : f32 to vector<1024x1xf32>
    %sub3A_31 = arith.subf %sub3A_30, %slice3A_20 : vector<1024x1xf32>
    %div3A_32 = arith.divf %sub3A_31, %add3A_24 : vector<1024x1xf32>
    %min3A_33 = arith.minimumf %div3A_29, %div3A_32 : vector<1024x1xf32>
    %max3A_34 = arith.maximumf %div3A_29, %div3A_32 : vector<1024x1xf32>
    %slice3A_35 = vector.extract_strided_slice %get3A_8 {offsets = [0, 2], sizes = [1024, 1], strides = [1, 1]} : vector<1024x3xf32> to vector<1024x1xf32>
    %slice3A_36 = vector.extract_strided_slice %get3A_11 {offsets = [0, 2], sizes = [1024, 1], strides = [1, 1]} : vector<1024x3xf32> to vector<1024x1xf32>
    %add3A_37 = arith.constant 1.000000e-15 : f32
    %add3A_38 = vector.broadcast %add3A_37 : f32 to vector<1024x1xf32>
    %add3A_39 = arith.addf %slice3A_36, %add3A_38 : vector<1024x1xf32>
    %neg3A_40 = arith.constant 0.000000e+00 : f32
    %neg3A_41 = arith.subf %neg3A_40, %get3A_2 : f32
    %sub3A_42 = vector.broadcast %neg3A_41 : f32 to vector<1024x1xf32>
    %sub3A_43 = arith.subf %sub3A_42, %slice3A_35 : vector<1024x1xf32>
    %div3A_44 = arith.divf %sub3A_43, %add3A_39 : vector<1024x1xf32>
    %sub3A_45 = vector.broadcast %get3A_2 : f32 to vector<1024x1xf32>
    %sub3A_46 = arith.subf %sub3A_45, %slice3A_35 : vector<1024x1xf32>
    %div3A_47 = arith.divf %sub3A_46, %add3A_39 : vector<1024x1xf32>
    %min3A_48 = arith.minimumf %div3A_44, %div3A_47 : vector<1024x1xf32>
    %max3A_49 = arith.maximumf %div3A_44, %div3A_47 : vector<1024x1xf32>
    %max3A_50 = arith.maximumf %min3A, %min3A_33 : vector<1024x1xf32>
    %max3A_51 = arith.maximumf %max3A_50, %min3A_48 : vector<1024x1xf32>
    %min3A_52 = arith.minimumf %max3A, %max3A_34 : vector<1024x1xf32>
    %min3A_53 = arith.minimumf %min3A_52, %max3A_49 : vector<1024x1xf32>
    %lt3A = arith.cmpf olt, %min3A_53, %max3A_51 : vector<1024x1xf32>
    %jit3A = arith.constant 1.000000e+09 : f32
    %broadcast_in_dim3A = vector.broadcast %jit3A : f32 to vector<1024x1xf32>
    %select_n3A = arith.select %lt3A, %broadcast_in_dim3A, %max3A_51 : vector<1024x1xi1>, vector<1024x1xf32>
    %jit3A_54 = arith.constant 1.000000e+09 : f32
    %broadcast_in_dim3A_55 = vector.broadcast %jit3A_54 : f32 to vector<1024x1xf32>
    %select_n3A_56 = arith.select %lt3A, %broadcast_in_dim3A_55, %min3A_53 : vector<1024x1xi1>, vector<1024x1xf32>
    %max3A_57 = arith.constant 5.000000e-02 : f32
    %max3A_58 = vector.broadcast %max3A_57 : f32 to vector<1024x1xf32>
    %max3A_59 = arith.maximumf %select_n3A, %max3A_58 : vector<1024x1xf32>
    %sub3A_60 = arith.subf %select_n3A_56, %max3A_59 : vector<1024x1xf32>
    %mul3A = vector.broadcast %sub3A_60 : vector<1024x1xf32> to vector<1024x128xf32>
    %mul3A_61 = vector.broadcast %get3A_5 : vector<1x128xf32> to vector<1024x128xf32>
    %mul3A_62 = arith.mulf %mul3A, %mul3A_61 : vector<1024x128xf32>
    %add3A_63 = vector.broadcast %max3A_59 : vector<1024x1xf32> to vector<1024x128xf32>
    %add3A_64 = arith.addf %add3A_63, %mul3A_62 : vector<1024x128xf32>
    %slice3A_65 = vector.extract_strided_slice %get3A_8 {offsets = [0, 0], sizes = [1024, 1], strides = [1, 1]} : vector<1024x3xf32> to vector<1024x1xf32>
    %slice3A_66 = vector.extract_strided_slice %get3A_11 {offsets = [0, 0], sizes = [1024, 1], strides = [1, 1]} : vector<1024x3xf32> to vector<1024x1xf32>
    %mul3A_67 = vector.broadcast %slice3A_66 : vector<1024x1xf32> to vector<1024x128xf32>
    %mul3A_68 = arith.mulf %mul3A_67, %add3A_64 : vector<1024x128xf32>
    %add3A_69 = vector.broadcast %slice3A_65 : vector<1024x1xf32> to vector<1024x128xf32>
    %add3A_70 = arith.addf %add3A_69, %mul3A_68 : vector<1024x128xf32>
    %add3A_71 = vector.broadcast %get3A_2 : f32 to vector<1024x128xf32>
    %add3A_72 = arith.addf %add3A_70, %add3A_71 : vector<1024x128xf32>
    %mul3A_73 = arith.constant 2.000000e+00 : f32
    %mul3A_74 = arith.mulf %mul3A_73, %get3A_2 : f32
    %div3A_75 = vector.broadcast %mul3A_74 : f32 to vector<1024x128xf32>
    %div3A_76 = arith.divf %add3A_72, %div3A_75 : vector<1024x128xf32>
    %mul3A_77 = arith.constant 2.560000e+02 : f32
    %mul3A_78 = vector.broadcast %mul3A_77 : f32 to vector<1024x128xf32>
    %mul3A_79 = arith.mulf %div3A_76, %mul3A_78 : vector<1024x128xf32>
    %floor3A = math.floor %mul3A_79 : vector<1024x128xf32>
    %jit3A_80 = arith.constant 0.000000e+00 : f32
    %jit3A_81 = arith.constant 255 : i32
    %max3A_82 = vector.broadcast %jit3A_80 : f32 to vector<1024x128xf32>
    %max3A_83 = arith.maximumf %max3A_82, %floor3A : vector<1024x128xf32>
    %convert_element_type3A = arith.sitofp %jit3A_81 : i32 to f32
    %min3A_84 = vector.broadcast %convert_element_type3A : f32 to vector<1024x128xf32>
    %min3A_85 = arith.minimumf %min3A_84, %max3A_83 : vector<1024x128xf32>
    %convert_element_type3A_86 = arith.fptosi %min3A_85 : vector<1024x128xf32> to vector<1024x128xi32>
    %slice3A_87 = vector.extract_strided_slice %get3A_8 {offsets = [0, 1], sizes = [1024, 1], strides = [1, 1]} : vector<1024x3xf32> to vector<1024x1xf32>
    %slice3A_88 = vector.extract_strided_slice %get3A_11 {offsets = [0, 1], sizes = [1024, 1], strides = [1, 1]} : vector<1024x3xf32> to vector<1024x1xf32>
    %mul3A_89 = vector.broadcast %slice3A_88 : vector<1024x1xf32> to vector<1024x128xf32>
    %mul3A_90 = arith.mulf %mul3A_89, %add3A_64 : vector<1024x128xf32>
    %add3A_91 = vector.broadcast %slice3A_87 : vector<1024x1xf32> to vector<1024x128xf32>
    %add3A_92 = arith.addf %add3A_91, %mul3A_90 : vector<1024x128xf32>
    %add3A_93 = vector.broadcast %get3A_2 : f32 to vector<1024x128xf32>
    %add3A_94 = arith.addf %add3A_92, %add3A_93 : vector<1024x128xf32>
    %mul3A_95 = arith.constant 2.000000e+00 : f32
    %mul3A_96 = arith.mulf %mul3A_95, %get3A_2 : f32
    %div3A_97 = vector.broadcast %mul3A_96 : f32 to vector<1024x128xf32>
    %div3A_98 = arith.divf %add3A_94, %div3A_97 : vector<1024x128xf32>
    %mul3A_99 = arith.constant 2.560000e+02 : f32
    %mul3A_100 = vector.broadcast %mul3A_99 : f32 to vector<1024x128xf32>
    %mul3A_101 = arith.mulf %div3A_98, %mul3A_100 : vector<1024x128xf32>
    %floor3A_102 = math.floor %mul3A_101 : vector<1024x128xf32>
    %jit3A_103 = arith.constant 0.000000e+00 : f32
    %jit3A_104 = arith.constant 255 : i32
    %max3A_105 = vector.broadcast %jit3A_103 : f32 to vector<1024x128xf32>
    %max3A_106 = arith.maximumf %max3A_105, %floor3A_102 : vector<1024x128xf32>
    %convert_element_type3A_107 = arith.sitofp %jit3A_104 : i32 to f32
    %min3A_108 = vector.broadcast %convert_element_type3A_107 : f32 to vector<1024x128xf32>
    %min3A_109 = arith.minimumf %min3A_108, %max3A_106 : vector<1024x128xf32>
    %convert_element_type3A_110 = arith.fptosi %min3A_109 : vector<1024x128xf32> to vector<1024x128xi32>
    %slice3A_111 = vector.extract_strided_slice %get3A_8 {offsets = [0, 2], sizes = [1024, 1], strides = [1, 1]} : vector<1024x3xf32> to vector<1024x1xf32>
    %slice3A_112 = vector.extract_strided_slice %get3A_11 {offsets = [0, 2], sizes = [1024, 1], strides = [1, 1]} : vector<1024x3xf32> to vector<1024x1xf32>
    %mul3A_113 = vector.broadcast %slice3A_112 : vector<1024x1xf32> to vector<1024x128xf32>
    %mul3A_114 = arith.mulf %mul3A_113, %add3A_64 : vector<1024x128xf32>
    %add3A_115 = vector.broadcast %slice3A_111 : vector<1024x1xf32> to vector<1024x128xf32>
    %add3A_116 = arith.addf %add3A_115, %mul3A_114 : vector<1024x128xf32>
    %add3A_117 = vector.broadcast %get3A_2 : f32 to vector<1024x128xf32>
    %add3A_118 = arith.addf %add3A_116, %add3A_117 : vector<1024x128xf32>
    %mul3A_119 = arith.constant 2.000000e+00 : f32
    %mul3A_120 = arith.mulf %mul3A_119, %get3A_2 : f32
    %div3A_121 = vector.broadcast %mul3A_120 : f32 to vector<1024x128xf32>
    %div3A_122 = arith.divf %add3A_118, %div3A_121 : vector<1024x128xf32>
    %mul3A_123 = arith.constant 2.560000e+02 : f32
    %mul3A_124 = vector.broadcast %mul3A_123 : f32 to vector<1024x128xf32>
    %mul3A_125 = arith.mulf %div3A_122, %mul3A_124 : vector<1024x128xf32>
    %floor3A_126 = math.floor %mul3A_125 : vector<1024x128xf32>
    %jit3A_127 = arith.constant 0.000000e+00 : f32
    %jit3A_128 = arith.constant 255 : i32
    %max3A_129 = vector.broadcast %jit3A_127 : f32 to vector<1024x128xf32>
    %max3A_130 = arith.maximumf %max3A_129, %floor3A_126 : vector<1024x128xf32>
    %convert_element_type3A_131 = arith.sitofp %jit3A_128 : i32 to f32
    %min3A_132 = vector.broadcast %convert_element_type3A_131 : f32 to vector<1024x128xf32>
    %min3A_133 = arith.minimumf %min3A_132, %max3A_130 : vector<1024x128xf32>
    %convert_element_type3A_134 = arith.fptosi %min3A_133 : vector<1024x128xf32> to vector<1024x128xi32>
    %mul3A_135 = arith.constant 256 : i32
    %mul3A_136 = vector.broadcast %mul3A_135 : i32 to vector<1024x128xi32>
    %mul3A_137 = arith.muli %convert_element_type3A_86, %mul3A_136 : vector<1024x128xi32>
    %add3A_138 = arith.addi %mul3A_137, %convert_element_type3A_110 : vector<1024x128xi32>
    %mul3A_139 = arith.constant 256 : i32
    %mul3A_140 = vector.broadcast %mul3A_139 : i32 to vector<1024x128xi32>
    %mul3A_141 = arith.muli %add3A_138, %mul3A_140 : vector<1024x128xi32>
    %add3A_142 = arith.addi %mul3A_141, %convert_element_type3A_134 : vector<1024x128xi32>
    %swap3A = arith.constant 0 : index
    %swap3A_143 = arith.constant 0 : index
    %swap3A_144 = vector.load %arg5[%swap3A, %swap3A_143] : memref<1024x128xi32, #tpu.memory_space<vmem>>, vector<1024x128xi32>
    tpu.vector_store %arg5[%swap3A, %swap3A_143], %add3A_142 {strides = array<i32>} : memref<1024x128xi32, #tpu.memory_space<vmem>>, vector<1024x128xi32>,
    %swap3A_145 = arith.constant 0 : index
    %swap3A_146 = arith.constant 0 : index
    %swap3A_147 = vector.load %arg6[%swap3A_145, %swap3A_146] : memref<1024x1xf32, #tpu.memory_space<vmem>>, vector<1024x1xf32>
    tpu.vector_store %arg6[%swap3A_145, %swap3A_146], %max3A_59 {strides = array<i32>} : memref<1024x1xf32, #tpu.memory_space<vmem>>, vector<1024x1xf32>,
    %swap3A_148 = arith.constant 0 : index
    %swap3A_149 = arith.constant 0 : index
    %swap3A_150 = vector.load %arg7[%swap3A_148, %swap3A_149] : memref<1024x1xf32, #tpu.memory_space<vmem>>, vector<1024x1xf32>
    tpu.vector_store %arg7[%swap3A_148, %swap3A_149], %sub3A_60 {strides = array<i32>} : memref<1024x1xf32, #tpu.memory_space<vmem>>, vector<1024x1xf32>,
    return
  }
  func.func @transform_0(%arg0: i32) -> (i32, i32) {
    %add3A = arith.constant 0 : i32
    %add3A_0 = arith.addi %add3A, %arg0 : i32
    %c0_i32 = arith.constant 0 : i32
    %c0_i32_1 = arith.constant 0 : i32
    return %add3A_0, %c0_i32 : i32, i32
  }
  func.func @transform_1(%arg0: i32) -> (i32, i32) {
    %add3A = arith.constant 0 : i32
    %add3A_0 = arith.addi %add3A, %arg0 : i32
    %c0_i32 = arith.constant 0 : i32
    %c0_i32_1 = arith.constant 0 : i32
    return %add3A_0, %c0_i32 : i32, i32
  }
  func.func @transform_2(%arg0: i32) -> (i32, i32) {
    %c0_i32 = arith.constant 0 : i32
    %c0_i32_0 = arith.constant 0 : i32
    %c0_i32_1 = arith.constant 0 : i32
    return %c0_i32, %c0_i32_0 : i32, i32
  }
  func.func @transform_3(%arg0: i32) -> (i32, i32) {
    %c0_i32 = arith.constant 0 : i32
    %c0_i32_0 = arith.constant 0 : i32
    %c0_i32_1 = arith.constant 0 : i32
    return %c0_i32, %c0_i32_0 : i32, i32
  }
  func.func @transform_4(%arg0: i32) -> (i32, i32) {
    %c0_i32 = arith.constant 0 : i32
    %c0_i32_0 = arith.constant 0 : i32
    return %arg0, %c0_i32 : i32, i32
  }
  func.func @transform_5(%arg0: i32) -> (i32, i32) {
    %c0_i32 = arith.constant 0 : i32
    %c0_i32_0 = arith.constant 0 : i32
    return %arg0, %c0_i32 : i32, i32
  }
  func.func @transform_6(%arg0: i32) -> (i32, i32) {
    %c0_i32 = arith.constant 0 : i32
    %c0_i32_0 = arith.constant 0 : i32
    return %arg0, %c0_i32 : i32, i32
  }
}

module attributes {stable_mosaic.version = 14 : i64} {
  func.func @_ray_kernel(%arg0: i32, %arg1: memref<1024x3xf32, #tpu.memory_space<vmem>>, %arg2: memref<1024x3xf32, #tpu.memory_space<vmem>>, %arg3: memref<1x128xf32, #tpu.memory_space<vmem>>, %arg4: memref<1x1xf32, #tpu.memory_space<vmem>>, %arg5: memref<1024x128xi32, #tpu.memory_space<vmem>>, %arg6: memref<1024x1xf32, #tpu.memory_space<vmem>>, %arg7: memref<1024x1xf32, #tpu.memory_space<vmem>>) attributes {dimension_semantics = [#tpu.dimension_semantics<arbitrary>], iteration_bounds = array<i64: 12>, scalar_prefetch = 0 : i64, scratch_operands = 0 : i64, tpu.core_type = #tpu.core_type<tc>, window_params = [{transform_indices = @transform_0, window_bounds = array<i64: 1024, 3>}, {transform_indices = @transform_1, window_bounds = array<i64: 1024, 3>}, {pipeline_mode = #tpu.pipeline_mode<synchronous>, transform_indices = @transform_2, window_bounds = array<i64: 1, 128>}, {pipeline_mode = #tpu.pipeline_mode<synchronous>, transform_indices = @transform_3, window_bounds = array<i64: 1, 1>}, {transform_indices = @transform_4, window_bounds = array<i64: 1024, 128>}, {transform_indices = @transform_5, window_bounds = array<i64: 1024, 1>}, {transform_indices = @transform_6, window_bounds = array<i64: 1024, 1>}]} {
    %get3A = arith.constant 0 : index
    %get3A_0 = arith.constant 0 : index
    %get3A_1 = vector.load %arg4[%get3A, %get3A_0] : memref<1x1xf32, #tpu.memory_space<vmem>>, vector<1x1xf32>
    %get3A_2 = vector.extract %get3A_1[0, 0] : f32 from vector<1x1xf32>
    %get3A_3 = arith.constant 0 : index
    %get3A_4 = arith.constant 0 : index
    %get3A_5 = vector.load %arg3[%get3A_3, %get3A_4] : memref<1x128xf32, #tpu.memory_space<vmem>>, vector<1x128xf32>
    %get3A_6 = arith.constant 0 : index
    %get3A_7 = arith.constant 0 : index
    %get3A_8 = vector.load %arg1[%get3A_6, %get3A_7] : memref<1024x3xf32, #tpu.memory_space<vmem>>, vector<1024x3xf32>
    %get3A_9 = arith.constant 0 : index
    %get3A_10 = arith.constant 0 : index
    %get3A_11 = vector.load %arg2[%get3A_9, %get3A_10] : memref<1024x3xf32, #tpu.memory_space<vmem>>, vector<1024x3xf32>
    %slice3A = vector.extract_strided_slice %get3A_8 {offsets = [0, 0], sizes = [1024, 1], strides = [1, 1]} : vector<1024x3xf32> to vector<1024x1xf32>
    %slice3A_12 = vector.extract_strided_slice %get3A_11 {offsets = [0, 0], sizes = [1024, 1], strides = [1, 1]} : vector<1024x3xf32> to vector<1024x1xf32>
    %add3A = arith.constant 1.000000e-15 : f32
    %add3A_13 = vector.broadcast %add3A : f32 to vector<1024x1xf32>
    %add3A_14 = arith.addf %slice3A_12, %add3A_13 : vector<1024x1xf32>
    %neg3A = arith.constant 0.000000e+00 : f32
    %neg3A_15 = arith.subf %neg3A, %get3A_2 : f32
    %sub3A = vector.broadcast %neg3A_15 : f32 to vector<1024x1xf32>
    %sub3A_16 = arith.subf %sub3A, %slice3A : vector<1024x1xf32>
    %div3A = arith.divf %sub3A_16, %add3A_14 : vector<1024x1xf32>
    %sub3A_17 = vector.broadcast %get3A_2 : f32 to vector<1024x1xf32>
    %sub3A_18 = arith.subf %sub3A_17, %slice3A : vector<1024x1xf32>
    %div3A_19 = arith.divf %sub3A_18, %add3A_14 : vector<1024x1xf32>
    %min3A = arith.minimumf %div3A, %div3A_19 : vector<1024x1xf32>
    %max3A = arith.maximumf %div3A, %div3A_19 : vector<1024x1xf32>
    %slice3A_20 = vector.extract_strided_slice %get3A_8 {offsets = [0, 1], sizes = [1024, 1], strides = [1, 1]} : vector<1024x3xf32> to vector<1024x1xf32>
    %slice3A_21 = vector.extract_strided_slice %get3A_11 {offsets = [0, 1], sizes = [1024, 1], strides = [1, 1]} : vector<1024x3xf32> to vector<1024x1xf32>
    %add3A_22 = arith.constant 1.000000e-15 : f32
    %add3A_23 = vector.broadcast %add3A_22 : f32 to vector<1024x1xf32>
    %add3A_24 = arith.addf %slice3A_21, %add3A_23 : vector<1024x1xf32>
    %neg3A_25 = arith.constant 0.000000e+00 : f32
    %neg3A_26 = arith.subf %neg3A_25, %get3A_2 : f32
    %sub3A_27 = vector.broadcast %neg3A_26 : f32 to vector<1024x1xf32>
    %sub3A_28 = arith.subf %sub3A_27, %slice3A_20 : vector<1024x1xf32>
    %div3A_29 = arith.divf %sub3A_28, %add3A_24 : vector<1024x1xf32>
    %sub3A_30 = vector.broadcast %get3A_2 : f32 to vector<1024x1xf32>
    %sub3A_31 = arith.subf %sub3A_30, %slice3A_20 : vector<1024x1xf32>
    %div3A_32 = arith.divf %sub3A_31, %add3A_24 : vector<1024x1xf32>
    %min3A_33 = arith.minimumf %div3A_29, %div3A_32 : vector<1024x1xf32>
    %max3A_34 = arith.maximumf %div3A_29, %div3A_32 : vector<1024x1xf32>
    %slice3A_35 = vector.extract_strided_slice %get3A_8 {offsets = [0, 2], sizes = [1024, 1], strides = [1, 1]} : vector<1024x3xf32> to vector<1024x1xf32>
    %slice3A_36 = vector.extract_strided_slice %get3A_11 {offsets = [0, 2], sizes = [1024, 1], strides = [1, 1]} : vector<1024x3xf32> to vector<1024x1xf32>
    %add3A_37 = arith.constant 1.000000e-15 : f32
    %add3A_38 = vector.broadcast %add3A_37 : f32 to vector<1024x1xf32>
    %add3A_39 = arith.addf %slice3A_36, %add3A_38 : vector<1024x1xf32>
    %neg3A_40 = arith.constant 0.000000e+00 : f32
    %neg3A_41 = arith.subf %neg3A_40, %get3A_2 : f32
    %sub3A_42 = vector.broadcast %neg3A_41 : f32 to vector<1024x1xf32>
    %sub3A_43 = arith.subf %sub3A_42, %slice3A_35 : vector<1024x1xf32>
    %div3A_44 = arith.divf %sub3A_43, %add3A_39 : vector<1024x1xf32>
    %sub3A_45 = vector.broadcast %get3A_2 : f32 to vector<1024x1xf32>
    %sub3A_46 = arith.subf %sub3A_45, %slice3A_35 : vector<1024x1xf32>
    %div3A_47 = arith.divf %sub3A_46, %add3A_39 : vector<1024x1xf32>
    %min3A_48 = arith.minimumf %div3A_44, %div3A_47 : vector<1024x1xf32>
    %max3A_49 = arith.maximumf %div3A_44, %div3A_47 : vector<1024x1xf32>
    %max3A_50 = arith.maximumf %min3A, %min3A_33 : vector<1024x1xf32>
    %max3A_51 = arith.maximumf %max3A_50, %min3A_48 : vector<1024x1xf32>
    %min3A_52 = arith.minimumf %max3A, %max3A_34 : vector<1024x1xf32>
    %min3A_53 = arith.minimumf %min3A_52, %max3A_49 : vector<1024x1xf32>
    %lt3A = arith.cmpf olt, %min3A_53, %max3A_51 : vector<1024x1xf32>
    %jit3A = arith.constant 1.000000e+09 : f32
    %broadcast_in_dim3A = vector.broadcast %jit3A : f32 to vector<1024x1xf32>
    %select_n3A = arith.select %lt3A, %broadcast_in_dim3A, %max3A_51 : vector<1024x1xi1>, vector<1024x1xf32>
    %jit3A_54 = arith.constant 1.000000e+09 : f32
    %broadcast_in_dim3A_55 = vector.broadcast %jit3A_54 : f32 to vector<1024x1xf32>
    %select_n3A_56 = arith.select %lt3A, %broadcast_in_dim3A_55, %min3A_53 : vector<1024x1xi1>, vector<1024x1xf32>
    %max3A_57 = arith.constant 5.000000e-02 : f32
    %max3A_58 = vector.broadcast %max3A_57 : f32 to vector<1024x1xf32>
    %max3A_59 = arith.maximumf %select_n3A, %max3A_58 : vector<1024x1xf32>
    %sub3A_60 = arith.subf %select_n3A_56, %max3A_59 : vector<1024x1xf32>
    %mul3A = vector.broadcast %sub3A_60 : vector<1024x1xf32> to vector<1024x128xf32>
    %mul3A_61 = vector.broadcast %get3A_5 : vector<1x128xf32> to vector<1024x128xf32>
    %mul3A_62 = arith.mulf %mul3A, %mul3A_61 : vector<1024x128xf32>
    %add3A_63 = vector.broadcast %max3A_59 : vector<1024x1xf32> to vector<1024x128xf32>
    %add3A_64 = arith.addf %add3A_63, %mul3A_62 : vector<1024x128xf32>
    %slice3A_65 = vector.extract_strided_slice %get3A_8 {offsets = [0, 0], sizes = [1024, 1], strides = [1, 1]} : vector<1024x3xf32> to vector<1024x1xf32>
    %slice3A_66 = vector.extract_strided_slice %get3A_11 {offsets = [0, 0], sizes = [1024, 1], strides = [1, 1]} : vector<1024x3xf32> to vector<1024x1xf32>
    %mul3A_67 = vector.broadcast %slice3A_66 : vector<1024x1xf32> to vector<1024x128xf32>
    %mul3A_68 = arith.mulf %mul3A_67, %add3A_64 : vector<1024x128xf32>
    %add3A_69 = vector.broadcast %slice3A_65 : vector<1024x1xf32> to vector<1024x128xf32>
    %add3A_70 = arith.addf %add3A_69, %mul3A_68 : vector<1024x128xf32>
    %add3A_71 = vector.broadcast %get3A_2 : f32 to vector<1024x128xf32>
    %add3A_72 = arith.addf %add3A_70, %add3A_71 : vector<1024x128xf32>
    %mul3A_73 = arith.constant 2.000000e+00 : f32
    %mul3A_74 = arith.mulf %mul3A_73, %get3A_2 : f32
    %div3A_75 = vector.broadcast %mul3A_74 : f32 to vector<1024x128xf32>
    %div3A_76 = arith.divf %add3A_72, %div3A_75 : vector<1024x128xf32>
    %mul3A_77 = arith.constant 2.560000e+02 : f32
    %mul3A_78 = vector.broadcast %mul3A_77 : f32 to vector<1024x128xf32>
    %mul3A_79 = arith.mulf %div3A_76, %mul3A_78 : vector<1024x128xf32>
    %floor3A = math.floor %mul3A_79 : vector<1024x128xf32>
    %jit3A_80 = arith.constant 0.000000e+00 : f32
    %jit3A_81 = arith.constant 255 : i32
    %max3A_82 = vector.broadcast %jit3A_80 : f32 to vector<1024x128xf32>
    %max3A_83 = arith.maximumf %max3A_82, %floor3A : vector<1024x128xf32>
    %convert_element_type3A = arith.sitofp %jit3A_81 : i32 to f32
    %min3A_84 = vector.broadcast %convert_element_type3A : f32 to vector<1024x128xf32>
    %min3A_85 = arith.minimumf %min3A_84, %max3A_83 : vector<1024x128xf32>
    %convert_element_type3A_86 = arith.fptosi %min3A_85 : vector<1024x128xf32> to vector<1024x128xi32>
    %slice3A_87 = vector.extract_strided_slice %get3A_8 {offsets = [0, 1], sizes = [1024, 1], strides = [1, 1]} : vector<1024x3xf32> to vector<1024x1xf32>
    %slice3A_88 = vector.extract_strided_slice %get3A_11 {offsets = [0, 1], sizes = [1024, 1], strides = [1, 1]} : vector<1024x3xf32> to vector<1024x1xf32>
    %mul3A_89 = vector.broadcast %slice3A_88 : vector<1024x1xf32> to vector<1024x128xf32>
    %mul3A_90 = arith.mulf %mul3A_89, %add3A_64 : vector<1024x128xf32>
    %add3A_91 = vector.broadcast %slice3A_87 : vector<1024x1xf32> to vector<1024x128xf32>
    %add3A_92 = arith.addf %add3A_91, %mul3A_90 : vector<1024x128xf32>
    %add3A_93 = vector.broadcast %get3A_2 : f32 to vector<1024x128xf32>
    %add3A_94 = arith.addf %add3A_92, %add3A_93 : vector<1024x128xf32>
    %mul3A_95 = arith.constant 2.000000e+00 : f32
    %mul3A_96 = arith.mulf %mul3A_95, %get3A_2 : f32
    %div3A_97 = vector.broadcast %mul3A_96 : f32 to vector<1024x128xf32>
    %div3A_98 = arith.divf %add3A_94, %div3A_97 : vector<1024x128xf32>
    %mul3A_99 = arith.constant 2.560000e+02 : f32
    %mul3A_100 = vector.broadcast %mul3A_99 : f32 to vector<1024x128xf32>
    %mul3A_101 = arith.mulf %div3A_98, %mul3A_100 : vector<1024x128xf32>
    %floor3A_102 = math.floor %mul3A_101 : vector<1024x128xf32>
    %jit3A_103 = arith.constant 0.000000e+00 : f32
    %jit3A_104 = arith.constant 255 : i32
    %max3A_105 = vector.broadcast %jit3A_103 : f32 to vector<1024x128xf32>
    %max3A_106 = arith.maximumf %max3A_105, %floor3A_102 : vector<1024x128xf32>
    %convert_element_type3A_107 = arith.sitofp %jit3A_104 : i32 to f32
    %min3A_108 = vector.broadcast %convert_element_type3A_107 : f32 to vector<1024x128xf32>
    %min3A_109 = arith.minimumf %min3A_108, %max3A_106 : vector<1024x128xf32>
    %convert_element_type3A_110 = arith.fptosi %min3A_109 : vector<1024x128xf32> to vector<1024x128xi32>
    %slice3A_111 = vector.extract_strided_slice %get3A_8 {offsets = [0, 2], sizes = [1024, 1], strides = [1, 1]} : vector<1024x3xf32> to vector<1024x1xf32>
    %slice3A_112 = vector.extract_strided_slice %get3A_11 {offsets = [0, 2], sizes = [1024, 1], strides = [1, 1]} : vector<1024x3xf32> to vector<1024x1xf32>
    %mul3A_113 = vector.broadcast %slice3A_112 : vector<1024x1xf32> to vector<1024x128xf32>
    %mul3A_114 = arith.mulf %mul3A_113, %add3A_64 : vector<1024x128xf32>
    %add3A_115 = vector.broadcast %slice3A_111 : vector<1024x1xf32> to vector<1024x128xf32>
    %add3A_116 = arith.addf %add3A_115, %mul3A_114 : vector<1024x128xf32>
    %add3A_117 = vector.broadcast %get3A_2 : f32 to vector<1024x128xf32>
    %add3A_118 = arith.addf %add3A_116, %add3A_117 : vector<1024x128xf32>
    %mul3A_119 = arith.constant 2.000000e+00 : f32
    %mul3A_120 = arith.mulf %mul3A_119, %get3A_2 : f32
    %div3A_121 = vector.broadcast %mul3A_120 : f32 to vector<1024x128xf32>
    %div3A_122 = arith.divf %add3A_118, %div3A_121 : vector<1024x128xf32>
    %mul3A_123 = arith.constant 2.560000e+02 : f32
    %mul3A_124 = vector.broadcast %mul3A_123 : f32 to vector<1024x128xf32>
    %mul3A_125 = arith.mulf %div3A_122, %mul3A_124 : vector<1024x128xf32>
    %floor3A_126 = math.floor %mul3A_125 : vector<1024x128xf32>
    %jit3A_127 = arith.constant 0.000000e+00 : f32
    %jit3A_128 = arith.constant 255 : i32
    %max3A_129 = vector.broadcast %jit3A_127 : f32 to vector<1024x128xf32>
    %max3A_130 = arith.maximumf %max3A_129, %floor3A_126 : vector<1024x128xf32>
    %convert_element_type3A_131 = arith.sitofp %jit3A_128 : i32 to f32
    %min3A_132 = vector.broadcast %convert_element_type3A_131 : f32 to vector<1024x128xf32>
    %min3A_133 = arith.minimumf %min3A_132, %max3A_130 : vector<1024x128xf32>
    %convert_element_type3A_134 = arith.fptosi %min3A_133 : vector<1024x128xf32> to vector<1024x128xi32>
    %mul3A_135 = arith.constant 256 : i32
    %mul3A_136 = vector.broadcast %mul3A_135 : i32 to vector<1024x128xi32>
    %mul3A_137 = arith.muli %convert_element_type3A_86, %mul3A_136 : vector<1024x128xi32>
    %add3A_138 = arith.addi %mul3A_137, %convert_element_type3A_110 : vector<1024x128xi32>
    %mul3A_139 = arith.constant 256 : i32
    %mul3A_140 = vector.broadcast %mul3A_139 : i32 to vector<1024x128xi32>
    %mul3A_141 = arith.muli %add3A_138, %mul3A_140 : vector<1024x128xi32>
    %add3A_142 = arith.addi %mul3A_141, %convert_element_type3A_134 : vector<1024x128xi32>
    %swap3A = arith.constant 0 : index
    %swap3A_143 = arith.constant 0 : index
    %swap3A_144 = vector.load %arg5[%swap3A, %swap3A_143] : memref<1024x128xi32, #tpu.memory_space<vmem>>, vector<1024x128xi32>
    tpu.vector_store %arg5[%swap3A, %swap3A_143], %add3A_142 {strides = array<i32>} : memref<1024x128xi32, #tpu.memory_space<vmem>>, vector<1024x128xi32>,
    %swap3A_145 = arith.constant 0 : index
    %swap3A_146 = arith.constant 0 : index
    %swap3A_147 = vector.load %arg6[%swap3A_145, %swap3A_146] : memref<1024x1xf32, #tpu.memory_space<vmem>>, vector<1024x1xf32>
    tpu.vector_store %arg6[%swap3A_145, %swap3A_146], %max3A_59 {strides = array<i32>} : memref<1024x1xf32, #tpu.memory_space<vmem>>, vector<1024x1xf32>,
    %swap3A_148 = arith.constant 0 : index
    %swap3A_149 = arith.constant 0 : index
    %swap3A_150 = vector.load %arg7[%swap3A_148, %swap3A_149] : memref<1024x1xf32, #tpu.memory_space<vmem>>, vector<1024x1xf32>
    tpu.vector_store %arg7[%swap3A_148, %swap3A_149], %sub3A_60 {strides = array<i32>} : memref<1024x1xf32, #tpu.memory_space<vmem>>, vector<1024x1xf32>,
    return
  }
  func.func @transform_0(%arg0: i32) -> (i32, i32) {
    %add3A = arith.constant 12 : i32
    %add3A_0 = arith.addi %add3A, %arg0 : i32
    %c0_i32 = arith.constant 0 : i32
    %c0_i32_1 = arith.constant 0 : i32
    return %add3A_0, %c0_i32 : i32, i32
  }
  func.func @transform_1(%arg0: i32) -> (i32, i32) {
    %add3A = arith.constant 12 : i32
    %add3A_0 = arith.addi %add3A, %arg0 : i32
    %c0_i32 = arith.constant 0 : i32
    %c0_i32_1 = arith.constant 0 : i32
    return %add3A_0, %c0_i32 : i32, i32
  }
  func.func @transform_2(%arg0: i32) -> (i32, i32) {
    %c0_i32 = arith.constant 0 : i32
    %c0_i32_0 = arith.constant 0 : i32
    %c0_i32_1 = arith.constant 0 : i32
    return %c0_i32, %c0_i32_0 : i32, i32
  }
  func.func @transform_3(%arg0: i32) -> (i32, i32) {
    %c0_i32 = arith.constant 0 : i32
    %c0_i32_0 = arith.constant 0 : i32
    %c0_i32_1 = arith.constant 0 : i32
    return %c0_i32, %c0_i32_0 : i32, i32
  }
  func.func @transform_4(%arg0: i32) -> (i32, i32) {
    %c0_i32 = arith.constant 0 : i32
    %c0_i32_0 = arith.constant 0 : i32
    return %arg0, %c0_i32 : i32, i32
  }
  func.func @transform_5(%arg0: i32) -> (i32, i32) {
    %c0_i32 = arith.constant 0 : i32
    %c0_i32_0 = arith.constant 0 : i32
    return %arg0, %c0_i32 : i32, i32
  }
  func.func @transform_6(%arg0: i32) -> (i32, i32) {
    %c0_i32 = arith.constant 0 : i32
    %c0_i32_0 = arith.constant 0 : i32
    return %arg0, %c0_i32 : i32, i32
  }
}

module attributes {stable_mosaic.version = 14 : i64} {
  func.func @_ray_kernel(%arg0: i32, %arg1: memref<1024x3xf32, #tpu.memory_space<vmem>>, %arg2: memref<1024x3xf32, #tpu.memory_space<vmem>>, %arg3: memref<1x128xf32, #tpu.memory_space<vmem>>, %arg4: memref<1x1xf32, #tpu.memory_space<vmem>>, %arg5: memref<1024x128xi32, #tpu.memory_space<vmem>>, %arg6: memref<1024x1xf32, #tpu.memory_space<vmem>>, %arg7: memref<1024x1xf32, #tpu.memory_space<vmem>>) attributes {dimension_semantics = [#tpu.dimension_semantics<arbitrary>], iteration_bounds = array<i64: 8>, scalar_prefetch = 0 : i64, scratch_operands = 0 : i64, tpu.core_type = #tpu.core_type<tc>, window_params = [{transform_indices = @transform_0, window_bounds = array<i64: 1024, 3>}, {transform_indices = @transform_1, window_bounds = array<i64: 1024, 3>}, {pipeline_mode = #tpu.pipeline_mode<synchronous>, transform_indices = @transform_2, window_bounds = array<i64: 1, 128>}, {pipeline_mode = #tpu.pipeline_mode<synchronous>, transform_indices = @transform_3, window_bounds = array<i64: 1, 1>}, {transform_indices = @transform_4, window_bounds = array<i64: 1024, 128>}, {transform_indices = @transform_5, window_bounds = array<i64: 1024, 1>}, {transform_indices = @transform_6, window_bounds = array<i64: 1024, 1>}]} {
    %get3A = arith.constant 0 : index
    %get3A_0 = arith.constant 0 : index
    %get3A_1 = vector.load %arg4[%get3A, %get3A_0] : memref<1x1xf32, #tpu.memory_space<vmem>>, vector<1x1xf32>
    %get3A_2 = vector.extract %get3A_1[0, 0] : f32 from vector<1x1xf32>
    %get3A_3 = arith.constant 0 : index
    %get3A_4 = arith.constant 0 : index
    %get3A_5 = vector.load %arg3[%get3A_3, %get3A_4] : memref<1x128xf32, #tpu.memory_space<vmem>>, vector<1x128xf32>
    %get3A_6 = arith.constant 0 : index
    %get3A_7 = arith.constant 0 : index
    %get3A_8 = vector.load %arg1[%get3A_6, %get3A_7] : memref<1024x3xf32, #tpu.memory_space<vmem>>, vector<1024x3xf32>
    %get3A_9 = arith.constant 0 : index
    %get3A_10 = arith.constant 0 : index
    %get3A_11 = vector.load %arg2[%get3A_9, %get3A_10] : memref<1024x3xf32, #tpu.memory_space<vmem>>, vector<1024x3xf32>
    %slice3A = vector.extract_strided_slice %get3A_8 {offsets = [0, 0], sizes = [1024, 1], strides = [1, 1]} : vector<1024x3xf32> to vector<1024x1xf32>
    %slice3A_12 = vector.extract_strided_slice %get3A_11 {offsets = [0, 0], sizes = [1024, 1], strides = [1, 1]} : vector<1024x3xf32> to vector<1024x1xf32>
    %add3A = arith.constant 1.000000e-15 : f32
    %add3A_13 = vector.broadcast %add3A : f32 to vector<1024x1xf32>
    %add3A_14 = arith.addf %slice3A_12, %add3A_13 : vector<1024x1xf32>
    %neg3A = arith.constant 0.000000e+00 : f32
    %neg3A_15 = arith.subf %neg3A, %get3A_2 : f32
    %sub3A = vector.broadcast %neg3A_15 : f32 to vector<1024x1xf32>
    %sub3A_16 = arith.subf %sub3A, %slice3A : vector<1024x1xf32>
    %div3A = arith.divf %sub3A_16, %add3A_14 : vector<1024x1xf32>
    %sub3A_17 = vector.broadcast %get3A_2 : f32 to vector<1024x1xf32>
    %sub3A_18 = arith.subf %sub3A_17, %slice3A : vector<1024x1xf32>
    %div3A_19 = arith.divf %sub3A_18, %add3A_14 : vector<1024x1xf32>
    %min3A = arith.minimumf %div3A, %div3A_19 : vector<1024x1xf32>
    %max3A = arith.maximumf %div3A, %div3A_19 : vector<1024x1xf32>
    %slice3A_20 = vector.extract_strided_slice %get3A_8 {offsets = [0, 1], sizes = [1024, 1], strides = [1, 1]} : vector<1024x3xf32> to vector<1024x1xf32>
    %slice3A_21 = vector.extract_strided_slice %get3A_11 {offsets = [0, 1], sizes = [1024, 1], strides = [1, 1]} : vector<1024x3xf32> to vector<1024x1xf32>
    %add3A_22 = arith.constant 1.000000e-15 : f32
    %add3A_23 = vector.broadcast %add3A_22 : f32 to vector<1024x1xf32>
    %add3A_24 = arith.addf %slice3A_21, %add3A_23 : vector<1024x1xf32>
    %neg3A_25 = arith.constant 0.000000e+00 : f32
    %neg3A_26 = arith.subf %neg3A_25, %get3A_2 : f32
    %sub3A_27 = vector.broadcast %neg3A_26 : f32 to vector<1024x1xf32>
    %sub3A_28 = arith.subf %sub3A_27, %slice3A_20 : vector<1024x1xf32>
    %div3A_29 = arith.divf %sub3A_28, %add3A_24 : vector<1024x1xf32>
    %sub3A_30 = vector.broadcast %get3A_2 : f32 to vector<1024x1xf32>
    %sub3A_31 = arith.subf %sub3A_30, %slice3A_20 : vector<1024x1xf32>
    %div3A_32 = arith.divf %sub3A_31, %add3A_24 : vector<1024x1xf32>
    %min3A_33 = arith.minimumf %div3A_29, %div3A_32 : vector<1024x1xf32>
    %max3A_34 = arith.maximumf %div3A_29, %div3A_32 : vector<1024x1xf32>
    %slice3A_35 = vector.extract_strided_slice %get3A_8 {offsets = [0, 2], sizes = [1024, 1], strides = [1, 1]} : vector<1024x3xf32> to vector<1024x1xf32>
    %slice3A_36 = vector.extract_strided_slice %get3A_11 {offsets = [0, 2], sizes = [1024, 1], strides = [1, 1]} : vector<1024x3xf32> to vector<1024x1xf32>
    %add3A_37 = arith.constant 1.000000e-15 : f32
    %add3A_38 = vector.broadcast %add3A_37 : f32 to vector<1024x1xf32>
    %add3A_39 = arith.addf %slice3A_36, %add3A_38 : vector<1024x1xf32>
    %neg3A_40 = arith.constant 0.000000e+00 : f32
    %neg3A_41 = arith.subf %neg3A_40, %get3A_2 : f32
    %sub3A_42 = vector.broadcast %neg3A_41 : f32 to vector<1024x1xf32>
    %sub3A_43 = arith.subf %sub3A_42, %slice3A_35 : vector<1024x1xf32>
    %div3A_44 = arith.divf %sub3A_43, %add3A_39 : vector<1024x1xf32>
    %sub3A_45 = vector.broadcast %get3A_2 : f32 to vector<1024x1xf32>
    %sub3A_46 = arith.subf %sub3A_45, %slice3A_35 : vector<1024x1xf32>
    %div3A_47 = arith.divf %sub3A_46, %add3A_39 : vector<1024x1xf32>
    %min3A_48 = arith.minimumf %div3A_44, %div3A_47 : vector<1024x1xf32>
    %max3A_49 = arith.maximumf %div3A_44, %div3A_47 : vector<1024x1xf32>
    %max3A_50 = arith.maximumf %min3A, %min3A_33 : vector<1024x1xf32>
    %max3A_51 = arith.maximumf %max3A_50, %min3A_48 : vector<1024x1xf32>
    %min3A_52 = arith.minimumf %max3A, %max3A_34 : vector<1024x1xf32>
    %min3A_53 = arith.minimumf %min3A_52, %max3A_49 : vector<1024x1xf32>
    %lt3A = arith.cmpf olt, %min3A_53, %max3A_51 : vector<1024x1xf32>
    %jit3A = arith.constant 1.000000e+09 : f32
    %broadcast_in_dim3A = vector.broadcast %jit3A : f32 to vector<1024x1xf32>
    %select_n3A = arith.select %lt3A, %broadcast_in_dim3A, %max3A_51 : vector<1024x1xi1>, vector<1024x1xf32>
    %jit3A_54 = arith.constant 1.000000e+09 : f32
    %broadcast_in_dim3A_55 = vector.broadcast %jit3A_54 : f32 to vector<1024x1xf32>
    %select_n3A_56 = arith.select %lt3A, %broadcast_in_dim3A_55, %min3A_53 : vector<1024x1xi1>, vector<1024x1xf32>
    %max3A_57 = arith.constant 5.000000e-02 : f32
    %max3A_58 = vector.broadcast %max3A_57 : f32 to vector<1024x1xf32>
    %max3A_59 = arith.maximumf %select_n3A, %max3A_58 : vector<1024x1xf32>
    %sub3A_60 = arith.subf %select_n3A_56, %max3A_59 : vector<1024x1xf32>
    %mul3A = vector.broadcast %sub3A_60 : vector<1024x1xf32> to vector<1024x128xf32>
    %mul3A_61 = vector.broadcast %get3A_5 : vector<1x128xf32> to vector<1024x128xf32>
    %mul3A_62 = arith.mulf %mul3A, %mul3A_61 : vector<1024x128xf32>
    %add3A_63 = vector.broadcast %max3A_59 : vector<1024x1xf32> to vector<1024x128xf32>
    %add3A_64 = arith.addf %add3A_63, %mul3A_62 : vector<1024x128xf32>
    %slice3A_65 = vector.extract_strided_slice %get3A_8 {offsets = [0, 0], sizes = [1024, 1], strides = [1, 1]} : vector<1024x3xf32> to vector<1024x1xf32>
    %slice3A_66 = vector.extract_strided_slice %get3A_11 {offsets = [0, 0], sizes = [1024, 1], strides = [1, 1]} : vector<1024x3xf32> to vector<1024x1xf32>
    %mul3A_67 = vector.broadcast %slice3A_66 : vector<1024x1xf32> to vector<1024x128xf32>
    %mul3A_68 = arith.mulf %mul3A_67, %add3A_64 : vector<1024x128xf32>
    %add3A_69 = vector.broadcast %slice3A_65 : vector<1024x1xf32> to vector<1024x128xf32>
    %add3A_70 = arith.addf %add3A_69, %mul3A_68 : vector<1024x128xf32>
    %add3A_71 = vector.broadcast %get3A_2 : f32 to vector<1024x128xf32>
    %add3A_72 = arith.addf %add3A_70, %add3A_71 : vector<1024x128xf32>
    %mul3A_73 = arith.constant 2.000000e+00 : f32
    %mul3A_74 = arith.mulf %mul3A_73, %get3A_2 : f32
    %div3A_75 = vector.broadcast %mul3A_74 : f32 to vector<1024x128xf32>
    %div3A_76 = arith.divf %add3A_72, %div3A_75 : vector<1024x128xf32>
    %mul3A_77 = arith.constant 2.560000e+02 : f32
    %mul3A_78 = vector.broadcast %mul3A_77 : f32 to vector<1024x128xf32>
    %mul3A_79 = arith.mulf %div3A_76, %mul3A_78 : vector<1024x128xf32>
    %floor3A = math.floor %mul3A_79 : vector<1024x128xf32>
    %jit3A_80 = arith.constant 0.000000e+00 : f32
    %jit3A_81 = arith.constant 255 : i32
    %max3A_82 = vector.broadcast %jit3A_80 : f32 to vector<1024x128xf32>
    %max3A_83 = arith.maximumf %max3A_82, %floor3A : vector<1024x128xf32>
    %convert_element_type3A = arith.sitofp %jit3A_81 : i32 to f32
    %min3A_84 = vector.broadcast %convert_element_type3A : f32 to vector<1024x128xf32>
    %min3A_85 = arith.minimumf %min3A_84, %max3A_83 : vector<1024x128xf32>
    %convert_element_type3A_86 = arith.fptosi %min3A_85 : vector<1024x128xf32> to vector<1024x128xi32>
    %slice3A_87 = vector.extract_strided_slice %get3A_8 {offsets = [0, 1], sizes = [1024, 1], strides = [1, 1]} : vector<1024x3xf32> to vector<1024x1xf32>
    %slice3A_88 = vector.extract_strided_slice %get3A_11 {offsets = [0, 1], sizes = [1024, 1], strides = [1, 1]} : vector<1024x3xf32> to vector<1024x1xf32>
    %mul3A_89 = vector.broadcast %slice3A_88 : vector<1024x1xf32> to vector<1024x128xf32>
    %mul3A_90 = arith.mulf %mul3A_89, %add3A_64 : vector<1024x128xf32>
    %add3A_91 = vector.broadcast %slice3A_87 : vector<1024x1xf32> to vector<1024x128xf32>
    %add3A_92 = arith.addf %add3A_91, %mul3A_90 : vector<1024x128xf32>
    %add3A_93 = vector.broadcast %get3A_2 : f32 to vector<1024x128xf32>
    %add3A_94 = arith.addf %add3A_92, %add3A_93 : vector<1024x128xf32>
    %mul3A_95 = arith.constant 2.000000e+00 : f32
    %mul3A_96 = arith.mulf %mul3A_95, %get3A_2 : f32
    %div3A_97 = vector.broadcast %mul3A_96 : f32 to vector<1024x128xf32>
    %div3A_98 = arith.divf %add3A_94, %div3A_97 : vector<1024x128xf32>
    %mul3A_99 = arith.constant 2.560000e+02 : f32
    %mul3A_100 = vector.broadcast %mul3A_99 : f32 to vector<1024x128xf32>
    %mul3A_101 = arith.mulf %div3A_98, %mul3A_100 : vector<1024x128xf32>
    %floor3A_102 = math.floor %mul3A_101 : vector<1024x128xf32>
    %jit3A_103 = arith.constant 0.000000e+00 : f32
    %jit3A_104 = arith.constant 255 : i32
    %max3A_105 = vector.broadcast %jit3A_103 : f32 to vector<1024x128xf32>
    %max3A_106 = arith.maximumf %max3A_105, %floor3A_102 : vector<1024x128xf32>
    %convert_element_type3A_107 = arith.sitofp %jit3A_104 : i32 to f32
    %min3A_108 = vector.broadcast %convert_element_type3A_107 : f32 to vector<1024x128xf32>
    %min3A_109 = arith.minimumf %min3A_108, %max3A_106 : vector<1024x128xf32>
    %convert_element_type3A_110 = arith.fptosi %min3A_109 : vector<1024x128xf32> to vector<1024x128xi32>
    %slice3A_111 = vector.extract_strided_slice %get3A_8 {offsets = [0, 2], sizes = [1024, 1], strides = [1, 1]} : vector<1024x3xf32> to vector<1024x1xf32>
    %slice3A_112 = vector.extract_strided_slice %get3A_11 {offsets = [0, 2], sizes = [1024, 1], strides = [1, 1]} : vector<1024x3xf32> to vector<1024x1xf32>
    %mul3A_113 = vector.broadcast %slice3A_112 : vector<1024x1xf32> to vector<1024x128xf32>
    %mul3A_114 = arith.mulf %mul3A_113, %add3A_64 : vector<1024x128xf32>
    %add3A_115 = vector.broadcast %slice3A_111 : vector<1024x1xf32> to vector<1024x128xf32>
    %add3A_116 = arith.addf %add3A_115, %mul3A_114 : vector<1024x128xf32>
    %add3A_117 = vector.broadcast %get3A_2 : f32 to vector<1024x128xf32>
    %add3A_118 = arith.addf %add3A_116, %add3A_117 : vector<1024x128xf32>
    %mul3A_119 = arith.constant 2.000000e+00 : f32
    %mul3A_120 = arith.mulf %mul3A_119, %get3A_2 : f32
    %div3A_121 = vector.broadcast %mul3A_120 : f32 to vector<1024x128xf32>
    %div3A_122 = arith.divf %add3A_118, %div3A_121 : vector<1024x128xf32>
    %mul3A_123 = arith.constant 2.560000e+02 : f32
    %mul3A_124 = vector.broadcast %mul3A_123 : f32 to vector<1024x128xf32>
    %mul3A_125 = arith.mulf %div3A_122, %mul3A_124 : vector<1024x128xf32>
    %floor3A_126 = math.floor %mul3A_125 : vector<1024x128xf32>
    %jit3A_127 = arith.constant 0.000000e+00 : f32
    %jit3A_128 = arith.constant 255 : i32
    %max3A_129 = vector.broadcast %jit3A_127 : f32 to vector<1024x128xf32>
    %max3A_130 = arith.maximumf %max3A_129, %floor3A_126 : vector<1024x128xf32>
    %convert_element_type3A_131 = arith.sitofp %jit3A_128 : i32 to f32
    %min3A_132 = vector.broadcast %convert_element_type3A_131 : f32 to vector<1024x128xf32>
    %min3A_133 = arith.minimumf %min3A_132, %max3A_130 : vector<1024x128xf32>
    %convert_element_type3A_134 = arith.fptosi %min3A_133 : vector<1024x128xf32> to vector<1024x128xi32>
    %mul3A_135 = arith.constant 256 : i32
    %mul3A_136 = vector.broadcast %mul3A_135 : i32 to vector<1024x128xi32>
    %mul3A_137 = arith.muli %convert_element_type3A_86, %mul3A_136 : vector<1024x128xi32>
    %add3A_138 = arith.addi %mul3A_137, %convert_element_type3A_110 : vector<1024x128xi32>
    %mul3A_139 = arith.constant 256 : i32
    %mul3A_140 = vector.broadcast %mul3A_139 : i32 to vector<1024x128xi32>
    %mul3A_141 = arith.muli %add3A_138, %mul3A_140 : vector<1024x128xi32>
    %add3A_142 = arith.addi %mul3A_141, %convert_element_type3A_134 : vector<1024x128xi32>
    %swap3A = arith.constant 0 : index
    %swap3A_143 = arith.constant 0 : index
    %swap3A_144 = vector.load %arg5[%swap3A, %swap3A_143] : memref<1024x128xi32, #tpu.memory_space<vmem>>, vector<1024x128xi32>
    tpu.vector_store %arg5[%swap3A, %swap3A_143], %add3A_142 {strides = array<i32>} : memref<1024x128xi32, #tpu.memory_space<vmem>>, vector<1024x128xi32>,
    %swap3A_145 = arith.constant 0 : index
    %swap3A_146 = arith.constant 0 : index
    %swap3A_147 = vector.load %arg6[%swap3A_145, %swap3A_146] : memref<1024x1xf32, #tpu.memory_space<vmem>>, vector<1024x1xf32>
    tpu.vector_store %arg6[%swap3A_145, %swap3A_146], %max3A_59 {strides = array<i32>} : memref<1024x1xf32, #tpu.memory_space<vmem>>, vector<1024x1xf32>,
    %swap3A_148 = arith.constant 0 : index
    %swap3A_149 = arith.constant 0 : index
    %swap3A_150 = vector.load %arg7[%swap3A_148, %swap3A_149] : memref<1024x1xf32, #tpu.memory_space<vmem>>, vector<1024x1xf32>
    tpu.vector_store %arg7[%swap3A_148, %swap3A_149], %sub3A_60 {strides = array<i32>} : memref<1024x1xf32, #tpu.memory_space<vmem>>, vector<1024x1xf32>,
    return
  }
  func.func @transform_0(%arg0: i32) -> (i32, i32) {
    %add3A = arith.constant 24 : i32
    %add3A_0 = arith.addi %add3A, %arg0 : i32
    %c0_i32 = arith.constant 0 : i32
    %c0_i32_1 = arith.constant 0 : i32
    return %add3A_0, %c0_i32 : i32, i32
  }
  func.func @transform_1(%arg0: i32) -> (i32, i32) {
    %add3A = arith.constant 24 : i32
    %add3A_0 = arith.addi %add3A, %arg0 : i32
    %c0_i32 = arith.constant 0 : i32
    %c0_i32_1 = arith.constant 0 : i32
    return %add3A_0, %c0_i32 : i32, i32
  }
  func.func @transform_2(%arg0: i32) -> (i32, i32) {
    %c0_i32 = arith.constant 0 : i32
    %c0_i32_0 = arith.constant 0 : i32
    %c0_i32_1 = arith.constant 0 : i32
    return %c0_i32, %c0_i32_0 : i32, i32
  }
  func.func @transform_3(%arg0: i32) -> (i32, i32) {
    %c0_i32 = arith.constant 0 : i32
    %c0_i32_0 = arith.constant 0 : i32
    %c0_i32_1 = arith.constant 0 : i32
    return %c0_i32, %c0_i32_0 : i32, i32
  }
  func.func @transform_4(%arg0: i32) -> (i32, i32) {
    %c0_i32 = arith.constant 0 : i32
    %c0_i32_0 = arith.constant 0 : i32
    return %arg0, %c0_i32 : i32, i32
  }
  func.func @transform_5(%arg0: i32) -> (i32, i32) {
    %c0_i32 = arith.constant 0 : i32
    %c0_i32_0 = arith.constant 0 : i32
    return %arg0, %c0_i32 : i32, i32
  }
  func.func @transform_6(%arg0: i32) -> (i32, i32) {
    %c0_i32 = arith.constant 0 : i32
    %c0_i32_0 = arith.constant 0 : i32
    return %arg0, %c0_i32 : i32, i32
  }
}

module attributes {stable_mosaic.version = 14 : i64} {
  func.func @_comp_kernel(%arg0: i32, %arg1: memref<1024x128xf32, #tpu.memory_space<vmem>>, %arg2: memref<1024x3xf32, #tpu.memory_space<vmem>>, %arg3: memref<1024x3xf32, #tpu.memory_space<vmem>>, %arg4: memref<1024x1xf32, #tpu.memory_space<vmem>>, %arg5: memref<1024x1xf32, #tpu.memory_space<vmem>>, %arg6: memref<1x128xf32, #tpu.memory_space<vmem>>, %arg7: memref<1x3xf32, #tpu.memory_space<vmem>>, %arg8: memref<1024x3xf32, #tpu.memory_space<vmem>>) attributes {dimension_semantics = [#tpu.dimension_semantics<arbitrary>], iteration_bounds = array<i64: 12>, scalar_prefetch = 0 : i64, scratch_operands = 0 : i64, tpu.core_type = #tpu.core_type<tc>, window_params = [{transform_indices = @transform_0, window_bounds = array<i64: 1024, 128>}, {transform_indices = @transform_1, window_bounds = array<i64: 1024, 3>}, {transform_indices = @transform_2, window_bounds = array<i64: 1024, 3>}, {transform_indices = @transform_3, window_bounds = array<i64: 1024, 1>}, {transform_indices = @transform_4, window_bounds = array<i64: 1024, 1>}, {pipeline_mode = #tpu.pipeline_mode<synchronous>, transform_indices = @transform_5, window_bounds = array<i64: 1, 128>}, {pipeline_mode = #tpu.pipeline_mode<synchronous>, transform_indices = @transform_6, window_bounds = array<i64: 1, 3>}, {transform_indices = @transform_7, window_bounds = array<i64: 1024, 3>}]} {
    %get3A = arith.constant 0 : index
    %get3A_0 = arith.constant 0 : index
    %get3A_1 = vector.load %arg6[%get3A, %get3A_0] : memref<1x128xf32, #tpu.memory_space<vmem>>, vector<1x128xf32>
    %get3A_2 = arith.constant 0 : index
    %get3A_3 = arith.constant 0 : index
    %get3A_4 = vector.load %arg4[%get3A_2, %get3A_3] : memref<1024x1xf32, #tpu.memory_space<vmem>>, vector<1024x1xf32>
    %get3A_5 = arith.constant 0 : index
    %get3A_6 = arith.constant 0 : index
    %get3A_7 = vector.load %arg5[%get3A_5, %get3A_6] : memref<1024x1xf32, #tpu.memory_space<vmem>>, vector<1024x1xf32>
    %get3A_8 = arith.constant 0 : index
    %get3A_9 = arith.constant 0 : index
    %get3A_10 = vector.load %arg1[%get3A_8, %get3A_9] : memref<1024x128xf32, #tpu.memory_space<vmem>>, vector<1024x128xf32>
    %mul3A = arith.constant 0.00787401571 : f32
    %mul3A_11 = vector.broadcast %mul3A : f32 to vector<1024x1xf32>
    %mul3A_12 = arith.mulf %get3A_7, %mul3A_11 : vector<1024x1xf32>
    %mul3A_13 = vector.broadcast %mul3A_12 : vector<1024x1xf32> to vector<1024x128xf32>
    %mul3A_14 = arith.mulf %get3A_10, %mul3A_13 : vector<1024x128xf32>
    %neg3A = arith.constant 0.000000e+00 : f32
    %neg3A_15 = vector.broadcast %neg3A : f32 to vector<1024x128xf32>
    %neg3A_16 = arith.subf %neg3A_15, %mul3A_14 : vector<1024x128xf32>
    %exp3A = math.exp %neg3A_16 : vector<1024x128xf32>
    %sub3A = arith.constant 1.000000e+00 : f32
    %sub3A_17 = vector.broadcast %sub3A : f32 to vector<1024x128xf32>
    %sub3A_18 = arith.subf %sub3A_17, %exp3A : vector<1024x128xf32>
    %iota3A = tpu.iota {dimensions = array<i32: 0>} : vector<128x128xi32>
    %iota3A_19 = tpu.iota {dimensions = array<i32: 1>} : vector<128x128xi32>
    %lt3A = arith.cmpi slt, %iota3A, %iota3A_19 : vector<128x128xi32>
    %convert_element_type3A = arith.extui %lt3A : vector<128x128xi1> to vector<128x128xi32>
    %convert_element_type3A_20 = arith.sitofp %convert_element_type3A : vector<128x128xi32> to vector<128x128xf32>
    %dot_general3A = arith.constant dense<0.000000e+00> : vector<1024x128xf32>
    %dot_general3A_21 = tpu.matmul %mul3A_14, %convert_element_type3A_20, %dot_general3A {dimension_numbers = #tpu.dot_dimension_numbers<[1], [0], [0], [1], [0, 0, 1, 1], [], []>, precision = #tpu.contract_precision<fp32>, transpose_lhs_hint = false} : vector<1024x128xf32>, vector<128x128xf32>, vector<1024x128xf32> -> vector<1024x128xf32>
    %neg3A_22 = arith.constant 0.000000e+00 : f32
    %neg3A_23 = vector.broadcast %neg3A_22 : f32 to vector<1024x128xf32>
    %neg3A_24 = arith.subf %neg3A_23, %dot_general3A_21 : vector<1024x128xf32>
    %exp3A_25 = math.exp %neg3A_24 : vector<1024x128xf32>
    %mul3A_26 = arith.mulf %sub3A_18, %exp3A_25 : vector<1024x128xf32>
    %reduce_sum3A = arith.constant dense<0.000000e+00> : vector<1024xf32>
    %reduce_sum3A_27 = vector.multi_reduction <add>, %mul3A_26, %reduce_sum3A [1] : vector<1024x128xf32> to vector<1024xf32>
    %broadcast_in_dim3A = vector.shape_cast %reduce_sum3A_27 : vector<1024xf32> to vector<1024x1xf32>
    %mul3A_28 = vector.broadcast %get3A_7 : vector<1024x1xf32> to vector<1024x128xf32>
    %mul3A_29 = vector.broadcast %get3A_1 : vector<1x128xf32> to vector<1024x128xf32>
    %mul3A_30 = arith.mulf %mul3A_28, %mul3A_29 : vector<1024x128xf32>
    %add3A = vector.broadcast %get3A_4 : vector<1024x1xf32> to vector<1024x128xf32>
    %add3A_31 = arith.addf %add3A, %mul3A_30 : vector<1024x128xf32>
    %get3A_32 = arith.constant 0 : index
    %get3A_33 = arith.constant 0 : index
    %get3A_34 = vector.load %arg2[%get3A_32, %get3A_33] : memref<1024x3xf32, #tpu.memory_space<vmem>>, vector<1024x3xf32>
    %get3A_35 = arith.constant 0 : index
    %get3A_36 = arith.constant 0 : index
    %get3A_37 = vector.load %arg3[%get3A_35, %get3A_36] : memref<1024x3xf32, #tpu.memory_space<vmem>>, vector<1024x3xf32>
    %slice3A = vector.extract_strided_slice %get3A_34 {offsets = [0, 0], sizes = [1024, 1], strides = [1, 1]} : vector<1024x3xf32> to vector<1024x1xf32>
    %slice3A_38 = vector.extract_strided_slice %get3A_37 {offsets = [0, 0], sizes = [1024, 1], strides = [1, 1]} : vector<1024x3xf32> to vector<1024x1xf32>
    %mul3A_39 = vector.broadcast %slice3A_38 : vector<1024x1xf32> to vector<1024x128xf32>
    %mul3A_40 = arith.mulf %mul3A_39, %add3A_31 : vector<1024x128xf32>
    %add3A_41 = vector.broadcast %slice3A : vector<1024x1xf32> to vector<1024x128xf32>
    %add3A_42 = arith.addf %add3A_41, %mul3A_40 : vector<1024x128xf32>
    %neg3A_43 = arith.constant 0.000000e+00 : f32
    %neg3A_44 = vector.broadcast %neg3A_43 : f32 to vector<1024x128xf32>
    %neg3A_45 = arith.subf %neg3A_44, %add3A_42 : vector<1024x128xf32>
    %exp3A_46 = math.exp %neg3A_45 : vector<1024x128xf32>
    %add3A_47 = arith.constant 1.000000e+00 : f32
    %add3A_48 = vector.broadcast %add3A_47 : f32 to vector<1024x128xf32>
    %add3A_49 = arith.addf %add3A_48, %exp3A_46 : vector<1024x128xf32>
    %div3A = arith.constant 1.000000e+00 : f32
    %div3A_50 = vector.broadcast %div3A : f32 to vector<1024x128xf32>
    %div3A_51 = arith.divf %div3A_50, %add3A_49 : vector<1024x128xf32>
    %mul3A_52 = arith.mulf %mul3A_26, %div3A_51 : vector<1024x128xf32>
    %reduce_sum3A_53 = arith.constant dense<0.000000e+00> : vector<1024xf32>
    %reduce_sum3A_54 = vector.multi_reduction <add>, %mul3A_52, %reduce_sum3A_53 [1] : vector<1024x128xf32> to vector<1024xf32>
    %broadcast_in_dim3A_55 = vector.shape_cast %reduce_sum3A_54 : vector<1024xf32> to vector<1024x1xf32>
    %sub3A_56 = arith.constant 1.000000e+00 : f32
    %sub3A_57 = vector.broadcast %sub3A_56 : f32 to vector<1024x1xf32>
    %sub3A_58 = arith.subf %sub3A_57, %broadcast_in_dim3A : vector<1024x1xf32>
    %get3A_59 = arith.constant 0 : index
    %get3A_60 = arith.constant 0 : index
    %get3A_61 = vector.load %arg7[%get3A_59, %get3A_60] : memref<1x3xf32, #tpu.memory_space<vmem>>, vector<1x1xf32>
    %get3A_62 = vector.extract %get3A_61[0, 0] : f32 from vector<1x1xf32>
    %mul3A_63 = vector.broadcast %get3A_62 : f32 to vector<1024x1xf32>
    %mul3A_64 = arith.mulf %sub3A_58, %mul3A_63 : vector<1024x1xf32>
    %add3A_65 = arith.addf %broadcast_in_dim3A_55, %mul3A_64 : vector<1024x1xf32>
    %slice3A_66 = vector.extract_strided_slice %get3A_34 {offsets = [0, 1], sizes = [1024, 1], strides = [1, 1]} : vector<1024x3xf32> to vector<1024x1xf32>
    %slice3A_67 = vector.extract_strided_slice %get3A_37 {offsets = [0, 1], sizes = [1024, 1], strides = [1, 1]} : vector<1024x3xf32> to vector<1024x1xf32>
    %mul3A_68 = vector.broadcast %slice3A_67 : vector<1024x1xf32> to vector<1024x128xf32>
    %mul3A_69 = arith.mulf %mul3A_68, %add3A_31 : vector<1024x128xf32>
    %add3A_70 = vector.broadcast %slice3A_66 : vector<1024x1xf32> to vector<1024x128xf32>
    %add3A_71 = arith.addf %add3A_70, %mul3A_69 : vector<1024x128xf32>
    %neg3A_72 = arith.constant 0.000000e+00 : f32
    %neg3A_73 = vector.broadcast %neg3A_72 : f32 to vector<1024x128xf32>
    %neg3A_74 = arith.subf %neg3A_73, %add3A_71 : vector<1024x128xf32>
    %exp3A_75 = math.exp %neg3A_74 : vector<1024x128xf32>
    %add3A_76 = arith.constant 1.000000e+00 : f32
    %add3A_77 = vector.broadcast %add3A_76 : f32 to vector<1024x128xf32>
    %add3A_78 = arith.addf %add3A_77, %exp3A_75 : vector<1024x128xf32>
    %div3A_79 = arith.constant 1.000000e+00 : f32
    %div3A_80 = vector.broadcast %div3A_79 : f32 to vector<1024x128xf32>
    %div3A_81 = arith.divf %div3A_80, %add3A_78 : vector<1024x128xf32>
    %mul3A_82 = arith.mulf %mul3A_26, %div3A_81 : vector<1024x128xf32>
    %reduce_sum3A_83 = arith.constant dense<0.000000e+00> : vector<1024xf32>
    %reduce_sum3A_84 = vector.multi_reduction <add>, %mul3A_82, %reduce_sum3A_83 [1] : vector<1024x128xf32> to vector<1024xf32>
    %broadcast_in_dim3A_85 = vector.shape_cast %reduce_sum3A_84 : vector<1024xf32> to vector<1024x1xf32>
    %sub3A_86 = arith.constant 1.000000e+00 : f32
    %sub3A_87 = vector.broadcast %sub3A_86 : f32 to vector<1024x1xf32>
    %sub3A_88 = arith.subf %sub3A_87, %broadcast_in_dim3A : vector<1024x1xf32>
    %get3A_89 = arith.constant 0 : index
    %get3A_90 = arith.constant 1 : index
    %get3A_91 = vector.load %arg7[%get3A_89, %get3A_90] : memref<1x3xf32, #tpu.memory_space<vmem>>, vector<1x1xf32>
    %get3A_92 = vector.extract %get3A_91[0, 0] : f32 from vector<1x1xf32>
    %mul3A_93 = vector.broadcast %get3A_92 : f32 to vector<1024x1xf32>
    %mul3A_94 = arith.mulf %sub3A_88, %mul3A_93 : vector<1024x1xf32>
    %add3A_95 = arith.addf %broadcast_in_dim3A_85, %mul3A_94 : vector<1024x1xf32>
    %slice3A_96 = vector.extract_strided_slice %get3A_34 {offsets = [0, 2], sizes = [1024, 1], strides = [1, 1]} : vector<1024x3xf32> to vector<1024x1xf32>
    %slice3A_97 = vector.extract_strided_slice %get3A_37 {offsets = [0, 2], sizes = [1024, 1], strides = [1, 1]} : vector<1024x3xf32> to vector<1024x1xf32>
    %mul3A_98 = vector.broadcast %slice3A_97 : vector<1024x1xf32> to vector<1024x128xf32>
    %mul3A_99 = arith.mulf %mul3A_98, %add3A_31 : vector<1024x128xf32>
    %add3A_100 = vector.broadcast %slice3A_96 : vector<1024x1xf32> to vector<1024x128xf32>
    %add3A_101 = arith.addf %add3A_100, %mul3A_99 : vector<1024x128xf32>
    %neg3A_102 = arith.constant 0.000000e+00 : f32
    %neg3A_103 = vector.broadcast %neg3A_102 : f32 to vector<1024x128xf32>
    %neg3A_104 = arith.subf %neg3A_103, %add3A_101 : vector<1024x128xf32>
    %exp3A_105 = math.exp %neg3A_104 : vector<1024x128xf32>
    %add3A_106 = arith.constant 1.000000e+00 : f32
    %add3A_107 = vector.broadcast %add3A_106 : f32 to vector<1024x128xf32>
    %add3A_108 = arith.addf %add3A_107, %exp3A_105 : vector<1024x128xf32>
    %div3A_109 = arith.constant 1.000000e+00 : f32
    %div3A_110 = vector.broadcast %div3A_109 : f32 to vector<1024x128xf32>
    %div3A_111 = arith.divf %div3A_110, %add3A_108 : vector<1024x128xf32>
    %mul3A_112 = arith.mulf %mul3A_26, %div3A_111 : vector<1024x128xf32>
    %reduce_sum3A_113 = arith.constant dense<0.000000e+00> : vector<1024xf32>
    %reduce_sum3A_114 = vector.multi_reduction <add>, %mul3A_112, %reduce_sum3A_113 [1] : vector<1024x128xf32> to vector<1024xf32>
    %broadcast_in_dim3A_115 = vector.shape_cast %reduce_sum3A_114 : vector<1024xf32> to vector<1024x1xf32>
    %sub3A_116 = arith.constant 1.000000e+00 : f32
    %sub3A_117 = vector.broadcast %sub3A_116 : f32 to vector<1024x1xf32>
    %sub3A_118 = arith.subf %sub3A_117, %broadcast_in_dim3A : vector<1024x1xf32>
    %get3A_119 = arith.constant 0 : index
    %get3A_120 = arith.constant 2 : index
    %get3A_121 = vector.load %arg7[%get3A_119, %get3A_120] : memref<1x3xf32, #tpu.memory_space<vmem>>, vector<1x1xf32>
    %get3A_122 = vector.extract %get3A_121[0, 0] : f32 from vector<1x1xf32>
    %mul3A_123 = vector.broadcast %get3A_122 : f32 to vector<1024x1xf32>
    %mul3A_124 = arith.mulf %sub3A_118, %mul3A_123 : vector<1024x1xf32>
    %add3A_125 = arith.addf %broadcast_in_dim3A_115, %mul3A_124 : vector<1024x1xf32>
    %concatenate3A = tpu.concatenate %add3A_65, %add3A_95, %add3A_125 in 1 : vector<1024x1xf32>, vector<1024x1xf32>, vector<1024x1xf32> -> vector<1024x3xf32>
    %swap3A = arith.constant 0 : index
    %swap3A_126 = arith.constant 0 : index
    %swap3A_127 = vector.load %arg8[%swap3A, %swap3A_126] : memref<1024x3xf32, #tpu.memory_space<vmem>>, vector<1024x3xf32>
    tpu.vector_store %arg8[%swap3A, %swap3A_126], %concatenate3A {strides = array<i32>} : memref<1024x3xf32, #tpu.memory_space<vmem>>, vector<1024x3xf32>,
    return
  }
  func.func @transform_0(%arg0: i32) -> (i32, i32) {
    %c0_i32 = arith.constant 0 : i32
    %c0_i32_0 = arith.constant 0 : i32
    return %arg0, %c0_i32 : i32, i32
  }
  func.func @transform_1(%arg0: i32) -> (i32, i32) {
    %add3A = arith.constant 0 : i32
    %add3A_0 = arith.addi %add3A, %arg0 : i32
    %c0_i32 = arith.constant 0 : i32
    %c0_i32_1 = arith.constant 0 : i32
    return %add3A_0, %c0_i32 : i32, i32
  }
  func.func @transform_2(%arg0: i32) -> (i32, i32) {
    %add3A = arith.constant 0 : i32
    %add3A_0 = arith.addi %add3A, %arg0 : i32
    %c0_i32 = arith.constant 0 : i32
    %c0_i32_1 = arith.constant 0 : i32
    return %add3A_0, %c0_i32 : i32, i32
  }
  func.func @transform_3(%arg0: i32) -> (i32, i32) {
    %c0_i32 = arith.constant 0 : i32
    %c0_i32_0 = arith.constant 0 : i32
    return %arg0, %c0_i32 : i32, i32
  }
  func.func @transform_4(%arg0: i32) -> (i32, i32) {
    %c0_i32 = arith.constant 0 : i32
    %c0_i32_0 = arith.constant 0 : i32
    return %arg0, %c0_i32 : i32, i32
  }
  func.func @transform_5(%arg0: i32) -> (i32, i32) {
    %c0_i32 = arith.constant 0 : i32
    %c0_i32_0 = arith.constant 0 : i32
    %c0_i32_1 = arith.constant 0 : i32
    return %c0_i32, %c0_i32_0 : i32, i32
  }
  func.func @transform_6(%arg0: i32) -> (i32, i32) {
    %c0_i32 = arith.constant 0 : i32
    %c0_i32_0 = arith.constant 0 : i32
    %c0_i32_1 = arith.constant 0 : i32
    return %c0_i32, %c0_i32_0 : i32, i32
  }
  func.func @transform_7(%arg0: i32) -> (i32, i32) {
    %c0_i32 = arith.constant 0 : i32
    %c0_i32_0 = arith.constant 0 : i32
    return %arg0, %c0_i32 : i32, i32
  }
}

module attributes {stable_mosaic.version = 14 : i64} {
  func.func @_comp_kernel(%arg0: i32, %arg1: memref<1024x128xf32, #tpu.memory_space<vmem>>, %arg2: memref<1024x3xf32, #tpu.memory_space<vmem>>, %arg3: memref<1024x3xf32, #tpu.memory_space<vmem>>, %arg4: memref<1024x1xf32, #tpu.memory_space<vmem>>, %arg5: memref<1024x1xf32, #tpu.memory_space<vmem>>, %arg6: memref<1x128xf32, #tpu.memory_space<vmem>>, %arg7: memref<1x3xf32, #tpu.memory_space<vmem>>, %arg8: memref<1024x3xf32, #tpu.memory_space<vmem>>) attributes {dimension_semantics = [#tpu.dimension_semantics<arbitrary>], iteration_bounds = array<i64: 12>, scalar_prefetch = 0 : i64, scratch_operands = 0 : i64, tpu.core_type = #tpu.core_type<tc>, window_params = [{transform_indices = @transform_0, window_bounds = array<i64: 1024, 128>}, {transform_indices = @transform_1, window_bounds = array<i64: 1024, 3>}, {transform_indices = @transform_2, window_bounds = array<i64: 1024, 3>}, {transform_indices = @transform_3, window_bounds = array<i64: 1024, 1>}, {transform_indices = @transform_4, window_bounds = array<i64: 1024, 1>}, {pipeline_mode = #tpu.pipeline_mode<synchronous>, transform_indices = @transform_5, window_bounds = array<i64: 1, 128>}, {pipeline_mode = #tpu.pipeline_mode<synchronous>, transform_indices = @transform_6, window_bounds = array<i64: 1, 3>}, {transform_indices = @transform_7, window_bounds = array<i64: 1024, 3>}]} {
    %get3A = arith.constant 0 : index
    %get3A_0 = arith.constant 0 : index
    %get3A_1 = vector.load %arg6[%get3A, %get3A_0] : memref<1x128xf32, #tpu.memory_space<vmem>>, vector<1x128xf32>
    %get3A_2 = arith.constant 0 : index
    %get3A_3 = arith.constant 0 : index
    %get3A_4 = vector.load %arg4[%get3A_2, %get3A_3] : memref<1024x1xf32, #tpu.memory_space<vmem>>, vector<1024x1xf32>
    %get3A_5 = arith.constant 0 : index
    %get3A_6 = arith.constant 0 : index
    %get3A_7 = vector.load %arg5[%get3A_5, %get3A_6] : memref<1024x1xf32, #tpu.memory_space<vmem>>, vector<1024x1xf32>
    %get3A_8 = arith.constant 0 : index
    %get3A_9 = arith.constant 0 : index
    %get3A_10 = vector.load %arg1[%get3A_8, %get3A_9] : memref<1024x128xf32, #tpu.memory_space<vmem>>, vector<1024x128xf32>
    %mul3A = arith.constant 0.00787401571 : f32
    %mul3A_11 = vector.broadcast %mul3A : f32 to vector<1024x1xf32>
    %mul3A_12 = arith.mulf %get3A_7, %mul3A_11 : vector<1024x1xf32>
    %mul3A_13 = vector.broadcast %mul3A_12 : vector<1024x1xf32> to vector<1024x128xf32>
    %mul3A_14 = arith.mulf %get3A_10, %mul3A_13 : vector<1024x128xf32>
    %neg3A = arith.constant 0.000000e+00 : f32
    %neg3A_15 = vector.broadcast %neg3A : f32 to vector<1024x128xf32>
    %neg3A_16 = arith.subf %neg3A_15, %mul3A_14 : vector<1024x128xf32>
    %exp3A = math.exp %neg3A_16 : vector<1024x128xf32>
    %sub3A = arith.constant 1.000000e+00 : f32
    %sub3A_17 = vector.broadcast %sub3A : f32 to vector<1024x128xf32>
    %sub3A_18 = arith.subf %sub3A_17, %exp3A : vector<1024x128xf32>
    %iota3A = tpu.iota {dimensions = array<i32: 0>} : vector<128x128xi32>
    %iota3A_19 = tpu.iota {dimensions = array<i32: 1>} : vector<128x128xi32>
    %lt3A = arith.cmpi slt, %iota3A, %iota3A_19 : vector<128x128xi32>
    %convert_element_type3A = arith.extui %lt3A : vector<128x128xi1> to vector<128x128xi32>
    %convert_element_type3A_20 = arith.sitofp %convert_element_type3A : vector<128x128xi32> to vector<128x128xf32>
    %dot_general3A = arith.constant dense<0.000000e+00> : vector<1024x128xf32>
    %dot_general3A_21 = tpu.matmul %mul3A_14, %convert_element_type3A_20, %dot_general3A {dimension_numbers = #tpu.dot_dimension_numbers<[1], [0], [0], [1], [0, 0, 1, 1], [], []>, precision = #tpu.contract_precision<fp32>, transpose_lhs_hint = false} : vector<1024x128xf32>, vector<128x128xf32>, vector<1024x128xf32> -> vector<1024x128xf32>
    %neg3A_22 = arith.constant 0.000000e+00 : f32
    %neg3A_23 = vector.broadcast %neg3A_22 : f32 to vector<1024x128xf32>
    %neg3A_24 = arith.subf %neg3A_23, %dot_general3A_21 : vector<1024x128xf32>
    %exp3A_25 = math.exp %neg3A_24 : vector<1024x128xf32>
    %mul3A_26 = arith.mulf %sub3A_18, %exp3A_25 : vector<1024x128xf32>
    %reduce_sum3A = arith.constant dense<0.000000e+00> : vector<1024xf32>
    %reduce_sum3A_27 = vector.multi_reduction <add>, %mul3A_26, %reduce_sum3A [1] : vector<1024x128xf32> to vector<1024xf32>
    %broadcast_in_dim3A = vector.shape_cast %reduce_sum3A_27 : vector<1024xf32> to vector<1024x1xf32>
    %mul3A_28 = vector.broadcast %get3A_7 : vector<1024x1xf32> to vector<1024x128xf32>
    %mul3A_29 = vector.broadcast %get3A_1 : vector<1x128xf32> to vector<1024x128xf32>
    %mul3A_30 = arith.mulf %mul3A_28, %mul3A_29 : vector<1024x128xf32>
    %add3A = vector.broadcast %get3A_4 : vector<1024x1xf32> to vector<1024x128xf32>
    %add3A_31 = arith.addf %add3A, %mul3A_30 : vector<1024x128xf32>
    %get3A_32 = arith.constant 0 : index
    %get3A_33 = arith.constant 0 : index
    %get3A_34 = vector.load %arg2[%get3A_32, %get3A_33] : memref<1024x3xf32, #tpu.memory_space<vmem>>, vector<1024x3xf32>
    %get3A_35 = arith.constant 0 : index
    %get3A_36 = arith.constant 0 : index
    %get3A_37 = vector.load %arg3[%get3A_35, %get3A_36] : memref<1024x3xf32, #tpu.memory_space<vmem>>, vector<1024x3xf32>
    %slice3A = vector.extract_strided_slice %get3A_34 {offsets = [0, 0], sizes = [1024, 1], strides = [1, 1]} : vector<1024x3xf32> to vector<1024x1xf32>
    %slice3A_38 = vector.extract_strided_slice %get3A_37 {offsets = [0, 0], sizes = [1024, 1], strides = [1, 1]} : vector<1024x3xf32> to vector<1024x1xf32>
    %mul3A_39 = vector.broadcast %slice3A_38 : vector<1024x1xf32> to vector<1024x128xf32>
    %mul3A_40 = arith.mulf %mul3A_39, %add3A_31 : vector<1024x128xf32>
    %add3A_41 = vector.broadcast %slice3A : vector<1024x1xf32> to vector<1024x128xf32>
    %add3A_42 = arith.addf %add3A_41, %mul3A_40 : vector<1024x128xf32>
    %neg3A_43 = arith.constant 0.000000e+00 : f32
    %neg3A_44 = vector.broadcast %neg3A_43 : f32 to vector<1024x128xf32>
    %neg3A_45 = arith.subf %neg3A_44, %add3A_42 : vector<1024x128xf32>
    %exp3A_46 = math.exp %neg3A_45 : vector<1024x128xf32>
    %add3A_47 = arith.constant 1.000000e+00 : f32
    %add3A_48 = vector.broadcast %add3A_47 : f32 to vector<1024x128xf32>
    %add3A_49 = arith.addf %add3A_48, %exp3A_46 : vector<1024x128xf32>
    %div3A = arith.constant 1.000000e+00 : f32
    %div3A_50 = vector.broadcast %div3A : f32 to vector<1024x128xf32>
    %div3A_51 = arith.divf %div3A_50, %add3A_49 : vector<1024x128xf32>
    %mul3A_52 = arith.mulf %mul3A_26, %div3A_51 : vector<1024x128xf32>
    %reduce_sum3A_53 = arith.constant dense<0.000000e+00> : vector<1024xf32>
    %reduce_sum3A_54 = vector.multi_reduction <add>, %mul3A_52, %reduce_sum3A_53 [1] : vector<1024x128xf32> to vector<1024xf32>
    %broadcast_in_dim3A_55 = vector.shape_cast %reduce_sum3A_54 : vector<1024xf32> to vector<1024x1xf32>
    %sub3A_56 = arith.constant 1.000000e+00 : f32
    %sub3A_57 = vector.broadcast %sub3A_56 : f32 to vector<1024x1xf32>
    %sub3A_58 = arith.subf %sub3A_57, %broadcast_in_dim3A : vector<1024x1xf32>
    %get3A_59 = arith.constant 0 : index
    %get3A_60 = arith.constant 0 : index
    %get3A_61 = vector.load %arg7[%get3A_59, %get3A_60] : memref<1x3xf32, #tpu.memory_space<vmem>>, vector<1x1xf32>
    %get3A_62 = vector.extract %get3A_61[0, 0] : f32 from vector<1x1xf32>
    %mul3A_63 = vector.broadcast %get3A_62 : f32 to vector<1024x1xf32>
    %mul3A_64 = arith.mulf %sub3A_58, %mul3A_63 : vector<1024x1xf32>
    %add3A_65 = arith.addf %broadcast_in_dim3A_55, %mul3A_64 : vector<1024x1xf32>
    %slice3A_66 = vector.extract_strided_slice %get3A_34 {offsets = [0, 1], sizes = [1024, 1], strides = [1, 1]} : vector<1024x3xf32> to vector<1024x1xf32>
    %slice3A_67 = vector.extract_strided_slice %get3A_37 {offsets = [0, 1], sizes = [1024, 1], strides = [1, 1]} : vector<1024x3xf32> to vector<1024x1xf32>
    %mul3A_68 = vector.broadcast %slice3A_67 : vector<1024x1xf32> to vector<1024x128xf32>
    %mul3A_69 = arith.mulf %mul3A_68, %add3A_31 : vector<1024x128xf32>
    %add3A_70 = vector.broadcast %slice3A_66 : vector<1024x1xf32> to vector<1024x128xf32>
    %add3A_71 = arith.addf %add3A_70, %mul3A_69 : vector<1024x128xf32>
    %neg3A_72 = arith.constant 0.000000e+00 : f32
    %neg3A_73 = vector.broadcast %neg3A_72 : f32 to vector<1024x128xf32>
    %neg3A_74 = arith.subf %neg3A_73, %add3A_71 : vector<1024x128xf32>
    %exp3A_75 = math.exp %neg3A_74 : vector<1024x128xf32>
    %add3A_76 = arith.constant 1.000000e+00 : f32
    %add3A_77 = vector.broadcast %add3A_76 : f32 to vector<1024x128xf32>
    %add3A_78 = arith.addf %add3A_77, %exp3A_75 : vector<1024x128xf32>
    %div3A_79 = arith.constant 1.000000e+00 : f32
    %div3A_80 = vector.broadcast %div3A_79 : f32 to vector<1024x128xf32>
    %div3A_81 = arith.divf %div3A_80, %add3A_78 : vector<1024x128xf32>
    %mul3A_82 = arith.mulf %mul3A_26, %div3A_81 : vector<1024x128xf32>
    %reduce_sum3A_83 = arith.constant dense<0.000000e+00> : vector<1024xf32>
    %reduce_sum3A_84 = vector.multi_reduction <add>, %mul3A_82, %reduce_sum3A_83 [1] : vector<1024x128xf32> to vector<1024xf32>
    %broadcast_in_dim3A_85 = vector.shape_cast %reduce_sum3A_84 : vector<1024xf32> to vector<1024x1xf32>
    %sub3A_86 = arith.constant 1.000000e+00 : f32
    %sub3A_87 = vector.broadcast %sub3A_86 : f32 to vector<1024x1xf32>
    %sub3A_88 = arith.subf %sub3A_87, %broadcast_in_dim3A : vector<1024x1xf32>
    %get3A_89 = arith.constant 0 : index
    %get3A_90 = arith.constant 1 : index
    %get3A_91 = vector.load %arg7[%get3A_89, %get3A_90] : memref<1x3xf32, #tpu.memory_space<vmem>>, vector<1x1xf32>
    %get3A_92 = vector.extract %get3A_91[0, 0] : f32 from vector<1x1xf32>
    %mul3A_93 = vector.broadcast %get3A_92 : f32 to vector<1024x1xf32>
    %mul3A_94 = arith.mulf %sub3A_88, %mul3A_93 : vector<1024x1xf32>
    %add3A_95 = arith.addf %broadcast_in_dim3A_85, %mul3A_94 : vector<1024x1xf32>
    %slice3A_96 = vector.extract_strided_slice %get3A_34 {offsets = [0, 2], sizes = [1024, 1], strides = [1, 1]} : vector<1024x3xf32> to vector<1024x1xf32>
    %slice3A_97 = vector.extract_strided_slice %get3A_37 {offsets = [0, 2], sizes = [1024, 1], strides = [1, 1]} : vector<1024x3xf32> to vector<1024x1xf32>
    %mul3A_98 = vector.broadcast %slice3A_97 : vector<1024x1xf32> to vector<1024x128xf32>
    %mul3A_99 = arith.mulf %mul3A_98, %add3A_31 : vector<1024x128xf32>
    %add3A_100 = vector.broadcast %slice3A_96 : vector<1024x1xf32> to vector<1024x128xf32>
    %add3A_101 = arith.addf %add3A_100, %mul3A_99 : vector<1024x128xf32>
    %neg3A_102 = arith.constant 0.000000e+00 : f32
    %neg3A_103 = vector.broadcast %neg3A_102 : f32 to vector<1024x128xf32>
    %neg3A_104 = arith.subf %neg3A_103, %add3A_101 : vector<1024x128xf32>
    %exp3A_105 = math.exp %neg3A_104 : vector<1024x128xf32>
    %add3A_106 = arith.constant 1.000000e+00 : f32
    %add3A_107 = vector.broadcast %add3A_106 : f32 to vector<1024x128xf32>
    %add3A_108 = arith.addf %add3A_107, %exp3A_105 : vector<1024x128xf32>
    %div3A_109 = arith.constant 1.000000e+00 : f32
    %div3A_110 = vector.broadcast %div3A_109 : f32 to vector<1024x128xf32>
    %div3A_111 = arith.divf %div3A_110, %add3A_108 : vector<1024x128xf32>
    %mul3A_112 = arith.mulf %mul3A_26, %div3A_111 : vector<1024x128xf32>
    %reduce_sum3A_113 = arith.constant dense<0.000000e+00> : vector<1024xf32>
    %reduce_sum3A_114 = vector.multi_reduction <add>, %mul3A_112, %reduce_sum3A_113 [1] : vector<1024x128xf32> to vector<1024xf32>
    %broadcast_in_dim3A_115 = vector.shape_cast %reduce_sum3A_114 : vector<1024xf32> to vector<1024x1xf32>
    %sub3A_116 = arith.constant 1.000000e+00 : f32
    %sub3A_117 = vector.broadcast %sub3A_116 : f32 to vector<1024x1xf32>
    %sub3A_118 = arith.subf %sub3A_117, %broadcast_in_dim3A : vector<1024x1xf32>
    %get3A_119 = arith.constant 0 : index
    %get3A_120 = arith.constant 2 : index
    %get3A_121 = vector.load %arg7[%get3A_119, %get3A_120] : memref<1x3xf32, #tpu.memory_space<vmem>>, vector<1x1xf32>
    %get3A_122 = vector.extract %get3A_121[0, 0] : f32 from vector<1x1xf32>
    %mul3A_123 = vector.broadcast %get3A_122 : f32 to vector<1024x1xf32>
    %mul3A_124 = arith.mulf %sub3A_118, %mul3A_123 : vector<1024x1xf32>
    %add3A_125 = arith.addf %broadcast_in_dim3A_115, %mul3A_124 : vector<1024x1xf32>
    %concatenate3A = tpu.concatenate %add3A_65, %add3A_95, %add3A_125 in 1 : vector<1024x1xf32>, vector<1024x1xf32>, vector<1024x1xf32> -> vector<1024x3xf32>
    %swap3A = arith.constant 0 : index
    %swap3A_126 = arith.constant 0 : index
    %swap3A_127 = vector.load %arg8[%swap3A, %swap3A_126] : memref<1024x3xf32, #tpu.memory_space<vmem>>, vector<1024x3xf32>
    tpu.vector_store %arg8[%swap3A, %swap3A_126], %concatenate3A {strides = array<i32>} : memref<1024x3xf32, #tpu.memory_space<vmem>>, vector<1024x3xf32>,
    return
  }
  func.func @transform_0(%arg0: i32) -> (i32, i32) {
    %c0_i32 = arith.constant 0 : i32
    %c0_i32_0 = arith.constant 0 : i32
    return %arg0, %c0_i32 : i32, i32
  }
  func.func @transform_1(%arg0: i32) -> (i32, i32) {
    %add3A = arith.constant 12 : i32
    %add3A_0 = arith.addi %add3A, %arg0 : i32
    %c0_i32 = arith.constant 0 : i32
    %c0_i32_1 = arith.constant 0 : i32
    return %add3A_0, %c0_i32 : i32, i32
  }
  func.func @transform_2(%arg0: i32) -> (i32, i32) {
    %add3A = arith.constant 12 : i32
    %add3A_0 = arith.addi %add3A, %arg0 : i32
    %c0_i32 = arith.constant 0 : i32
    %c0_i32_1 = arith.constant 0 : i32
    return %add3A_0, %c0_i32 : i32, i32
  }
  func.func @transform_3(%arg0: i32) -> (i32, i32) {
    %c0_i32 = arith.constant 0 : i32
    %c0_i32_0 = arith.constant 0 : i32
    return %arg0, %c0_i32 : i32, i32
  }
  func.func @transform_4(%arg0: i32) -> (i32, i32) {
    %c0_i32 = arith.constant 0 : i32
    %c0_i32_0 = arith.constant 0 : i32
    return %arg0, %c0_i32 : i32, i32
  }
  func.func @transform_5(%arg0: i32) -> (i32, i32) {
    %c0_i32 = arith.constant 0 : i32
    %c0_i32_0 = arith.constant 0 : i32
    %c0_i32_1 = arith.constant 0 : i32
    return %c0_i32, %c0_i32_0 : i32, i32
  }
  func.func @transform_6(%arg0: i32) -> (i32, i32) {
    %c0_i32 = arith.constant 0 : i32
    %c0_i32_0 = arith.constant 0 : i32
    %c0_i32_1 = arith.constant 0 : i32
    return %c0_i32, %c0_i32_0 : i32, i32
  }
  func.func @transform_7(%arg0: i32) -> (i32, i32) {
    %c0_i32 = arith.constant 0 : i32
    %c0_i32_0 = arith.constant 0 : i32
    return %arg0, %c0_i32 : i32, i32
  }
}

module attributes {stable_mosaic.version = 14 : i64} {
  func.func @_comp_kernel(%arg0: i32, %arg1: memref<1024x128xf32, #tpu.memory_space<vmem>>, %arg2: memref<1024x3xf32, #tpu.memory_space<vmem>>, %arg3: memref<1024x3xf32, #tpu.memory_space<vmem>>, %arg4: memref<1024x1xf32, #tpu.memory_space<vmem>>, %arg5: memref<1024x1xf32, #tpu.memory_space<vmem>>, %arg6: memref<1x128xf32, #tpu.memory_space<vmem>>, %arg7: memref<1x3xf32, #tpu.memory_space<vmem>>, %arg8: memref<1024x3xf32, #tpu.memory_space<vmem>>) attributes {dimension_semantics = [#tpu.dimension_semantics<arbitrary>], iteration_bounds = array<i64: 8>, scalar_prefetch = 0 : i64, scratch_operands = 0 : i64, tpu.core_type = #tpu.core_type<tc>, window_params = [{transform_indices = @transform_0, window_bounds = array<i64: 1024, 128>}, {transform_indices = @transform_1, window_bounds = array<i64: 1024, 3>}, {transform_indices = @transform_2, window_bounds = array<i64: 1024, 3>}, {transform_indices = @transform_3, window_bounds = array<i64: 1024, 1>}, {transform_indices = @transform_4, window_bounds = array<i64: 1024, 1>}, {pipeline_mode = #tpu.pipeline_mode<synchronous>, transform_indices = @transform_5, window_bounds = array<i64: 1, 128>}, {pipeline_mode = #tpu.pipeline_mode<synchronous>, transform_indices = @transform_6, window_bounds = array<i64: 1, 3>}, {transform_indices = @transform_7, window_bounds = array<i64: 1024, 3>}]} {
    %get3A = arith.constant 0 : index
    %get3A_0 = arith.constant 0 : index
    %get3A_1 = vector.load %arg6[%get3A, %get3A_0] : memref<1x128xf32, #tpu.memory_space<vmem>>, vector<1x128xf32>
    %get3A_2 = arith.constant 0 : index
    %get3A_3 = arith.constant 0 : index
    %get3A_4 = vector.load %arg4[%get3A_2, %get3A_3] : memref<1024x1xf32, #tpu.memory_space<vmem>>, vector<1024x1xf32>
    %get3A_5 = arith.constant 0 : index
    %get3A_6 = arith.constant 0 : index
    %get3A_7 = vector.load %arg5[%get3A_5, %get3A_6] : memref<1024x1xf32, #tpu.memory_space<vmem>>, vector<1024x1xf32>
    %get3A_8 = arith.constant 0 : index
    %get3A_9 = arith.constant 0 : index
    %get3A_10 = vector.load %arg1[%get3A_8, %get3A_9] : memref<1024x128xf32, #tpu.memory_space<vmem>>, vector<1024x128xf32>
    %mul3A = arith.constant 0.00787401571 : f32
    %mul3A_11 = vector.broadcast %mul3A : f32 to vector<1024x1xf32>
    %mul3A_12 = arith.mulf %get3A_7, %mul3A_11 : vector<1024x1xf32>
    %mul3A_13 = vector.broadcast %mul3A_12 : vector<1024x1xf32> to vector<1024x128xf32>
    %mul3A_14 = arith.mulf %get3A_10, %mul3A_13 : vector<1024x128xf32>
    %neg3A = arith.constant 0.000000e+00 : f32
    %neg3A_15 = vector.broadcast %neg3A : f32 to vector<1024x128xf32>
    %neg3A_16 = arith.subf %neg3A_15, %mul3A_14 : vector<1024x128xf32>
    %exp3A = math.exp %neg3A_16 : vector<1024x128xf32>
    %sub3A = arith.constant 1.000000e+00 : f32
    %sub3A_17 = vector.broadcast %sub3A : f32 to vector<1024x128xf32>
    %sub3A_18 = arith.subf %sub3A_17, %exp3A : vector<1024x128xf32>
    %iota3A = tpu.iota {dimensions = array<i32: 0>} : vector<128x128xi32>
    %iota3A_19 = tpu.iota {dimensions = array<i32: 1>} : vector<128x128xi32>
    %lt3A = arith.cmpi slt, %iota3A, %iota3A_19 : vector<128x128xi32>
    %convert_element_type3A = arith.extui %lt3A : vector<128x128xi1> to vector<128x128xi32>
    %convert_element_type3A_20 = arith.sitofp %convert_element_type3A : vector<128x128xi32> to vector<128x128xf32>
    %dot_general3A = arith.constant dense<0.000000e+00> : vector<1024x128xf32>
    %dot_general3A_21 = tpu.matmul %mul3A_14, %convert_element_type3A_20, %dot_general3A {dimension_numbers = #tpu.dot_dimension_numbers<[1], [0], [0], [1], [0, 0, 1, 1], [], []>, precision = #tpu.contract_precision<fp32>, transpose_lhs_hint = false} : vector<1024x128xf32>, vector<128x128xf32>, vector<1024x128xf32> -> vector<1024x128xf32>
    %neg3A_22 = arith.constant 0.000000e+00 : f32
    %neg3A_23 = vector.broadcast %neg3A_22 : f32 to vector<1024x128xf32>
    %neg3A_24 = arith.subf %neg3A_23, %dot_general3A_21 : vector<1024x128xf32>
    %exp3A_25 = math.exp %neg3A_24 : vector<1024x128xf32>
    %mul3A_26 = arith.mulf %sub3A_18, %exp3A_25 : vector<1024x128xf32>
    %reduce_sum3A = arith.constant dense<0.000000e+00> : vector<1024xf32>
    %reduce_sum3A_27 = vector.multi_reduction <add>, %mul3A_26, %reduce_sum3A [1] : vector<1024x128xf32> to vector<1024xf32>
    %broadcast_in_dim3A = vector.shape_cast %reduce_sum3A_27 : vector<1024xf32> to vector<1024x1xf32>
    %mul3A_28 = vector.broadcast %get3A_7 : vector<1024x1xf32> to vector<1024x128xf32>
    %mul3A_29 = vector.broadcast %get3A_1 : vector<1x128xf32> to vector<1024x128xf32>
    %mul3A_30 = arith.mulf %mul3A_28, %mul3A_29 : vector<1024x128xf32>
    %add3A = vector.broadcast %get3A_4 : vector<1024x1xf32> to vector<1024x128xf32>
    %add3A_31 = arith.addf %add3A, %mul3A_30 : vector<1024x128xf32>
    %get3A_32 = arith.constant 0 : index
    %get3A_33 = arith.constant 0 : index
    %get3A_34 = vector.load %arg2[%get3A_32, %get3A_33] : memref<1024x3xf32, #tpu.memory_space<vmem>>, vector<1024x3xf32>
    %get3A_35 = arith.constant 0 : index
    %get3A_36 = arith.constant 0 : index
    %get3A_37 = vector.load %arg3[%get3A_35, %get3A_36] : memref<1024x3xf32, #tpu.memory_space<vmem>>, vector<1024x3xf32>
    %slice3A = vector.extract_strided_slice %get3A_34 {offsets = [0, 0], sizes = [1024, 1], strides = [1, 1]} : vector<1024x3xf32> to vector<1024x1xf32>
    %slice3A_38 = vector.extract_strided_slice %get3A_37 {offsets = [0, 0], sizes = [1024, 1], strides = [1, 1]} : vector<1024x3xf32> to vector<1024x1xf32>
    %mul3A_39 = vector.broadcast %slice3A_38 : vector<1024x1xf32> to vector<1024x128xf32>
    %mul3A_40 = arith.mulf %mul3A_39, %add3A_31 : vector<1024x128xf32>
    %add3A_41 = vector.broadcast %slice3A : vector<1024x1xf32> to vector<1024x128xf32>
    %add3A_42 = arith.addf %add3A_41, %mul3A_40 : vector<1024x128xf32>
    %neg3A_43 = arith.constant 0.000000e+00 : f32
    %neg3A_44 = vector.broadcast %neg3A_43 : f32 to vector<1024x128xf32>
    %neg3A_45 = arith.subf %neg3A_44, %add3A_42 : vector<1024x128xf32>
    %exp3A_46 = math.exp %neg3A_45 : vector<1024x128xf32>
    %add3A_47 = arith.constant 1.000000e+00 : f32
    %add3A_48 = vector.broadcast %add3A_47 : f32 to vector<1024x128xf32>
    %add3A_49 = arith.addf %add3A_48, %exp3A_46 : vector<1024x128xf32>
    %div3A = arith.constant 1.000000e+00 : f32
    %div3A_50 = vector.broadcast %div3A : f32 to vector<1024x128xf32>
    %div3A_51 = arith.divf %div3A_50, %add3A_49 : vector<1024x128xf32>
    %mul3A_52 = arith.mulf %mul3A_26, %div3A_51 : vector<1024x128xf32>
    %reduce_sum3A_53 = arith.constant dense<0.000000e+00> : vector<1024xf32>
    %reduce_sum3A_54 = vector.multi_reduction <add>, %mul3A_52, %reduce_sum3A_53 [1] : vector<1024x128xf32> to vector<1024xf32>
    %broadcast_in_dim3A_55 = vector.shape_cast %reduce_sum3A_54 : vector<1024xf32> to vector<1024x1xf32>
    %sub3A_56 = arith.constant 1.000000e+00 : f32
    %sub3A_57 = vector.broadcast %sub3A_56 : f32 to vector<1024x1xf32>
    %sub3A_58 = arith.subf %sub3A_57, %broadcast_in_dim3A : vector<1024x1xf32>
    %get3A_59 = arith.constant 0 : index
    %get3A_60 = arith.constant 0 : index
    %get3A_61 = vector.load %arg7[%get3A_59, %get3A_60] : memref<1x3xf32, #tpu.memory_space<vmem>>, vector<1x1xf32>
    %get3A_62 = vector.extract %get3A_61[0, 0] : f32 from vector<1x1xf32>
    %mul3A_63 = vector.broadcast %get3A_62 : f32 to vector<1024x1xf32>
    %mul3A_64 = arith.mulf %sub3A_58, %mul3A_63 : vector<1024x1xf32>
    %add3A_65 = arith.addf %broadcast_in_dim3A_55, %mul3A_64 : vector<1024x1xf32>
    %slice3A_66 = vector.extract_strided_slice %get3A_34 {offsets = [0, 1], sizes = [1024, 1], strides = [1, 1]} : vector<1024x3xf32> to vector<1024x1xf32>
    %slice3A_67 = vector.extract_strided_slice %get3A_37 {offsets = [0, 1], sizes = [1024, 1], strides = [1, 1]} : vector<1024x3xf32> to vector<1024x1xf32>
    %mul3A_68 = vector.broadcast %slice3A_67 : vector<1024x1xf32> to vector<1024x128xf32>
    %mul3A_69 = arith.mulf %mul3A_68, %add3A_31 : vector<1024x128xf32>
    %add3A_70 = vector.broadcast %slice3A_66 : vector<1024x1xf32> to vector<1024x128xf32>
    %add3A_71 = arith.addf %add3A_70, %mul3A_69 : vector<1024x128xf32>
    %neg3A_72 = arith.constant 0.000000e+00 : f32
    %neg3A_73 = vector.broadcast %neg3A_72 : f32 to vector<1024x128xf32>
    %neg3A_74 = arith.subf %neg3A_73, %add3A_71 : vector<1024x128xf32>
    %exp3A_75 = math.exp %neg3A_74 : vector<1024x128xf32>
    %add3A_76 = arith.constant 1.000000e+00 : f32
    %add3A_77 = vector.broadcast %add3A_76 : f32 to vector<1024x128xf32>
    %add3A_78 = arith.addf %add3A_77, %exp3A_75 : vector<1024x128xf32>
    %div3A_79 = arith.constant 1.000000e+00 : f32
    %div3A_80 = vector.broadcast %div3A_79 : f32 to vector<1024x128xf32>
    %div3A_81 = arith.divf %div3A_80, %add3A_78 : vector<1024x128xf32>
    %mul3A_82 = arith.mulf %mul3A_26, %div3A_81 : vector<1024x128xf32>
    %reduce_sum3A_83 = arith.constant dense<0.000000e+00> : vector<1024xf32>
    %reduce_sum3A_84 = vector.multi_reduction <add>, %mul3A_82, %reduce_sum3A_83 [1] : vector<1024x128xf32> to vector<1024xf32>
    %broadcast_in_dim3A_85 = vector.shape_cast %reduce_sum3A_84 : vector<1024xf32> to vector<1024x1xf32>
    %sub3A_86 = arith.constant 1.000000e+00 : f32
    %sub3A_87 = vector.broadcast %sub3A_86 : f32 to vector<1024x1xf32>
    %sub3A_88 = arith.subf %sub3A_87, %broadcast_in_dim3A : vector<1024x1xf32>
    %get3A_89 = arith.constant 0 : index
    %get3A_90 = arith.constant 1 : index
    %get3A_91 = vector.load %arg7[%get3A_89, %get3A_90] : memref<1x3xf32, #tpu.memory_space<vmem>>, vector<1x1xf32>
    %get3A_92 = vector.extract %get3A_91[0, 0] : f32 from vector<1x1xf32>
    %mul3A_93 = vector.broadcast %get3A_92 : f32 to vector<1024x1xf32>
    %mul3A_94 = arith.mulf %sub3A_88, %mul3A_93 : vector<1024x1xf32>
    %add3A_95 = arith.addf %broadcast_in_dim3A_85, %mul3A_94 : vector<1024x1xf32>
    %slice3A_96 = vector.extract_strided_slice %get3A_34 {offsets = [0, 2], sizes = [1024, 1], strides = [1, 1]} : vector<1024x3xf32> to vector<1024x1xf32>
    %slice3A_97 = vector.extract_strided_slice %get3A_37 {offsets = [0, 2], sizes = [1024, 1], strides = [1, 1]} : vector<1024x3xf32> to vector<1024x1xf32>
    %mul3A_98 = vector.broadcast %slice3A_97 : vector<1024x1xf32> to vector<1024x128xf32>
    %mul3A_99 = arith.mulf %mul3A_98, %add3A_31 : vector<1024x128xf32>
    %add3A_100 = vector.broadcast %slice3A_96 : vector<1024x1xf32> to vector<1024x128xf32>
    %add3A_101 = arith.addf %add3A_100, %mul3A_99 : vector<1024x128xf32>
    %neg3A_102 = arith.constant 0.000000e+00 : f32
    %neg3A_103 = vector.broadcast %neg3A_102 : f32 to vector<1024x128xf32>
    %neg3A_104 = arith.subf %neg3A_103, %add3A_101 : vector<1024x128xf32>
    %exp3A_105 = math.exp %neg3A_104 : vector<1024x128xf32>
    %add3A_106 = arith.constant 1.000000e+00 : f32
    %add3A_107 = vector.broadcast %add3A_106 : f32 to vector<1024x128xf32>
    %add3A_108 = arith.addf %add3A_107, %exp3A_105 : vector<1024x128xf32>
    %div3A_109 = arith.constant 1.000000e+00 : f32
    %div3A_110 = vector.broadcast %div3A_109 : f32 to vector<1024x128xf32>
    %div3A_111 = arith.divf %div3A_110, %add3A_108 : vector<1024x128xf32>
    %mul3A_112 = arith.mulf %mul3A_26, %div3A_111 : vector<1024x128xf32>
    %reduce_sum3A_113 = arith.constant dense<0.000000e+00> : vector<1024xf32>
    %reduce_sum3A_114 = vector.multi_reduction <add>, %mul3A_112, %reduce_sum3A_113 [1] : vector<1024x128xf32> to vector<1024xf32>
    %broadcast_in_dim3A_115 = vector.shape_cast %reduce_sum3A_114 : vector<1024xf32> to vector<1024x1xf32>
    %sub3A_116 = arith.constant 1.000000e+00 : f32
    %sub3A_117 = vector.broadcast %sub3A_116 : f32 to vector<1024x1xf32>
    %sub3A_118 = arith.subf %sub3A_117, %broadcast_in_dim3A : vector<1024x1xf32>
    %get3A_119 = arith.constant 0 : index
    %get3A_120 = arith.constant 2 : index
    %get3A_121 = vector.load %arg7[%get3A_119, %get3A_120] : memref<1x3xf32, #tpu.memory_space<vmem>>, vector<1x1xf32>
    %get3A_122 = vector.extract %get3A_121[0, 0] : f32 from vector<1x1xf32>
    %mul3A_123 = vector.broadcast %get3A_122 : f32 to vector<1024x1xf32>
    %mul3A_124 = arith.mulf %sub3A_118, %mul3A_123 : vector<1024x1xf32>
    %add3A_125 = arith.addf %broadcast_in_dim3A_115, %mul3A_124 : vector<1024x1xf32>
    %concatenate3A = tpu.concatenate %add3A_65, %add3A_95, %add3A_125 in 1 : vector<1024x1xf32>, vector<1024x1xf32>, vector<1024x1xf32> -> vector<1024x3xf32>
    %swap3A = arith.constant 0 : index
    %swap3A_126 = arith.constant 0 : index
    %swap3A_127 = vector.load %arg8[%swap3A, %swap3A_126] : memref<1024x3xf32, #tpu.memory_space<vmem>>, vector<1024x3xf32>
    tpu.vector_store %arg8[%swap3A, %swap3A_126], %concatenate3A {strides = array<i32>} : memref<1024x3xf32, #tpu.memory_space<vmem>>, vector<1024x3xf32>,
    return
  }
  func.func @transform_0(%arg0: i32) -> (i32, i32) {
    %c0_i32 = arith.constant 0 : i32
    %c0_i32_0 = arith.constant 0 : i32
    return %arg0, %c0_i32 : i32, i32
  }
  func.func @transform_1(%arg0: i32) -> (i32, i32) {
    %add3A = arith.constant 24 : i32
    %add3A_0 = arith.addi %add3A, %arg0 : i32
    %c0_i32 = arith.constant 0 : i32
    %c0_i32_1 = arith.constant 0 : i32
    return %add3A_0, %c0_i32 : i32, i32
  }
  func.func @transform_2(%arg0: i32) -> (i32, i32) {
    %add3A = arith.constant 24 : i32
    %add3A_0 = arith.addi %add3A, %arg0 : i32
    %c0_i32 = arith.constant 0 : i32
    %c0_i32_1 = arith.constant 0 : i32
    return %add3A_0, %c0_i32 : i32, i32
  }
  func.func @transform_3(%arg0: i32) -> (i32, i32) {
    %c0_i32 = arith.constant 0 : i32
    %c0_i32_0 = arith.constant 0 : i32
    return %arg0, %c0_i32 : i32, i32
  }
  func.func @transform_4(%arg0: i32) -> (i32, i32) {
    %c0_i32 = arith.constant 0 : i32
    %c0_i32_0 = arith.constant 0 : i32
    return %arg0, %c0_i32 : i32, i32
  }
  func.func @transform_5(%arg0: i32) -> (i32, i32) {
    %c0_i32 = arith.constant 0 : i32
    %c0_i32_0 = arith.constant 0 : i32
    %c0_i32_1 = arith.constant 0 : i32
    return %c0_i32, %c0_i32_0 : i32, i32
  }
  func.func @transform_6(%arg0: i32) -> (i32, i32) {
    %c0_i32 = arith.constant 0 : i32
    %c0_i32_0 = arith.constant 0 : i32
    %c0_i32_1 = arith.constant 0 : i32
    return %c0_i32, %c0_i32_0 : i32, i32
  }
  func.func @transform_7(%arg0: i32) -> (i32, i32) {
    %c0_i32 = arith.constant 0 : i32
    %c0_i32_0 = arith.constant 0 : i32
    return %arg0, %c0_i32 : i32, i32
  }
}

</mosaic_0001>

<sc_bundles>
// kernel: kernel.11.cloned.1.call-start
scs
__scs_entry_jumppad:
0x0: {  	(pc) =	sbr.rel $0x88, $3  }
0x1: {  	(tag) =	ssettag $0x0;
	lr =	simm.s32 $0x1  }
0x2: {  	[smem:$0x3F9C] =	sst lr;
	_ =	strace $0xD0000000  }
0x3: {  	_ = 	snop  }
0x4: {  	_ = 	snop  }
0x5: {  	_ = 	snop  }
0x6: {  	_ = 	snop  }
0x7: {  	_ = 	snop  }
__scs_overlays_trampoline_lowered:
0x8: {  	[smem:$0x3FAB] =	sst s0  }
0x9: {  	[smem:$0x3FAC] =	sst s1  }
0xa: {  	[smem:$0x3FAD] =	sst s2  }
0xb: {  	[smem:$0x3FAE] =	sst s3  }
0xc: {  	[smem:$0x3FAF] =	sst s4  }
0xd: {  	[smem:$0x3FB0] =	sst s5  }
0xe: {  	[smem:$0x3FB1] =	sst s6  }
0xf: {  	[smem:$0x3FB2] =	sst s7  }
0x10: {  	[smem:$0x3FB3] =	sst s8  }
0x11: {  	[smem:$0x3FB4] =	sst s9;
	s0 =	simm.s32 @!p0 $0x0  }
0x12: {  	s1 =	sld [smem:$0x3F9A];
	s0 =	simm.s32 @p0 $0x1  }
0x13: {  	[smem:$0x3FB5] =	sst s0;
	s0 =	simm.s32 @!p1 $0x0  }
0x14: {  	s2 =	sld [smem:$0x3F99];
	s0 =	simm.s32 @p1 $0x1  }
0x15: {  	[smem:$0x3FB6] =	sst s0;
	s0 =	simm.s32 @!p2 $0x0  }
0x16: {  	s3 =	sld [smem:$0x3FDB];
	s0 =	simm.s32 @p2 $0x1  }
0x17: {  	s4 =	simm.s32 $0x1BF5;
	[smem:$0x3FB8] =	sst s0  }
0x18: {  	s0 =	sld [smem:$0x3F9B];
	_ =	swait.ge [sflag:s4], $0x0  }
0x19: {  	s7 =	sld [smem:$0x3F9C]  }
0x1a: {  	s8 =	sadd.s32 $0xFFFFE003, lr  }
0x1b: {  	s9 =	sadd.s32 $0xFFFFFEF7, lr;
	s5 =	simm.s32 $0xFFFFFFFF;
	p2 =	slt.u32 s8, $0xFFFFF086  }
0x1c: {  	p1 =	slt.u32 s9, $0xF7A;
	s5 =	simm.s32 @!p2 $0x0  }
0x1d: {  	s5 =	simm.s32 @p1 $0x1;
	p0 =	seq.s32 s7, s2  }
0x1e: {  	s7 =	smul.u32 @!p0 $0xF7A, s2;
	p2 =	seq.s32 @!p0 s5, $0x0  }
0x1f: {  	s9 =	smul.u32 $0xF7A, s1;
	s8 =	simm.s32 @!p0 $0x1BF5;
	p2 =	por !p2, p0  }
0x20: {  	[sflag:s8] =	ssyncset.s32 @!p0 $0xFFFFF086;
	s6 =	sadd.s32 @!p0 s3, s7;
	s7 =	simm.s32 @!p0 $0x108  }
0x21: {  	s3 =	sadd.s32 s3, s9;
	s6 =	sadd.s32 @!p0 $0x88, s6;
	s7 =	simm.s32 @p2 $0x1082  }
0x22: {  	[simem:s7], [sflag:s8] =	dma.local @!p0 [hbm:s6], $0xF7A  }
0x23: {  	s9 =	sor.u32 $0xD0000000, s2;
	s6 =	simm.s32 $0x108;
	_ =	swait.ge @!p0 [sflag:s8], $0x0  }
0x24: {  	s3 =	sadd.s32 $0x88, s3;
	s6 =	simm.s32 @!p1 $0x1082;
	[sflag:s4] =	ssyncset.s32 $0xFFFFF086  }
0x25: {  	[simem:s6], [sflag:s4] =	dma.local [hbm:s3], $0xF7A  }
0x26: {  	[smem:$0x3F9C] =	sst s1;
	(tag) =	ssettag s2;
	_ =	strace s9  }
0x27: {  	s1 =	sld [smem:$0x3FAC]  }
0x28: {  	s2 =	sld [smem:$0x3FAD]  }
0x29: {  	s4 =	sld [smem:$0x3FAF]  }
0x2a: {  	p0 =	seq.s32 s5, $0x0;
	s5 =	sld [smem:$0x3FB0]  }
0x2b: {  	s6 =	sld [smem:$0x3FB1]  }
0x2c: {  	s7 =	sld [smem:$0x3FB2]  }
0x2d: {  	s3 =	simm.s32 $0x108;
	s8 =	sld [smem:$0x3FB3]  }
0x2e: {  	s3 =	simm.s32 @!p0 $0x1082;
	s9 =	sld [smem:$0x3FB4]  }
0x2f: {  	lr =	sadd.s32 s0, s3;
	s0 =	sld [smem:$0x3FAB]  }
0x30: {  	s3 =	sld [smem:$0x3FAE]  }
0x31: {  	[smem:$0x3FB7] =	sst s10  }
0x32: {  	s10 =	sld [smem:$0x3FB5];
	_ =	sdelay $0x3  }
0x33: {  	p0 =	seq.s32 s10, $0x1;
	s10 =	sld [smem:$0x3FB7];
	_ =	sdelay $0x3  }
0x34: {  	[smem:$0x3FB7] =	sst s10  }
0x35: {  	s10 =	sld [smem:$0x3FB6];
	_ =	sdelay $0x3  }
0x36: {  	p1 =	seq.s32 s10, $0x1;
	s10 =	sld [smem:$0x3FB7];
	_ =	sdelay $0x3  }
0x37: {  	[smem:$0x3FB7] =	sst s10  }
0x38: {  	s10 =	sld [smem:$0x3FB8]  }
0x39: {  	_ = 	snop;
	(pc) =	sbr.ind lr, $3  }
0x3a: {  	_ = 	snop  }
0x3b: {  	_ = 	snop  }
0x3c: {  	p2 =	seq.s32 s10, $0x1;
	s10 =	sld [smem:$0x3FB7]  }
0x3d: {  	_ =	shalt  }
0x3e: {  	_ =	shalt  }
0x3f: {  	_ =	shalt  }
0x40: {  	_ =	shalt  }
0x41: {  	_ =	shalt  }
0x42: {  	_ =	shalt  }
0x43: {  	_ =	shalt  }
0x44: {  	_ =	shalt  }
0x45: {  	_ =	shalt  }
0x46: {  	_ =	shalt  }
0x47: {  	_ =	shalt  }
0x48: {  	_ =	shalt  }
0x49: {  	_ =	shalt  }
0x4a: {  	_ =	shalt  }
0x4b: {  	_ =	shalt  }
0x4c: {  	_ =	shalt  }
0x4d: {  	_ =	shalt  }
0x4e: {  	_ =	shalt  }
0x4f: {  	_ =	shalt  }
0x50: {  	_ =	shalt  }
0x51: {  	_ =	shalt  }
0x52: {  	_ =	shalt  }
0x53: {  	_ =	shalt  }
0x54: {  	_ =	shalt  }
0x55: {  	_ =	shalt  }
0x56: {  	_ =	shalt  }
0x57: {  	_ =	shalt  }
0x58: {  	_ =	shalt  }
0x59: {  	_ =	shalt  }
0x5a: {  	_ =	shalt  }
0x5b: {  	_ =	shalt  }
0x5c: {  	_ =	shalt  }
0x5d: {  	_ =	shalt  }
0x5e: {  	_ =	shalt  }
0x5f: {  	_ =	shalt  }
0x60: {  	_ =	shalt  }
0x61: {  	_ =	shalt  }
0x62: {  	_ =	shalt  }
0x63: {  	_ =	shalt  }
0x64: {  	_ =	shalt  }
0x65: {  	_ =	shalt  }
0x66: {  	_ =	shalt  }
0x67: {  	_ =	shalt  }
0x68: {  	_ =	shalt  }
0x69: {  	_ =	shalt  }
0x6a: {  	_ =	shalt  }
0x6b: {  	_ =	shalt  }
0x6c: {  	_ =	shalt  }
0x6d: {  	_ =	shalt  }
0x6e: {  	_ =	shalt  }
0x6f: {  	_ =	shalt  }
0x70: {  	_ =	shalt  }
0x71: {  	_ =	shalt  }
0x72: {  	_ =	shalt  }
0x73: {  	_ =	shalt  }
0x74: {  	_ =	shalt  }
0x75: {  	_ =	shalt  }
0x76: {  	_ =	shalt  }
0x77: {  	_ =	shalt  }
0x78: {  	_ =	shalt  }
0x79: {  	_ =	shalt  }
0x7a: {  	_ =	shalt  }
0x7b: {  	_ =	shalt  }
0x7c: {  	_ =	shalt  }
0x7d: {  	_ =	shalt  }
0x7e: {  	_ =	shalt  }
0x7f: {  	_ =	shalt  }
0x80: {  	_ =	shalt  }
0x81: {  	_ =	shalt  }
0x82: {  	_ =	shalt  }
0x83: {  	_ =	shalt  }
0x84: {  	_ =	shalt  }
0x85: {  	_ =	shalt  }
0x86: {  	_ =	shalt  }
0x87: {  	_ =	shalt  }
.Lfunc_end0:
.L_simem_size_0:
called_computation.1_lowered:
.L_overlay_start_0:
0x88: {  	s2 =	sld [smem:$0x3FD9]  }
0x89: {  	s3 =	sld [smem:$0x3FFE];
	_ =	sdelay $0x1  }
0x8a: {  	s1 =	srdreg.scid  }
0x8b: {  	s0 =	sand.u32 $0x1, s1  }
0x8c: {  	s16 =	sshll.u32 s0, $0xA;
	s2 =	sadd.s32 s3, s2  }
0x8d: {  	s2 =	sadd.s32 s2, s16  }
0x8e: {  	[smem:$0x3FC3] =	sst s2  }
0x8f: {  	_ = 	snop  }
0x90: {  	(tm) =	ssettm $0x1  }
0x91: {  	s17 =	sld [smem:$0x3FFB];
	_ =	sdelay $0x3  }
0x92: {  	_ =	strace s17  }
0x93: {  	s2 =	sld [smem:$0x3FFC];
	_ =	sdelay $0x3  }
0x94: {  	_ =	strace s2  }
0x95: {  	s2 =	sld [smem:$0x3FFD];
	_ =	sdelay $0x3  }
0x96: {  	_ =	strace s2  }
0x97: {  	_ =	strace $0x8FFFFFFF  }
0x98: {  	s18 =	sld [smem:$0x3FDB];
	_ =	sdelay $0x1  }
0x99: {  	s19 =	simm.s32 $_scs_section_size  }
0x9a: {  	s4 =	simm.s32 $_size__tile_overlayer_lowered;
	s5 =	simm.s32 $_tile_overlayer_lowered  }
0x9b: {  	s22 =	simm.s32 $0x1BFF;
	s21 =	sshll.u32 s5, $0x1;
	s2 =	sadd.s32 s19, s18  }
0x9c: {  	s6 =	simm.s32 $0x0;
	s20 =	sshll.u32 s4, $0x1;
	s4 =	sadd.s32 s21, s2  }
0x9d: {  	[timem:s6], [sflag:s22] =	dma.local [hbm:s4], s20  }
0x9e: {  	_ =	swait.ge [sflag:s22], s20  }
0x9f: {  	s3 =	ssub.s32 $0x0, s20;
	[sflag:s22] =	ssyncset.done $0x0  }
0xa0: {  	[sflag:s22] =	ssyncadd.s32 s3;
	_ =	sdelay $0x1  }
0xa1: {  	s23 =	simm.s32 $0x1B8B  }
0xa2: {  	_ =	swait.ge [sflag:s23], $0x1  }
0xa3: {  	[sflag:s23] =	ssyncset.done $0x0  }
0xa4: {  	s25 =	simm.s32 $0x1B8E;
	s24 =	sld [smem:$0x3FFE];
	[sflag:s23] =	ssyncadd.s32 $0xFFFFFFFF  }
0xa5: {  	s26 =	simm.s32 $execute0_lowered;
	[smem:$0x3FD2] =	sst s25  }
0xa6: {  	s4 =	sshll.u32 s26, $0x1;
	_ =	strace $0x80000049;
	[dreg:$0x1] =	wrdreg $0xFFFFFFFF  }
0xa7: {  	s28 =	simm.s32 $_size_execute0_lowered;
	s2 =	sadd.s32 s2, s4;
	[dreg:$0x0] =	wrdreg $0x0  }
0xa8: {  	s4 =	sshll.u32 s28, $0x1;
	[dreg:$0x2] =	wrdreg s2  }
0xa9: {  	[dreg:$0x3] =	wrdreg s4  }
0xaa: {  	[dreg:$0x4] =	wrdreg $0xC0  }
0xab: {  	_ =	task [dreg:s6], $0x5FFFF  }
0xac: {  	[dreg:$0x1] =	wrdreg $0xFFFFFFFF  }
0xad: {  	[dreg:$0x0] =	wrdreg $0x60  }
0xae: {  	[dreg:$0x2] =	wrdreg s24  }
0xaf: {  	[dreg:$0x3] =	wrdreg $0x9  }
0xb0: {  	_ =	task.clear_ibuf [dreg:s6], $0x4FFFF;
	_ =	strace $0x90000049  }
0xb1: {  	s29 =	simm.s32 $0x9;
	_ =	strace $0x8000004B  }
0xb2: {  	_ =	swait.ge [sflag:s29], $0x1  }
0xb3: {  	[sflag:s29] =	ssyncadd.s32 $0xFFFFFFFF  }
0xb4: {  	_ =	strace $0x9000004B  }
0xb5: {  	_ =	sfence  }
0xb6: {  	s30 =	sld [smem:$0x0];
	_ =	sdelay $0x2  }
0xb7: {  	s31 =	sshll.u32 s1, $0xD;
	s1 =	sshrl.u32 s1, $0x2  }
0xb8: {  	s3 =	sand.u32 $0x4000, s31;
	s1 =	sadd.s32 s1, s30  }
0xb9: {  	s0 =	sor.u32 s3, s0;
	s1 =	sshll.u32 s1, $0x11  }
0xba: {  	s0 =	sor.u32 s1, s0  }
0xbb: {  	s0 =	sadd.s32 $0x8F2B, s0  }
0xbc: {  	[sflag:s0] =	ssyncadd.remote.s32 $0x1  }
0xbd: {  	_ =	sfence.sel $0xFFFF  }
0xbe: {  	[dreg:$0x0] =	wrdreg $0xFFFFFFFF;
	(pc) =	sbr.abs _section_cstart, $3  }
0xbf: {  	[dreg:$0x1] =	wrdreg $0xFFFFFFFF  }
0xc0: {  	_ =	task.clear_ibuf [dreg:s6], $0x2FFFF;
	_ =	strace $0x9FFFFFFF  }
0xc1: {  	(tm) =	ssettm $0x7FFFFFFF  }
tec
execute0_lowered:
.L_overlay_start_1:
0x0: {  	(tag) =	ssettag $0x1  }
0x1: {  	s1 =	srdreg.scid;
	s0 =	stileid.u32  }
0x2: {  	s25 =	sand.u32 $0x1, s1;
	s30 =	sshll.u32 s0, $0x1  }
0x3: {  	s1 =	sor.u32 s25, s30  }
0x4: {  	s12 =	rddreg [dreg:$0x0];
	s2 =	simm.s32 $0x0;
	s3 =	smul.u32 $0xC000, s1  }
0x5: {  	[smem:$0x7FF] =	sst s2  }
0x6: {  	s22 =	sadd.s32 $0x304A00, s12;
	s1 =	rddreg [dreg:$0x1];
	s23 =	sshrl.u32 s3, $0x3  }
0x7: {  	_ =	strace $0x8000004A;
	s3 =	sadd.s32 s22, s23;
	s15 =	sor.u32 $0x400, s23  }
0x8: {  	[tilespmem:s2], [sflag:$0x1] =	stream.linear.gather [hbm4b:s3+s2], $0x2000, $0x38;
	[tilespmem:$0x8000] =	vst v63  }
0x9: {  	s5 =	simm.s32 $0x2000;
	s6 =	simm.s32 $0x1;
	s4 =	sadd.s32 s22, s15  }
0xa: {  	[tilespmem:s5], [sflag:$0x2] =	stream.linear.gather [hbm4b:s4+s2], $0x2000, $0x38;
	[tilespmem:$0x8000] =	vst v63  }
0xb: {  	_ =	swait.ge [sflag:s6], $0x2000  }
0xc: {  	s8 =	simm.s32 $0x4000;
	[sflag:s6] =	ssyncset.done $0x0  }
0xd: {  	s9 =	simm.s32 $0x2;
	s7 =	sadd.s32 $0x4A00, s12;
	[sflag:s6] =	ssyncadd.s32 $0xFFFFE000  }
0xe: {  	[tilespmem:s8], [sflag:$0x3] =	stream.indirect.gather [hbm4b:s7+s5], $0x1, s2, s5, $0xb8;
	[tilespmem:$0x8000] =	vst v63  }
0xf: {  	_ =	swait.ge [sflag:s9], $0x2000  }
0x10: {  	[sflag:s9] =	ssyncset.done $0x0  }
0x11: {  	s10 =	simm.s32 $0x6000;
	s11 =	simm.s32 $0x3;
	[sflag:s9] =	ssyncadd.s32 $0xFFFFE000  }
0x12: {  	[tilespmem:s10], [sflag:$0x4] =	stream.indirect.gather [hbm4b:s7+s5], $0x1, s5, s5, $0xb8;
	[tilespmem:$0x8000] =	vst v63  }
0x13: {  	_ =	swait.ge [sflag:s11], $0x2000  }
0x14: {  	s24 =	sadd.s32 $0x394A00, s12;
	[sflag:s11] =	ssyncset.done $0x0  }
0x15: {  	s12 =	sadd.s32 s24, s23;
	s19 =	sadd.s32 $0x800, s23;
	[sflag:s11] =	ssyncadd.s32 $0xFFFFE000  }
0x16: {  	[hbm4b:s12+s2] =	stream.linear.scatter [tilespmem:s8], [sflag:$0x5], $0x2000, $0x38;
	[tilespmem:$0x8000] =	vst v63  }
0x17: {  	s14 =	simm.s32 $0x4;
	s13 =	sadd.s32 s22, s19  }
0x18: {  	[tilespmem:s2], [sflag:$0x1] =	stream.linear.gather [hbm4b:s13+s2], $0x2000, $0x38;
	[tilespmem:$0x8000] =	vst v63  }
0x19: {  	_ =	swait.ge [sflag:s14], $0x2000  }
0x1a: {  	[sflag:s14] =	ssyncset.done $0x0  }
0x1b: {  	s21 =	sadd.s32 $0xC00, s23;
	s15 =	sadd.s32 s24, s15;
	[sflag:s14] =	ssyncadd.s32 $0xFFFFE000  }
0x1c: {  	[hbm4b:s15+s2] =	stream.linear.scatter [tilespmem:s10], [sflag:$0x6], $0x2000, $0x38;
	[tilespmem:$0x8000] =	vst v63  }
0x1d: {  	s16 =	sadd.s32 s22, s21  }
0x1e: {  	[tilespmem:s5], [sflag:$0x2] =	stream.linear.gather [hbm4b:s16+s2], $0x2000, $0x38;
	[tilespmem:$0x8000] =	vst v63  }
0x1f: {  	_ =	swait.ge [sflag:s6], $0x2000  }
0x20: {  	[sflag:s6] =	ssyncset.done $0x0  }
0x21: {  	s17 =	simm.s32 $0x5;
	[sflag:s6] =	ssyncadd.s32 $0xFFFFE000  }
0x22: {  	_ =	swait.ge [sflag:s17], $0x2000  }
0x23: {  	[sflag:s17] =	ssyncset.done $0x0  }
0x24: {  	[sflag:s17] =	ssyncadd.s32 $0xFFFFE000  }
0x25: {  	[tilespmem:s8], [sflag:$0x3] =	stream.indirect.gather [hbm4b:s7+s5], $0x1, s2, s5, $0xb8;
	[tilespmem:$0x8000] =	vst v63  }
0x26: {  	_ =	swait.ge [sflag:s9], $0x2000  }
0x27: {  	[sflag:s9] =	ssyncset.done $0x0  }
0x28: {  	s18 =	simm.s32 $0x6;
	[sflag:s9] =	ssyncadd.s32 $0xFFFFE000  }
0x29: {  	_ =	swait.ge [sflag:s18], $0x2000  }
0x2a: {  	[sflag:s18] =	ssyncset.done $0x0  }
0x2b: {  	[sflag:s18] =	ssyncadd.s32 $0xFFFFE000  }
0x2c: {  	[tilespmem:s10], [sflag:$0x4] =	stream.indirect.gather [hbm4b:s7+s5], $0x1, s5, s5, $0xb8;
	[tilespmem:$0x8000] =	vst v63  }
0x2d: {  	_ =	swait.ge [sflag:s11], $0x2000  }
0x2e: {  	[sflag:s11] =	ssyncset.done $0x0  }
0x2f: {  	s26 =	sadd.s32 $0x1000, s23;
	s19 =	sadd.s32 s24, s19;
	[sflag:s11] =	ssyncadd.s32 $0xFFFFE000  }
0x30: {  	[hbm4b:s19+s2] =	stream.linear.scatter [tilespmem:s8], [sflag:$0x5], $0x2000, $0x38;
	[tilespmem:$0x8000] =	vst v63  }
0x31: {  	s20 =	sadd.s32 s22, s26  }
0x32: {  	[tilespmem:s2], [sflag:$0x1] =	stream.linear.gather [hbm4b:s20+s2], $0x2000, $0x38;
	[tilespmem:$0x8000] =	vst v63  }
0x33: {  	_ =	swait.ge [sflag:s14], $0x2000  }
0x34: {  	[sflag:s14] =	ssyncset.done $0x0  }
0x35: {  	s28 =	sadd.s32 $0x1400, s23;
	s21 =	sadd.s32 s24, s21;
	[sflag:s14] =	ssyncadd.s32 $0xFFFFE000  }
0x36: {  	[hbm4b:s21+s2] =	stream.linear.scatter [tilespmem:s10], [sflag:$0x6], $0x2000, $0x38;
	[tilespmem:$0x8000] =	vst v63  }
0x37: {  	s22 =	sadd.s32 s22, s28  }
0x38: {  	[tilespmem:s5], [sflag:$0x2] =	stream.linear.gather [hbm4b:s22+s2], $0x2000, $0x38;
	[tilespmem:$0x8000] =	vst v63  }
0x39: {  	_ =	swait.ge [sflag:s6], $0x2000  }
0x3a: {  	[sflag:s6] =	ssyncset.done $0x0  }
0x3b: {  	[sflag:s6] =	ssyncadd.s32 $0xFFFFE000  }
0x3c: {  	_ =	swait.ge [sflag:s17], $0x2000  }
0x3d: {  	[sflag:s17] =	ssyncset.done $0x0  }
0x3e: {  	[sflag:s17] =	ssyncadd.s32 $0xFFFFE000  }
0x3f: {  	[tilespmem:s8], [sflag:$0x3] =	stream.indirect.gather [hbm4b:s7+s5], $0x1, s2, s5, $0xb8;
	[tilespmem:$0x8000] =	vst v63  }
0x40: {  	_ =	swait.ge [sflag:s9], $0x2000  }
0x41: {  	[sflag:s9] =	ssyncset.done $0x0  }
0x42: {  	[sflag:s9] =	ssyncadd.s32 $0xFFFFE000  }
0x43: {  	_ =	swait.ge [sflag:s18], $0x2000  }
0x44: {  	[sflag:s18] =	ssyncset.done $0x0  }
0x45: {  	[sflag:s18] =	ssyncadd.s32 $0xFFFFE000  }
0x46: {  	[tilespmem:s10], [sflag:$0x4] =	stream.indirect.gather [hbm4b:s7+s5], $0x1, s5, s5, $0xb8;
	[tilespmem:$0x8000] =	vst v63  }
0x47: {  	_ =	swait.ge [sflag:s11], $0x2000  }
0x48: {  	s25 =	ssub.s32 $0x2, s25;
	[sflag:s11] =	ssyncset.done $0x0  }
0x49: {  	s31 =	sshrl.u32 s25, $0x1;
	s23 =	sadd.s32 s24, s26;
	[sflag:s11] =	ssyncadd.s32 $0xFFFFE000  }
0x4a: {  	[hbm4b:s23+s2] =	stream.linear.scatter [tilespmem:s8], [sflag:$0x5], $0x2000, $0x38;
	[tilespmem:$0x8000] =	vst v63  }
0x4b: {  	s25 =	ssub.s32 s25, s31;
	_ =	swait.ge [sflag:s14], $0x2000  }
0x4c: {  	s25 =	smax.u32 s25, $0x1;
	[sflag:s14] =	ssyncset.done $0x0  }
0x4d: {  	p0 =	sne.s32 s25, $0x1;
	s24 =	sadd.s32 s24, s28;
	[sflag:s14] =	ssyncadd.s32 $0xFFFFE000  }
0x4e: {  	[hbm4b:s24+s2] =	stream.linear.scatter [tilespmem:s10], [sflag:$0x6], $0x2000, $0x38;
	[tilespmem:$0x8000] =	vst v63  }
.Ltmp0:
0x4f: {  	_ =	swait.ge [sflag:s17], $0x2000;
	(pc) =	sbr.rel @!p0 .LBB2_2-.Ltmp0, $4  }
0x50: {  	[sflag:s17] =	ssyncset.done $0x0  }
0x51: {  	[sflag:s17] =	ssyncadd.s32 $0xFFFFE000  }
0x52: {  	_ =	swait.ge [sflag:s18], $0x2000  }
0x53: {  	s25 =	sadd.s32 $0xFFFFFFFF, s25;
	[sflag:s18] =	ssyncset.done $0x0  }
.LBB2_1:
0x54: {  	p0 =	sne.s32 s25, $0x1;
	s25 =	sadd.s32 $0xFFFFFFFF, s25;
	[sflag:s18] =	ssyncadd.s32 $0xFFFFE000  }
0x55: {  	[tilespmem:s2], [sflag:$0x1] =	stream.linear.gather [hbm4b:s3+s2], $0x2000, $0x38;
	[tilespmem:$0x8000] =	vst v63  }
0x56: {  	_ = 	snop  }
0x57: {  	[tilespmem:s5], [sflag:$0x2] =	stream.linear.gather [hbm4b:s4+s2], $0x2000, $0x38;
	[tilespmem:$0x8000] =	vst v63  }
0x58: {  	_ =	swait.ge [sflag:s6], $0x2000  }
0x59: {  	[sflag:s6] =	ssyncset.done $0x0  }
0x5a: {  	[sflag:s6] =	ssyncadd.s32 $0xFFFFE000  }
0x5b: {  	[tilespmem:s8], [sflag:$0x3] =	stream.indirect.gather [hbm4b:s7+s5], $0x1, s2, s5, $0xb8;
	[tilespmem:$0x8000] =	vst v63  }
0x5c: {  	_ =	swait.ge [sflag:s9], $0x2000  }
0x5d: {  	[sflag:s9] =	ssyncset.done $0x0  }
0x5e: {  	[sflag:s9] =	ssyncadd.s32 $0xFFFFE000  }
0x5f: {  	[tilespmem:s10], [sflag:$0x4] =	stream.indirect.gather [hbm4b:s7+s5], $0x1, s5, s5, $0xb8;
	[tilespmem:$0x8000] =	vst v63  }
0x60: {  	_ =	swait.ge [sflag:s11], $0x2000  }
0x61: {  	[sflag:s11] =	ssyncset.done $0x0  }
0x62: {  	[sflag:s11] =	ssyncadd.s32 $0xFFFFE000  }
0x63: {  	[hbm4b:s12+s2] =	stream.linear.scatter [tilespmem:s8], [sflag:$0x5], $0x2000, $0x38;
	[tilespmem:$0x8000] =	vst v63  }
0x64: {  	_ = 	snop  }
0x65: {  	[tilespmem:s2], [sflag:$0x1] =	stream.linear.gather [hbm4b:s13+s2], $0x2000, $0x38;
	[tilespmem:$0x8000] =	vst v63  }
0x66: {  	_ =	swait.ge [sflag:s14], $0x2000  }
0x67: {  	[sflag:s14] =	ssyncset.done $0x0  }
0x68: {  	[sflag:s14] =	ssyncadd.s32 $0xFFFFE000  }
0x69: {  	[hbm4b:s15+s2] =	stream.linear.scatter [tilespmem:s10], [sflag:$0x6], $0x2000, $0x38;
	[tilespmem:$0x8000] =	vst v63  }
0x6a: {  	_ = 	snop  }
0x6b: {  	[tilespmem:s5], [sflag:$0x2] =	stream.linear.gather [hbm4b:s16+s2], $0x2000, $0x38;
	[tilespmem:$0x8000] =	vst v63  }
0x6c: {  	_ =	swait.ge [sflag:s6], $0x2000  }
0x6d: {  	[sflag:s6] =	ssyncset.done $0x0  }
0x6e: {  	[sflag:s6] =	ssyncadd.s32 $0xFFFFE000  }
0x6f: {  	_ =	swait.ge [sflag:s17], $0x2000  }
0x70: {  	[sflag:s17] =	ssyncset.done $0x0  }
0x71: {  	[sflag:s17] =	ssyncadd.s32 $0xFFFFE000  }
0x72: {  	[tilespmem:s8], [sflag:$0x3] =	stream.indirect.gather [hbm4b:s7+s5], $0x1, s2, s5, $0xb8;
	[tilespmem:$0x8000] =	vst v63  }
0x73: {  	_ =	swait.ge [sflag:s9], $0x2000  }
0x74: {  	[sflag:s9] =	ssyncset.done $0x0  }
0x75: {  	[sflag:s9] =	ssyncadd.s32 $0xFFFFE000  }
0x76: {  	_ =	swait.ge [sflag:s18], $0x2000  }
0x77: {  	[sflag:s18] =	ssyncset.done $0x0  }
0x78: {  	[sflag:s18] =	ssyncadd.s32 $0xFFFFE000  }
0x79: {  	[tilespmem:s10], [sflag:$0x4] =	stream.indirect.gather [hbm4b:s7+s5], $0x1, s5, s5, $0xb8;
	[tilespmem:$0x8000] =	vst v63  }
0x7a: {  	_ =	swait.ge [sflag:s11], $0x2000  }
0x7b: {  	[sflag:s11] =	ssyncset.done $0x0  }
0x7c: {  	[sflag:s11] =	ssyncadd.s32 $0xFFFFE000  }
0x7d: {  	[hbm4b:s19+s2] =	stream.linear.scatter [tilespmem:s8], [sflag:$0x5], $0x2000, $0x38;
	[tilespmem:$0x8000] =	vst v63  }
0x7e: {  	_ = 	snop  }
0x7f: {  	[tilespmem:s2], [sflag:$0x1] =	stream.linear.gather [hbm4b:s20+s2], $0x2000, $0x38;
	[tilespmem:$0x8000] =	vst v63  }
0x80: {  	_ =	swait.ge [sflag:s14], $0x2000  }
0x81: {  	[sflag:s14] =	ssyncset.done $0x0  }
0x82: {  	[sflag:s14] =	ssyncadd.s32 $0xFFFFE000  }
0x83: {  	[hbm4b:s21+s2] =	stream.linear.scatter [tilespmem:s10], [sflag:$0x6], $0x2000, $0x38;
	[tilespmem:$0x8000] =	vst v63  }
0x84: {  	_ = 	snop  }
0x85: {  	[tilespmem:s5], [sflag:$0x2] =	stream.linear.gather [hbm4b:s22+s2], $0x2000, $0x38;
	[tilespmem:$0x8000] =	vst v63  }
0x86: {  	_ =	swait.ge [sflag:s6], $0x2000  }
0x87: {  	[sflag:s6] =	ssyncset.done $0x0  }
0x88: {  	[sflag:s6] =	ssyncadd.s32 $0xFFFFE000  }
0x89: {  	_ =	swait.ge [sflag:s17], $0x2000  }
0x8a: {  	[sflag:s17] =	ssyncset.done $0x0  }
0x8b: {  	[sflag:s17] =	ssyncadd.s32 $0xFFFFE000  }
0x8c: {  	[tilespmem:s8], [sflag:$0x3] =	stream.indirect.gather [hbm4b:s7+s5], $0x1, s2, s5, $0xb8;
	[tilespmem:$0x8000] =	vst v63  }
0x8d: {  	_ =	swait.ge [sflag:s9], $0x2000  }
0x8e: {  	[sflag:s9] =	ssyncset.done $0x0  }
0x8f: {  	[sflag:s9] =	ssyncadd.s32 $0xFFFFE000  }
0x90: {  	_ =	swait.ge [sflag:s18], $0x2000  }
0x91: {  	[sflag:s18] =	ssyncset.done $0x0  }
0x92: {  	[sflag:s18] =	ssyncadd.s32 $0xFFFFE000  }
0x93: {  	[tilespmem:s10], [sflag:$0x4] =	stream.indirect.gather [hbm4b:s7+s5], $0x1, s5, s5, $0xb8;
	[tilespmem:$0x8000] =	vst v63  }
0x94: {  	_ =	swait.ge [sflag:s11], $0x2000  }
0x95: {  	[sflag:s11] =	ssyncset.done $0x0  }
0x96: {  	[sflag:s11] =	ssyncadd.s32 $0xFFFFE000  }
0x97: {  	[hbm4b:s23+s2] =	stream.linear.scatter [tilespmem:s8], [sflag:$0x5], $0x2000, $0x38;
	[tilespmem:$0x8000] =	vst v63  }
0x98: {  	_ =	swait.ge [sflag:s14], $0x2000  }
0x99: {  	[sflag:s14] =	ssyncset.done $0x0  }
0x9a: {  	[sflag:s14] =	ssyncadd.s32 $0xFFFFE000  }
0x9b: {  	[hbm4b:s24+s2] =	stream.linear.scatter [tilespmem:s10], [sflag:$0x6], $0x2000, $0x38;
	[tilespmem:$0x8000] =	vst v63  }
.Ltmp1:
0x9c: {  	_ =	swait.ge [sflag:s17], $0x2000;
	(pc) =	sbr.rel @p0 .LBB2_1-.Ltmp1, $4  }
0x9d: {  	[sflag:s17] =	ssyncset.done $0x0  }
0x9e: {  	[sflag:s17] =	ssyncadd.s32 $0xFFFFE000  }
0x9f: {  	_ =	swait.ge [sflag:s18], $0x2000  }
0xa0: {  	[sflag:s18] =	ssyncset.done $0x0  }
.LBB2_2:
0xa1: {  	[sflag:s18] =	ssyncadd.s32 $0xFFFFE000  }
0xa2: {  	_ =	sfence.sel $0x180000  }
0xa3: {  	[bflag:$0x0] =	sbarrier.arrive $0xFFFF  }
0xa4: {  	p0 =	sne.s32 s0, $0x0;
	_ =	strace $0x9000004A  }
0xa5: {  	s0 =	sadd.s32 @!p0 $0x100000, s1;
	[bflag:$0x2] =	sbarrier.arrive $0xFFFF  }
0xa6: {  	[sflag:s0] =	ssyncadd.tile.s32 @!p0 $0x1;
	_ =	shalt  }
.Lfunc_end2:
_tile_overlayer_lowered:
.L_overlay_start_2:
0xa7: {  	(tag) =	ssettag $0x2  }
0xa8: {  	s0 =	rddreg [dreg:$0x0];
	s2 =	stileid.u32  }
0xa9: {  	s1 =	rddreg [dreg:$0x1];
	p0 =	sne.s32 s2, $0x0  }
0xaa: {  	s3 =	rddreg [dreg:$0x2];
	[bflag:$0x3] =	sbarrier.arrive $0xFFFF;
	s2 =	simm.s32 @!p0 $0x1C07  }
0xab: {  	[timem:s3], [sflag:s2] =	dma.local @!p0 [hbm:s0], s1  }
0xac: {  	s0 =	simm.s32 @!p0 $0x7  }
0xad: {  	_ =	swait.ge @!p0 [sflag:s0], s1  }
0xae: {  	s1 =	ssub.s32 @!p0 $0x0, s1;
	[sflag:s0] =	ssyncset.done @!p0 $0x0  }
0xaf: {  	[sflag:s0] =	ssyncadd.s32 @!p0 s1  }
0xb0: {  	[bflag:$0x3] =	sbarrier.arrive $0xFFFF  }
0xb1: {  	_ =	shalt  }

// kernel: kernel.14.cloned.1.call-start
scs
__scs_entry_jumppad:
0x0: {  	(pc) =	sbr.rel $0x88, $3  }
0x1: {  	(tag) =	ssettag $0x0;
	lr =	simm.s32 $0x1  }
0x2: {  	[smem:$0x3F9C] =	sst lr;
	_ =	strace $0xD0000000  }
0x3: {  	_ = 	snop  }
0x4: {  	_ = 	snop  }
0x5: {  	_ = 	snop  }
0x6: {  	_ = 	snop  }
0x7: {  	_ = 	snop  }
__scs_overlays_trampoline_lowered:
0x8: {  	[smem:$0x3FAB] =	sst s0  }
0x9: {  	[smem:$0x3FAC] =	sst s1  }
0xa: {  	[smem:$0x3FAD] =	sst s2  }
0xb: {  	[smem:$0x3FAE] =	sst s3  }
0xc: {  	[smem:$0x3FAF] =	sst s4  }
0xd: {  	[smem:$0x3FB0] =	sst s5  }
0xe: {  	[smem:$0x3FB1] =	sst s6  }
0xf: {  	[smem:$0x3FB2] =	sst s7  }
0x10: {  	[smem:$0x3FB3] =	sst s8  }
0x11: {  	[smem:$0x3FB4] =	sst s9;
	s0 =	simm.s32 @!p0 $0x0  }
0x12: {  	s1 =	sld [smem:$0x3F9A];
	s0 =	simm.s32 @p0 $0x1  }
0x13: {  	[smem:$0x3FB5] =	sst s0;
	s0 =	simm.s32 @!p1 $0x0  }
0x14: {  	s2 =	sld [smem:$0x3F99];
	s0 =	simm.s32 @p1 $0x1  }
0x15: {  	[smem:$0x3FB6] =	sst s0;
	s0 =	simm.s32 @!p2 $0x0  }
0x16: {  	s3 =	sld [smem:$0x3FDB];
	s0 =	simm.s32 @p2 $0x1  }
0x17: {  	s4 =	simm.s32 $0x1BF5;
	[smem:$0x3FB8] =	sst s0  }
0x18: {  	s0 =	sld [smem:$0x3F9B];
	_ =	swait.ge [sflag:s4], $0x0  }
0x19: {  	s7 =	sld [smem:$0x3F9C]  }
0x1a: {  	s8 =	sadd.s32 $0xFFFFE003, lr  }
0x1b: {  	s9 =	sadd.s32 $0xFFFFFEF7, lr;
	s5 =	simm.s32 $0xFFFFFFFF;
	p2 =	slt.u32 s8, $0xFFFFF086  }
0x1c: {  	p1 =	slt.u32 s9, $0xF7A;
	s5 =	simm.s32 @!p2 $0x0  }
0x1d: {  	s5 =	simm.s32 @p1 $0x1;
	p0 =	seq.s32 s7, s2  }
0x1e: {  	s7 =	smul.u32 @!p0 $0xF7A, s2;
	p2 =	seq.s32 @!p0 s5, $0x0  }
0x1f: {  	s9 =	smul.u32 $0xF7A, s1;
	s8 =	simm.s32 @!p0 $0x1BF5;
	p2 =	por !p2, p0  }
0x20: {  	[sflag:s8] =	ssyncset.s32 @!p0 $0xFFFFF086;
	s6 =	sadd.s32 @!p0 s3, s7;
	s7 =	simm.s32 @!p0 $0x108  }
0x21: {  	s3 =	sadd.s32 s3, s9;
	s6 =	sadd.s32 @!p0 $0x88, s6;
	s7 =	simm.s32 @p2 $0x1082  }
0x22: {  	[simem:s7], [sflag:s8] =	dma.local @!p0 [hbm:s6], $0xF7A  }
0x23: {  	s9 =	sor.u32 $0xD0000000, s2;
	s6 =	simm.s32 $0x108;
	_ =	swait.ge @!p0 [sflag:s8], $0x0  }
0x24: {  	s3 =	sadd.s32 $0x88, s3;
	s6 =	simm.s32 @!p1 $0x1082;
	[sflag:s4] =	ssyncset.s32 $0xFFFFF086  }
0x25: {  	[simem:s6], [sflag:s4] =	dma.local [hbm:s3], $0xF7A  }
0x26: {  	[smem:$0x3F9C] =	sst s1;
	(tag) =	ssettag s2;
	_ =	strace s9  }
0x27: {  	s1 =	sld [smem:$0x3FAC]  }
0x28: {  	s2 =	sld [smem:$0x3FAD]  }
0x29: {  	s4 =	sld [smem:$0x3FAF]  }
0x2a: {  	p0 =	seq.s32 s5, $0x0;
	s5 =	sld [smem:$0x3FB0]  }
0x2b: {  	s6 =	sld [smem:$0x3FB1]  }
0x2c: {  	s7 =	sld [smem:$0x3FB2]  }
0x2d: {  	s3 =	simm.s32 $0x108;
	s8 =	sld [smem:$0x3FB3]  }
0x2e: {  	s3 =	simm.s32 @!p0 $0x1082;
	s9 =	sld [smem:$0x3FB4]  }
0x2f: {  	lr =	sadd.s32 s0, s3;
	s0 =	sld [smem:$0x3FAB]  }
0x30: {  	s3 =	sld [smem:$0x3FAE]  }
0x31: {  	[smem:$0x3FB7] =	sst s10  }
0x32: {  	s10 =	sld [smem:$0x3FB5];
	_ =	sdelay $0x3  }
0x33: {  	p0 =	seq.s32 s10, $0x1;
	s10 =	sld [smem:$0x3FB7];
	_ =	sdelay $0x3  }
0x34: {  	[smem:$0x3FB7] =	sst s10  }
0x35: {  	s10 =	sld [smem:$0x3FB6];
	_ =	sdelay $0x3  }
0x36: {  	p1 =	seq.s32 s10, $0x1;
	s10 =	sld [smem:$0x3FB7];
	_ =	sdelay $0x3  }
0x37: {  	[smem:$0x3FB7] =	sst s10  }
0x38: {  	s10 =	sld [smem:$0x3FB8]  }
0x39: {  	_ = 	snop;
	(pc) =	sbr.ind lr, $3  }
0x3a: {  	_ = 	snop  }
0x3b: {  	_ = 	snop  }
0x3c: {  	p2 =	seq.s32 s10, $0x1;
	s10 =	sld [smem:$0x3FB7]  }
0x3d: {  	_ =	shalt  }
0x3e: {  	_ =	shalt  }
0x3f: {  	_ =	shalt  }
0x40: {  	_ =	shalt  }
0x41: {  	_ =	shalt  }
0x42: {  	_ =	shalt  }
0x43: {  	_ =	shalt  }
0x44: {  	_ =	shalt  }
0x45: {  	_ =	shalt  }
0x46: {  	_ =	shalt  }
0x47: {  	_ =	shalt  }
0x48: {  	_ =	shalt  }
0x49: {  	_ =	shalt  }
0x4a: {  	_ =	shalt  }
0x4b: {  	_ =	shalt  }
0x4c: {  	_ =	shalt  }
0x4d: {  	_ =	shalt  }
0x4e: {  	_ =	shalt  }
0x4f: {  	_ =	shalt  }
0x50: {  	_ =	shalt  }
0x51: {  	_ =	shalt  }
0x52: {  	_ =	shalt  }
0x53: {  	_ =	shalt  }
0x54: {  	_ =	shalt  }
0x55: {  	_ =	shalt  }
0x56: {  	_ =	shalt  }
0x57: {  	_ =	shalt  }
0x58: {  	_ =	shalt  }
0x59: {  	_ =	shalt  }
0x5a: {  	_ =	shalt  }
0x5b: {  	_ =	shalt  }
0x5c: {  	_ =	shalt  }
0x5d: {  	_ =	shalt  }
0x5e: {  	_ =	shalt  }
0x5f: {  	_ =	shalt  }
0x60: {  	_ =	shalt  }
0x61: {  	_ =	shalt  }
0x62: {  	_ =	shalt  }
0x63: {  	_ =	shalt  }
0x64: {  	_ =	shalt  }
0x65: {  	_ =	shalt  }
0x66: {  	_ =	shalt  }
0x67: {  	_ =	shalt  }
0x68: {  	_ =	shalt  }
0x69: {  	_ =	shalt  }
0x6a: {  	_ =	shalt  }
0x6b: {  	_ =	shalt  }
0x6c: {  	_ =	shalt  }
0x6d: {  	_ =	shalt  }
0x6e: {  	_ =	shalt  }
0x6f: {  	_ =	shalt  }
0x70: {  	_ =	shalt  }
0x71: {  	_ =	shalt  }
0x72: {  	_ =	shalt  }
0x73: {  	_ =	shalt  }
0x74: {  	_ =	shalt  }
0x75: {  	_ =	shalt  }
0x76: {  	_ =	shalt  }
0x77: {  	_ =	shalt  }
0x78: {  	_ =	shalt  }
0x79: {  	_ =	shalt  }
0x7a: {  	_ =	shalt  }
0x7b: {  	_ =	shalt  }
0x7c: {  	_ =	shalt  }
0x7d: {  	_ =	shalt  }
0x7e: {  	_ =	shalt  }
0x7f: {  	_ =	shalt  }
0x80: {  	_ =	shalt  }
0x81: {  	_ =	shalt  }
0x82: {  	_ =	shalt  }
0x83: {  	_ =	shalt  }
0x84: {  	_ =	shalt  }
0x85: {  	_ =	shalt  }
0x86: {  	_ =	shalt  }
0x87: {  	_ =	shalt  }
.Lfunc_end0:
.L_simem_size_0:
called_computation.2_lowered:
.L_overlay_start_0:
0x88: {  	s2 =	sld [smem:$0x3FD9]  }
0x89: {  	s3 =	sld [smem:$0x3FFE];
	_ =	sdelay $0x1  }
0x8a: {  	s1 =	srdreg.scid  }
0x8b: {  	s0 =	sand.u32 $0x1, s1  }
0x8c: {  	s17 =	sshll.u32 s0, $0xA;
	s2 =	sadd.s32 s3, s2  }
0x8d: {  	s2 =	sadd.s32 s2, s17  }
0x8e: {  	[smem:$0x3FC3] =	sst s2  }
0x8f: {  	_ = 	snop  }
0x90: {  	(tm) =	ssettm $0x1  }
0x91: {  	s18 =	sld [smem:$0x3FFB];
	_ =	sdelay $0x3  }
0x92: {  	_ =	strace s18  }
0x93: {  	s2 =	sld [smem:$0x3FFC];
	_ =	sdelay $0x3  }
0x94: {  	_ =	strace s2  }
0x95: {  	s2 =	sld [smem:$0x3FFD];
	_ =	sdelay $0x3  }
0x96: {  	_ =	strace s2  }
0x97: {  	_ =	strace $0x8FFFFFFF  }
0x98: {  	s19 =	sld [smem:$0x3FDB];
	_ =	sdelay $0x1  }
0x99: {  	s20 =	simm.s32 $_scs_section_size  }
0x9a: {  	s4 =	simm.s32 $_size__tile_overlayer_lowered;
	s5 =	simm.s32 $_tile_overlayer_lowered  }
0x9b: {  	s6 =	simm.s32 $0x1BFF;
	s21 =	sshll.u32 s5, $0x1;
	s3 =	sadd.s32 s20, s19  }
0x9c: {  	s22 =	simm.s32 $0x0;
	s4 =	sshll.u32 s4, $0x1;
	s5 =	sadd.s32 s21, s3  }
0x9d: {  	[timem:s22], [sflag:s6] =	dma.local [hbm:s5], s4  }
0x9e: {  	_ =	swait.ge [sflag:s6], s4  }
0x9f: {  	s4 =	ssub.s32 $0x0, s4;
	[sflag:s6] =	ssyncset.done $0x0  }
0xa0: {  	[sflag:s6] =	ssyncadd.s32 s4;
	_ =	sdelay $0x1  }
0xa1: {  	s23 =	simm.s32 $0x1B8B  }
0xa2: {  	_ =	swait.ge [sflag:s23], $0x1  }
0xa3: {  	[sflag:s23] =	ssyncset.done $0x0  }
0xa4: {  	[sflag:s23] =	ssyncadd.s32 $0xFFFFFFFF  }
0xa5: {  	s4 =	sld [smem:$0x0]  }
0xa6: {  	s5 =	sand.u32 $0xFFFFFFFE, s1  }
0xa7: {  	p0 =	sne.s32 s1, s5  }
0xa8: {  	s5 =	sshll.u32 @p0 s5, $0xE  }
0xa9: {  	s5 =	sadd.s32 @p0 $0x11B8D, s5;
	s6 =	sshll.u32 @p0 s4, $0x11  }
0xaa: {  	s5 =	sor.u32 @p0 s6, s5  }
0xab: {  	[sflag:s5] =	ssyncadd.remote.s32 @p0 $0x1;
	_ =	sdelay $0x1  }
0xac: {  	s5 =	simm.s32 @p0 $0x1B8D  }
0xad: {  	_ =	swait.eq @p0 [sflag:s5], $0x1  }
0xae: {  	[sflag:s5] =	ssyncadd.s32 @p0 $0xFFFFFFFF  }
0xaf: {  	s6 =	sshll.u32 @!p0 s1, $0xE  }
0xb0: {  	s6 =	sor.u32 @!p0 $0x4000, s6;
	s5 =	simm.s32 @!p0 $0x1B8D  }
0xb1: {  	s4 =	sshll.u32 @!p0 s4, $0x11;
	s6 =	sadd.s32 @!p0 $0x11B8D, s6;
	_ =	swait.eq @!p0 [sflag:s5], $0x1  }
0xb2: {  	s4 =	sor.u32 @!p0 s4, s6;
	[sflag:s5] =	ssyncadd.s32 @!p0 $0xFFFFFFFF  }
0xb3: {  	s25 =	simm.s32 $0x1B8E;
	s24 =	sld [smem:$0x3FFE];
	[sflag:s4] =	ssyncadd.remote.s32 @!p0 $0x1  }
0xb4: {  	s26 =	simm.s32 $execute0_lowered;
	[smem:$0x3FD2] =	sst s25  }
0xb5: {  	s5 =	sshll.u32 s26, $0x1;
	_ =	strace $0x8000004C;
	[dreg:$0x1] =	wrdreg $0xFFFFFFFF  }
0xb6: {  	s28 =	simm.s32 $_size_execute0_lowered;
	s3 =	sadd.s32 s3, s5;
	[dreg:$0x0] =	wrdreg $0x0  }
0xb7: {  	s5 =	sshll.u32 s28, $0x1;
	[dreg:$0x2] =	wrdreg s3  }
0xb8: {  	[dreg:$0x3] =	wrdreg s5  }
0xb9: {  	[dreg:$0x4] =	wrdreg $0xC0  }
0xba: {  	_ =	task [dreg:s22], $0x5FFFF  }
0xbb: {  	[dreg:$0x1] =	wrdreg $0xFFFFFFFF  }
0xbc: {  	[dreg:$0x0] =	wrdreg $0x60  }
0xbd: {  	[dreg:$0x2] =	wrdreg s24  }
0xbe: {  	[dreg:$0x3] =	wrdreg $0xA  }
0xbf: {  	_ =	task.clear_ibuf [dreg:s22], $0x4FFFF;
	_ =	strace $0x9000004C  }
0xc0: {  	s29 =	simm.s32 $0xA;
	_ =	strace $0x8000004E  }
0xc1: {  	_ =	swait.ge [sflag:s29], $0x1  }
0xc2: {  	[sflag:s29] =	ssyncadd.s32 $0xFFFFFFFF  }
0xc3: {  	_ =	strace $0x9000004E  }
0xc4: {  	_ =	sfence  }
0xc5: {  	s30 =	sld [smem:$0x0];
	_ =	sdelay $0x2  }
0xc6: {  	s31 =	sshll.u32 s1, $0xD;
	s1 =	sshrl.u32 s1, $0x2  }
0xc7: {  	s4 =	sand.u32 $0x4000, s31;
	s1 =	sadd.s32 s1, s30  }
0xc8: {  	s0 =	sor.u32 s4, s0;
	s1 =	sshll.u32 s1, $0x11  }
0xc9: {  	s0 =	sor.u32 s1, s0  }
0xca: {  	s0 =	sadd.s32 $0x8F2B, s0  }
0xcb: {  	[sflag:s0] =	ssyncadd.remote.s32 $0x1  }
0xcc: {  	_ =	sfence.sel $0xFFFF  }
0xcd: {  	[dreg:$0x0] =	wrdreg $0xFFFFFFFF;
	(pc) =	sbr.abs _section_cstart, $3  }
0xce: {  	[dreg:$0x1] =	wrdreg $0xFFFFFFFF  }
0xcf: {  	_ =	task.clear_ibuf [dreg:s22], $0x2FFFF;
	_ =	strace $0x9FFFFFFF  }
0xd0: {  	(tm) =	ssettm $0x7FFFFFFF  }
0xd1: {  	_ =	shalt  }
tec
execute0_lowered:
.L_overlay_start_1:
0x0: {  	(tag) =	ssettag $0x1  }
0x1: {  	s1 =	srdreg.scid;
	s0 =	stileid.u32  }
0x2: {  	s25 =	sand.u32 $0x1, s1;
	s30 =	sshll.u32 s0, $0x1  }
0x3: {  	s1 =	sor.u32 s25, s30  }
0x4: {  	s12 =	rddreg [dreg:$0x0];
	s2 =	simm.s32 $0x0;
	s3 =	smul.u32 $0xC000, s1  }
0x5: {  	[smem:$0x7FF] =	sst s2  }
0x6: {  	s22 =	sadd.s32 $0x3C4A00, s12;
	s1 =	rddreg [dreg:$0x1];
	s23 =	sshrl.u32 s3, $0x3  }
0x7: {  	_ =	strace $0x8000004D;
	s3 =	sadd.s32 s22, s23;
	s15 =	sor.u32 $0x400, s23  }
0x8: {  	[tilespmem:s2], [sflag:$0x1] =	stream.linear.gather [hbm4b:s3+s2], $0x2000, $0x38;
	[tilespmem:$0x8000] =	vst v63  }
0x9: {  	s5 =	simm.s32 $0x2000;
	s6 =	simm.s32 $0x1;
	s4 =	sadd.s32 s22, s15  }
0xa: {  	[tilespmem:s5], [sflag:$0x2] =	stream.linear.gather [hbm4b:s4+s2], $0x2000, $0x38;
	[tilespmem:$0x8000] =	vst v63  }
0xb: {  	_ =	swait.ge [sflag:s6], $0x2000  }
0xc: {  	s8 =	simm.s32 $0x4000;
	[sflag:s6] =	ssyncset.done $0x0  }
0xd: {  	s9 =	simm.s32 $0x2;
	s7 =	sadd.s32 $0x4A00, s12;
	[sflag:s6] =	ssyncadd.s32 $0xFFFFE000  }
0xe: {  	[tilespmem:s8], [sflag:$0x3] =	stream.indirect.gather [hbm4b:s7+s5], $0x1, s2, s5, $0xb8;
	[tilespmem:$0x8000] =	vst v63  }
0xf: {  	_ =	swait.ge [sflag:s9], $0x2000  }
0x10: {  	[sflag:s9] =	ssyncset.done $0x0  }
0x11: {  	s10 =	simm.s32 $0x6000;
	s11 =	simm.s32 $0x3;
	[sflag:s9] =	ssyncadd.s32 $0xFFFFE000  }
0x12: {  	[tilespmem:s10], [sflag:$0x4] =	stream.indirect.gather [hbm4b:s7+s5], $0x1, s5, s5, $0xb8;
	[tilespmem:$0x8000] =	vst v63  }
0x13: {  	_ =	swait.ge [sflag:s11], $0x2000  }
0x14: {  	s24 =	sadd.s32 $0x454A00, s12;
	[sflag:s11] =	ssyncset.done $0x0  }
0x15: {  	s12 =	sadd.s32 s24, s23;
	s19 =	sadd.s32 $0x800, s23;
	[sflag:s11] =	ssyncadd.s32 $0xFFFFE000  }
0x16: {  	[hbm4b:s12+s2] =	stream.linear.scatter [tilespmem:s8], [sflag:$0x5], $0x2000, $0x38;
	[tilespmem:$0x8000] =	vst v63  }
0x17: {  	s14 =	simm.s32 $0x4;
	s13 =	sadd.s32 s22, s19  }
0x18: {  	[tilespmem:s2], [sflag:$0x1] =	stream.linear.gather [hbm4b:s13+s2], $0x2000, $0x38;
	[tilespmem:$0x8000] =	vst v63  }
0x19: {  	_ =	swait.ge [sflag:s14], $0x2000  }
0x1a: {  	[sflag:s14] =	ssyncset.done $0x0  }
0x1b: {  	s21 =	sadd.s32 $0xC00, s23;
	s15 =	sadd.s32 s24, s15;
	[sflag:s14] =	ssyncadd.s32 $0xFFFFE000  }
0x1c: {  	[hbm4b:s15+s2] =	stream.linear.scatter [tilespmem:s10], [sflag:$0x6], $0x2000, $0x38;
	[tilespmem:$0x8000] =	vst v63  }
0x1d: {  	s16 =	sadd.s32 s22, s21  }
0x1e: {  	[tilespmem:s5], [sflag:$0x2] =	stream.linear.gather [hbm4b:s16+s2], $0x2000, $0x38;
	[tilespmem:$0x8000] =	vst v63  }
0x1f: {  	_ =	swait.ge [sflag:s6], $0x2000  }
0x20: {  	[sflag:s6] =	ssyncset.done $0x0  }
0x21: {  	s17 =	simm.s32 $0x5;
	[sflag:s6] =	ssyncadd.s32 $0xFFFFE000  }
0x22: {  	_ =	swait.ge [sflag:s17], $0x2000  }
0x23: {  	[sflag:s17] =	ssyncset.done $0x0  }
0x24: {  	[sflag:s17] =	ssyncadd.s32 $0xFFFFE000  }
0x25: {  	[tilespmem:s8], [sflag:$0x3] =	stream.indirect.gather [hbm4b:s7+s5], $0x1, s2, s5, $0xb8;
	[tilespmem:$0x8000] =	vst v63  }
0x26: {  	_ =	swait.ge [sflag:s9], $0x2000  }
0x27: {  	[sflag:s9] =	ssyncset.done $0x0  }
0x28: {  	s18 =	simm.s32 $0x6;
	[sflag:s9] =	ssyncadd.s32 $0xFFFFE000  }
0x29: {  	_ =	swait.ge [sflag:s18], $0x2000  }
0x2a: {  	[sflag:s18] =	ssyncset.done $0x0  }
0x2b: {  	[sflag:s18] =	ssyncadd.s32 $0xFFFFE000  }
0x2c: {  	[tilespmem:s10], [sflag:$0x4] =	stream.indirect.gather [hbm4b:s7+s5], $0x1, s5, s5, $0xb8;
	[tilespmem:$0x8000] =	vst v63  }
0x2d: {  	_ =	swait.ge [sflag:s11], $0x2000  }
0x2e: {  	[sflag:s11] =	ssyncset.done $0x0  }
0x2f: {  	s26 =	sadd.s32 $0x1000, s23;
	s19 =	sadd.s32 s24, s19;
	[sflag:s11] =	ssyncadd.s32 $0xFFFFE000  }
0x30: {  	[hbm4b:s19+s2] =	stream.linear.scatter [tilespmem:s8], [sflag:$0x5], $0x2000, $0x38;
	[tilespmem:$0x8000] =	vst v63  }
0x31: {  	s20 =	sadd.s32 s22, s26  }
0x32: {  	[tilespmem:s2], [sflag:$0x1] =	stream.linear.gather [hbm4b:s20+s2], $0x2000, $0x38;
	[tilespmem:$0x8000] =	vst v63  }
0x33: {  	_ =	swait.ge [sflag:s14], $0x2000  }
0x34: {  	[sflag:s14] =	ssyncset.done $0x0  }
0x35: {  	s28 =	sadd.s32 $0x1400, s23;
	s21 =	sadd.s32 s24, s21;
	[sflag:s14] =	ssyncadd.s32 $0xFFFFE000  }
0x36: {  	[hbm4b:s21+s2] =	stream.linear.scatter [tilespmem:s10], [sflag:$0x6], $0x2000, $0x38;
	[tilespmem:$0x8000] =	vst v63  }
0x37: {  	s22 =	sadd.s32 s22, s28  }
0x38: {  	[tilespmem:s5], [sflag:$0x2] =	stream.linear.gather [hbm4b:s22+s2], $0x2000, $0x38;
	[tilespmem:$0x8000] =	vst v63  }
0x39: {  	_ =	swait.ge [sflag:s6], $0x2000  }
0x3a: {  	[sflag:s6] =	ssyncset.done $0x0  }
0x3b: {  	[sflag:s6] =	ssyncadd.s32 $0xFFFFE000  }
0x3c: {  	_ =	swait.ge [sflag:s17], $0x2000  }
0x3d: {  	[sflag:s17] =	ssyncset.done $0x0  }
0x3e: {  	[sflag:s17] =	ssyncadd.s32 $0xFFFFE000  }
0x3f: {  	[tilespmem:s8], [sflag:$0x3] =	stream.indirect.gather [hbm4b:s7+s5], $0x1, s2, s5, $0xb8;
	[tilespmem:$0x8000] =	vst v63  }
0x40: {  	_ =	swait.ge [sflag:s9], $0x2000  }
0x41: {  	[sflag:s9] =	ssyncset.done $0x0  }
0x42: {  	[sflag:s9] =	ssyncadd.s32 $0xFFFFE000  }
0x43: {  	_ =	swait.ge [sflag:s18], $0x2000  }
0x44: {  	[sflag:s18] =	ssyncset.done $0x0  }
0x45: {  	[sflag:s18] =	ssyncadd.s32 $0xFFFFE000  }
0x46: {  	[tilespmem:s10], [sflag:$0x4] =	stream.indirect.gather [hbm4b:s7+s5], $0x1, s5, s5, $0xb8;
	[tilespmem:$0x8000] =	vst v63  }
0x47: {  	_ =	swait.ge [sflag:s11], $0x2000  }
0x48: {  	s25 =	ssub.s32 $0x2, s25;
	[sflag:s11] =	ssyncset.done $0x0  }
0x49: {  	s31 =	sshrl.u32 s25, $0x1;
	s23 =	sadd.s32 s24, s26;
	[sflag:s11] =	ssyncadd.s32 $0xFFFFE000  }
0x4a: {  	[hbm4b:s23+s2] =	stream.linear.scatter [tilespmem:s8], [sflag:$0x5], $0x2000, $0x38;
	[tilespmem:$0x8000] =	vst v63  }
0x4b: {  	s25 =	ssub.s32 s25, s31;
	_ =	swait.ge [sflag:s14], $0x2000  }
0x4c: {  	s25 =	smax.u32 s25, $0x1;
	[sflag:s14] =	ssyncset.done $0x0  }
0x4d: {  	p0 =	sne.s32 s25, $0x1;
	s24 =	sadd.s32 s24, s28;
	[sflag:s14] =	ssyncadd.s32 $0xFFFFE000  }
0x4e: {  	[hbm4b:s24+s2] =	stream.linear.scatter [tilespmem:s10], [sflag:$0x6], $0x2000, $0x38;
	[tilespmem:$0x8000] =	vst v63  }
.Ltmp0:
0x4f: {  	_ =	swait.ge [sflag:s17], $0x2000;
	(pc) =	sbr.rel @!p0 .LBB2_2-.Ltmp0, $4  }
0x50: {  	[sflag:s17] =	ssyncset.done $0x0  }
0x51: {  	[sflag:s17] =	ssyncadd.s32 $0xFFFFE000  }
0x52: {  	_ =	swait.ge [sflag:s18], $0x2000  }
0x53: {  	s25 =	sadd.s32 $0xFFFFFFFF, s25;
	[sflag:s18] =	ssyncset.done $0x0  }
.LBB2_1:
0x54: {  	p0 =	sne.s32 s25, $0x1;
	s25 =	sadd.s32 $0xFFFFFFFF, s25;
	[sflag:s18] =	ssyncadd.s32 $0xFFFFE000  }
0x55: {  	[tilespmem:s2], [sflag:$0x1] =	stream.linear.gather [hbm4b:s3+s2], $0x2000, $0x38;
	[tilespmem:$0x8000] =	vst v63  }
0x56: {  	_ = 	snop  }
0x57: {  	[tilespmem:s5], [sflag:$0x2] =	stream.linear.gather [hbm4b:s4+s2], $0x2000, $0x38;
	[tilespmem:$0x8000] =	vst v63  }
0x58: {  	_ =	swait.ge [sflag:s6], $0x2000  }
0x59: {  	[sflag:s6] =	ssyncset.done $0x0  }
0x5a: {  	[sflag:s6] =	ssyncadd.s32 $0xFFFFE000  }
0x5b: {  	[tilespmem:s8], [sflag:$0x3] =	stream.indirect.gather [hbm4b:s7+s5], $0x1, s2, s5, $0xb8;
	[tilespmem:$0x8000] =	vst v63  }
0x5c: {  	_ =	swait.ge [sflag:s9], $0x2000  }
0x5d: {  	[sflag:s9] =	ssyncset.done $0x0  }
0x5e: {  	[sflag:s9] =	ssyncadd.s32 $0xFFFFE000  }
0x5f: {  	[tilespmem:s10], [sflag:$0x4] =	stream.indirect.gather [hbm4b:s7+s5], $0x1, s5, s5, $0xb8;
	[tilespmem:$0x8000] =	vst v63  }
0x60: {  	_ =	swait.ge [sflag:s11], $0x2000  }
0x61: {  	[sflag:s11] =	ssyncset.done $0x0  }
0x62: {  	[sflag:s11] =	ssyncadd.s32 $0xFFFFE000  }
0x63: {  	[hbm4b:s12+s2] =	stream.linear.scatter [tilespmem:s8], [sflag:$0x5], $0x2000, $0x38;
	[tilespmem:$0x8000] =	vst v63  }
0x64: {  	_ = 	snop  }
0x65: {  	[tilespmem:s2], [sflag:$0x1] =	stream.linear.gather [hbm4b:s13+s2], $0x2000, $0x38;
	[tilespmem:$0x8000] =	vst v63  }
0x66: {  	_ =	swait.ge [sflag:s14], $0x2000  }
0x67: {  	[sflag:s14] =	ssyncset.done $0x0  }
0x68: {  	[sflag:s14] =	ssyncadd.s32 $0xFFFFE000  }
0x69: {  	[hbm4b:s15+s2] =	stream.linear.scatter [tilespmem:s10], [sflag:$0x6], $0x2000, $0x38;
	[tilespmem:$0x8000] =	vst v63  }
0x6a: {  	_ = 	snop  }
0x6b: {  	[tilespmem:s5], [sflag:$0x2] =	stream.linear.gather [hbm4b:s16+s2], $0x2000, $0x38;
	[tilespmem:$0x8000] =	vst v63  }
0x6c: {  	_ =	swait.ge [sflag:s6], $0x2000  }
0x6d: {  	[sflag:s6] =	ssyncset.done $0x0  }
0x6e: {  	[sflag:s6] =	ssyncadd.s32 $0xFFFFE000  }
0x6f: {  	_ =	swait.ge [sflag:s17], $0x2000  }
0x70: {  	[sflag:s17] =	ssyncset.done $0x0  }
0x71: {  	[sflag:s17] =	ssyncadd.s32 $0xFFFFE000  }
0x72: {  	[tilespmem:s8], [sflag:$0x3] =	stream.indirect.gather [hbm4b:s7+s5], $0x1, s2, s5, $0xb8;
	[tilespmem:$0x8000] =	vst v63  }
0x73: {  	_ =	swait.ge [sflag:s9], $0x2000  }
0x74: {  	[sflag:s9] =	ssyncset.done $0x0  }
0x75: {  	[sflag:s9] =	ssyncadd.s32 $0xFFFFE000  }
0x76: {  	_ =	swait.ge [sflag:s18], $0x2000  }
0x77: {  	[sflag:s18] =	ssyncset.done $0x0  }
0x78: {  	[sflag:s18] =	ssyncadd.s32 $0xFFFFE000  }
0x79: {  	[tilespmem:s10], [sflag:$0x4] =	stream.indirect.gather [hbm4b:s7+s5], $0x1, s5, s5, $0xb8;
	[tilespmem:$0x8000] =	vst v63  }
0x7a: {  	_ =	swait.ge [sflag:s11], $0x2000  }
0x7b: {  	[sflag:s11] =	ssyncset.done $0x0  }
0x7c: {  	[sflag:s11] =	ssyncadd.s32 $0xFFFFE000  }
0x7d: {  	[hbm4b:s19+s2] =	stream.linear.scatter [tilespmem:s8], [sflag:$0x5], $0x2000, $0x38;
	[tilespmem:$0x8000] =	vst v63  }
0x7e: {  	_ = 	snop  }
0x7f: {  	[tilespmem:s2], [sflag:$0x1] =	stream.linear.gather [hbm4b:s20+s2], $0x2000, $0x38;
	[tilespmem:$0x8000] =	vst v63  }
0x80: {  	_ =	swait.ge [sflag:s14], $0x2000  }
0x81: {  	[sflag:s14] =	ssyncset.done $0x0  }
0x82: {  	[sflag:s14] =	ssyncadd.s32 $0xFFFFE000  }
0x83: {  	[hbm4b:s21+s2] =	stream.linear.scatter [tilespmem:s10], [sflag:$0x6], $0x2000, $0x38;
	[tilespmem:$0x8000] =	vst v63  }
0x84: {  	_ = 	snop  }
0x85: {  	[tilespmem:s5], [sflag:$0x2] =	stream.linear.gather [hbm4b:s22+s2], $0x2000, $0x38;
	[tilespmem:$0x8000] =	vst v63  }
0x86: {  	_ =	swait.ge [sflag:s6], $0x2000  }
0x87: {  	[sflag:s6] =	ssyncset.done $0x0  }
0x88: {  	[sflag:s6] =	ssyncadd.s32 $0xFFFFE000  }
0x89: {  	_ =	swait.ge [sflag:s17], $0x2000  }
0x8a: {  	[sflag:s17] =	ssyncset.done $0x0  }
0x8b: {  	[sflag:s17] =	ssyncadd.s32 $0xFFFFE000  }
0x8c: {  	[tilespmem:s8], [sflag:$0x3] =	stream.indirect.gather [hbm4b:s7+s5], $0x1, s2, s5, $0xb8;
	[tilespmem:$0x8000] =	vst v63  }
0x8d: {  	_ =	swait.ge [sflag:s9], $0x2000  }
0x8e: {  	[sflag:s9] =	ssyncset.done $0x0  }
0x8f: {  	[sflag:s9] =	ssyncadd.s32 $0xFFFFE000  }
0x90: {  	_ =	swait.ge [sflag:s18], $0x2000  }
0x91: {  	[sflag:s18] =	ssyncset.done $0x0  }
0x92: {  	[sflag:s18] =	ssyncadd.s32 $0xFFFFE000  }
0x93: {  	[tilespmem:s10], [sflag:$0x4] =	stream.indirect.gather [hbm4b:s7+s5], $0x1, s5, s5, $0xb8;
	[tilespmem:$0x8000] =	vst v63  }
0x94: {  	_ =	swait.ge [sflag:s11], $0x2000  }
0x95: {  	[sflag:s11] =	ssyncset.done $0x0  }
0x96: {  	[sflag:s11] =	ssyncadd.s32 $0xFFFFE000  }
0x97: {  	[hbm4b:s23+s2] =	stream.linear.scatter [tilespmem:s8], [sflag:$0x5], $0x2000, $0x38;
	[tilespmem:$0x8000] =	vst v63  }
0x98: {  	_ =	swait.ge [sflag:s14], $0x2000  }
0x99: {  	[sflag:s14] =	ssyncset.done $0x0  }
0x9a: {  	[sflag:s14] =	ssyncadd.s32 $0xFFFFE000  }
0x9b: {  	[hbm4b:s24+s2] =	stream.linear.scatter [tilespmem:s10], [sflag:$0x6], $0x2000, $0x38;
	[tilespmem:$0x8000] =	vst v63  }
.Ltmp1:
0x9c: {  	_ =	swait.ge [sflag:s17], $0x2000;
	(pc) =	sbr.rel @p0 .LBB2_1-.Ltmp1, $4  }
0x9d: {  	[sflag:s17] =	ssyncset.done $0x0  }
0x9e: {  	[sflag:s17] =	ssyncadd.s32 $0xFFFFE000  }
0x9f: {  	_ =	swait.ge [sflag:s18], $0x2000  }
0xa0: {  	[sflag:s18] =	ssyncset.done $0x0  }
.LBB2_2:
0xa1: {  	[sflag:s18] =	ssyncadd.s32 $0xFFFFE000  }
0xa2: {  	_ =	sfence.sel $0x180000  }
0xa3: {  	[bflag:$0x0] =	sbarrier.arrive $0xFFFF  }
0xa4: {  	p0 =	sne.s32 s0, $0x0;
	_ =	strace $0x9000004D  }
0xa5: {  	s0 =	sadd.s32 @!p0 $0x100000, s1;
	[bflag:$0x2] =	sbarrier.arrive $0xFFFF  }
0xa6: {  	[sflag:s0] =	ssyncadd.tile.s32 @!p0 $0x1;
	_ =	shalt  }
.Lfunc_end2:
_tile_overlayer_lowered:
.L_overlay_start_2:
0xa7: {  	(tag) =	ssettag $0x2  }
0xa8: {  	s0 =	rddreg [dreg:$0x0];
	s2 =	stileid.u32  }
0xa9: {  	s1 =	rddreg [dreg:$0x1];
	p0 =	sne.s32 s2, $0x0  }
0xaa: {  	s3 =	rddreg [dreg:$0x2];
	[bflag:$0x3] =	sbarrier.arrive $0xFFFF;
	s2 =	simm.s32 @!p0 $0x1C07  }
0xab: {  	[timem:s3], [sflag:s2] =	dma.local @!p0 [hbm:s0], s1  }
0xac: {  	s0 =	simm.s32 @!p0 $0x7  }
0xad: {  	_ =	swait.ge @!p0 [sflag:s0], s1  }
0xae: {  	s1 =	ssub.s32 @!p0 $0x0, s1;
	[sflag:s0] =	ssyncset.done @!p0 $0x0  }
0xaf: {  	[sflag:s0] =	ssyncadd.s32 @!p0 s1  }
0xb0: {  	[bflag:$0x3] =	sbarrier.arrive $0xFFFF  }
0xb1: {  	_ =	shalt  }

// kernel: kernel.17.cloned.1.call-start
scs
__scs_entry_jumppad:
0x0: {  	(pc) =	sbr.rel $0x88, $3  }
0x1: {  	(tag) =	ssettag $0x0;
	lr =	simm.s32 $0x1  }
0x2: {  	[smem:$0x3F9C] =	sst lr;
	_ =	strace $0xD0000000  }
0x3: {  	_ = 	snop  }
0x4: {  	_ = 	snop  }
0x5: {  	_ = 	snop  }
0x6: {  	_ = 	snop  }
0x7: {  	_ = 	snop  }
__scs_overlays_trampoline_lowered:
0x8: {  	[smem:$0x3FAB] =	sst s0  }
0x9: {  	[smem:$0x3FAC] =	sst s1  }
0xa: {  	[smem:$0x3FAD] =	sst s2  }
0xb: {  	[smem:$0x3FAE] =	sst s3  }
0xc: {  	[smem:$0x3FAF] =	sst s4  }
0xd: {  	[smem:$0x3FB0] =	sst s5  }
0xe: {  	[smem:$0x3FB1] =	sst s6  }
0xf: {  	[smem:$0x3FB2] =	sst s7  }
0x10: {  	[smem:$0x3FB3] =	sst s8  }
0x11: {  	[smem:$0x3FB4] =	sst s9;
	s0 =	simm.s32 @!p0 $0x0  }
0x12: {  	s1 =	sld [smem:$0x3F9A];
	s0 =	simm.s32 @p0 $0x1  }
0x13: {  	[smem:$0x3FB5] =	sst s0;
	s0 =	simm.s32 @!p1 $0x0  }
0x14: {  	s2 =	sld [smem:$0x3F99];
	s0 =	simm.s32 @p1 $0x1  }
0x15: {  	[smem:$0x3FB6] =	sst s0;
	s0 =	simm.s32 @!p2 $0x0  }
0x16: {  	s3 =	sld [smem:$0x3FDB];
	s0 =	simm.s32 @p2 $0x1  }
0x17: {  	s4 =	simm.s32 $0x1BF5;
	[smem:$0x3FB8] =	sst s0  }
0x18: {  	s0 =	sld [smem:$0x3F9B];
	_ =	swait.ge [sflag:s4], $0x0  }
0x19: {  	s7 =	sld [smem:$0x3F9C]  }
0x1a: {  	s8 =	sadd.s32 $0xFFFFE003, lr  }
0x1b: {  	s9 =	sadd.s32 $0xFFFFFEF7, lr;
	s5 =	simm.s32 $0xFFFFFFFF;
	p2 =	slt.u32 s8, $0xFFFFF086  }
0x1c: {  	p1 =	slt.u32 s9, $0xF7A;
	s5 =	simm.s32 @!p2 $0x0  }
0x1d: {  	s5 =	simm.s32 @p1 $0x1;
	p0 =	seq.s32 s7, s2  }
0x1e: {  	s7 =	smul.u32 @!p0 $0xF7A, s2;
	p2 =	seq.s32 @!p0 s5, $0x0  }
0x1f: {  	s9 =	smul.u32 $0xF7A, s1;
	s8 =	simm.s32 @!p0 $0x1BF5;
	p2 =	por !p2, p0  }
0x20: {  	[sflag:s8] =	ssyncset.s32 @!p0 $0xFFFFF086;
	s6 =	sadd.s32 @!p0 s3, s7;
	s7 =	simm.s32 @!p0 $0x108  }
0x21: {  	s3 =	sadd.s32 s3, s9;
	s6 =	sadd.s32 @!p0 $0x88, s6;
	s7 =	simm.s32 @p2 $0x1082  }
0x22: {  	[simem:s7], [sflag:s8] =	dma.local @!p0 [hbm:s6], $0xF7A  }
0x23: {  	s9 =	sor.u32 $0xD0000000, s2;
	s6 =	simm.s32 $0x108;
	_ =	swait.ge @!p0 [sflag:s8], $0x0  }
0x24: {  	s3 =	sadd.s32 $0x88, s3;
	s6 =	simm.s32 @!p1 $0x1082;
	[sflag:s4] =	ssyncset.s32 $0xFFFFF086  }
0x25: {  	[simem:s6], [sflag:s4] =	dma.local [hbm:s3], $0xF7A  }
0x26: {  	[smem:$0x3F9C] =	sst s1;
	(tag) =	ssettag s2;
	_ =	strace s9  }
0x27: {  	s1 =	sld [smem:$0x3FAC]  }
0x28: {  	s2 =	sld [smem:$0x3FAD]  }
0x29: {  	s4 =	sld [smem:$0x3FAF]  }
0x2a: {  	p0 =	seq.s32 s5, $0x0;
	s5 =	sld [smem:$0x3FB0]  }
0x2b: {  	s6 =	sld [smem:$0x3FB1]  }
0x2c: {  	s7 =	sld [smem:$0x3FB2]  }
0x2d: {  	s3 =	simm.s32 $0x108;
	s8 =	sld [smem:$0x3FB3]  }
0x2e: {  	s3 =	simm.s32 @!p0 $0x1082;
	s9 =	sld [smem:$0x3FB4]  }
0x2f: {  	lr =	sadd.s32 s0, s3;
	s0 =	sld [smem:$0x3FAB]  }
0x30: {  	s3 =	sld [smem:$0x3FAE]  }
0x31: {  	[smem:$0x3FB7] =	sst s10  }
0x32: {  	s10 =	sld [smem:$0x3FB5];
	_ =	sdelay $0x3  }
0x33: {  	p0 =	seq.s32 s10, $0x1;
	s10 =	sld [smem:$0x3FB7];
	_ =	sdelay $0x3  }
0x34: {  	[smem:$0x3FB7] =	sst s10  }
0x35: {  	s10 =	sld [smem:$0x3FB6];
	_ =	sdelay $0x3  }
0x36: {  	p1 =	seq.s32 s10, $0x1;
	s10 =	sld [smem:$0x3FB7];
	_ =	sdelay $0x3  }
0x37: {  	[smem:$0x3FB7] =	sst s10  }
0x38: {  	s10 =	sld [smem:$0x3FB8]  }
0x39: {  	_ = 	snop;
	(pc) =	sbr.ind lr, $3  }
0x3a: {  	_ = 	snop  }
0x3b: {  	_ = 	snop  }
0x3c: {  	p2 =	seq.s32 s10, $0x1;
	s10 =	sld [smem:$0x3FB7]  }
0x3d: {  	_ =	shalt  }
0x3e: {  	_ =	shalt  }
0x3f: {  	_ =	shalt  }
0x40: {  	_ =	shalt  }
0x41: {  	_ =	shalt  }
0x42: {  	_ =	shalt  }
0x43: {  	_ =	shalt  }
0x44: {  	_ =	shalt  }
0x45: {  	_ =	shalt  }
0x46: {  	_ =	shalt  }
0x47: {  	_ =	shalt  }
0x48: {  	_ =	shalt  }
0x49: {  	_ =	shalt  }
0x4a: {  	_ =	shalt  }
0x4b: {  	_ =	shalt  }
0x4c: {  	_ =	shalt  }
0x4d: {  	_ =	shalt  }
0x4e: {  	_ =	shalt  }
0x4f: {  	_ =	shalt  }
0x50: {  	_ =	shalt  }
0x51: {  	_ =	shalt  }
0x52: {  	_ =	shalt  }
0x53: {  	_ =	shalt  }
0x54: {  	_ =	shalt  }
0x55: {  	_ =	shalt  }
0x56: {  	_ =	shalt  }
0x57: {  	_ =	shalt  }
0x58: {  	_ =	shalt  }
0x59: {  	_ =	shalt  }
0x5a: {  	_ =	shalt  }
0x5b: {  	_ =	shalt  }
0x5c: {  	_ =	shalt  }
0x5d: {  	_ =	shalt  }
0x5e: {  	_ =	shalt  }
0x5f: {  	_ =	shalt  }
0x60: {  	_ =	shalt  }
0x61: {  	_ =	shalt  }
0x62: {  	_ =	shalt  }
0x63: {  	_ =	shalt  }
0x64: {  	_ =	shalt  }
0x65: {  	_ =	shalt  }
0x66: {  	_ =	shalt  }
0x67: {  	_ =	shalt  }
0x68: {  	_ =	shalt  }
0x69: {  	_ =	shalt  }
0x6a: {  	_ =	shalt  }
0x6b: {  	_ =	shalt  }
0x6c: {  	_ =	shalt  }
0x6d: {  	_ =	shalt  }
0x6e: {  	_ =	shalt  }
0x6f: {  	_ =	shalt  }
0x70: {  	_ =	shalt  }
0x71: {  	_ =	shalt  }
0x72: {  	_ =	shalt  }
0x73: {  	_ =	shalt  }
0x74: {  	_ =	shalt  }
0x75: {  	_ =	shalt  }
0x76: {  	_ =	shalt  }
0x77: {  	_ =	shalt  }
0x78: {  	_ =	shalt  }
0x79: {  	_ =	shalt  }
0x7a: {  	_ =	shalt  }
0x7b: {  	_ =	shalt  }
0x7c: {  	_ =	shalt  }
0x7d: {  	_ =	shalt  }
0x7e: {  	_ =	shalt  }
0x7f: {  	_ =	shalt  }
0x80: {  	_ =	shalt  }
0x81: {  	_ =	shalt  }
0x82: {  	_ =	shalt  }
0x83: {  	_ =	shalt  }
0x84: {  	_ =	shalt  }
0x85: {  	_ =	shalt  }
0x86: {  	_ =	shalt  }
0x87: {  	_ =	shalt  }
.Lfunc_end0:
.L_simem_size_0:
called_computation.3_lowered:
.L_overlay_start_0:
0x88: {  	s2 =	sld [smem:$0x3FD9]  }
0x89: {  	s3 =	sld [smem:$0x3FFE];
	_ =	sdelay $0x1  }
0x8a: {  	s1 =	srdreg.scid  }
0x8b: {  	s0 =	sand.u32 $0x1, s1  }
0x8c: {  	s17 =	sshll.u32 s0, $0xA;
	s2 =	sadd.s32 s3, s2  }
0x8d: {  	s2 =	sadd.s32 s2, s17  }
0x8e: {  	[smem:$0x3FC3] =	sst s2  }
0x8f: {  	_ = 	snop  }
0x90: {  	(tm) =	ssettm $0x1  }
0x91: {  	s18 =	sld [smem:$0x3FFB];
	_ =	sdelay $0x3  }
0x92: {  	_ =	strace s18  }
0x93: {  	s2 =	sld [smem:$0x3FFC];
	_ =	sdelay $0x3  }
0x94: {  	_ =	strace s2  }
0x95: {  	s2 =	sld [smem:$0x3FFD];
	_ =	sdelay $0x3  }
0x96: {  	_ =	strace s2  }
0x97: {  	_ =	strace $0x8FFFFFFF  }
0x98: {  	s19 =	sld [smem:$0x3FDB];
	_ =	sdelay $0x1  }
0x99: {  	s20 =	simm.s32 $_scs_section_size  }
0x9a: {  	s4 =	simm.s32 $_size__tile_overlayer_lowered;
	s5 =	simm.s32 $_tile_overlayer_lowered  }
0x9b: {  	s6 =	simm.s32 $0x1BFF;
	s21 =	sshll.u32 s5, $0x1;
	s3 =	sadd.s32 s20, s19  }
0x9c: {  	s22 =	simm.s32 $0x0;
	s4 =	sshll.u32 s4, $0x1;
	s5 =	sadd.s32 s21, s3  }
0x9d: {  	[timem:s22], [sflag:s6] =	dma.local [hbm:s5], s4  }
0x9e: {  	_ =	swait.ge [sflag:s6], s4  }
0x9f: {  	s4 =	ssub.s32 $0x0, s4;
	[sflag:s6] =	ssyncset.done $0x0  }
0xa0: {  	[sflag:s6] =	ssyncadd.s32 s4;
	_ =	sdelay $0x1  }
0xa1: {  	s23 =	simm.s32 $0x1B8B  }
0xa2: {  	_ =	swait.ge [sflag:s23], $0x1  }
0xa3: {  	[sflag:s23] =	ssyncset.done $0x0  }
0xa4: {  	[sflag:s23] =	ssyncadd.s32 $0xFFFFFFFF  }
0xa5: {  	s4 =	sld [smem:$0x0]  }
0xa6: {  	s5 =	sand.u32 $0xFFFFFFFE, s1  }
0xa7: {  	p0 =	sne.s32 s1, s5  }
0xa8: {  	s5 =	sshll.u32 @p0 s5, $0xE  }
0xa9: {  	s5 =	sadd.s32 @p0 $0x11B8D, s5;
	s6 =	sshll.u32 @p0 s4, $0x11  }
0xaa: {  	s5 =	sor.u32 @p0 s6, s5  }
0xab: {  	[sflag:s5] =	ssyncadd.remote.s32 @p0 $0x1;
	_ =	sdelay $0x1  }
0xac: {  	s5 =	simm.s32 @p0 $0x1B8D  }
0xad: {  	_ =	swait.eq @p0 [sflag:s5], $0x1  }
0xae: {  	[sflag:s5] =	ssyncadd.s32 @p0 $0xFFFFFFFF  }
0xaf: {  	s6 =	sshll.u32 @!p0 s1, $0xE  }
0xb0: {  	s6 =	sor.u32 @!p0 $0x4000, s6;
	s5 =	simm.s32 @!p0 $0x1B8D  }
0xb1: {  	s4 =	sshll.u32 @!p0 s4, $0x11;
	s6 =	sadd.s32 @!p0 $0x11B8D, s6;
	_ =	swait.eq @!p0 [sflag:s5], $0x1  }
0xb2: {  	s4 =	sor.u32 @!p0 s4, s6;
	[sflag:s5] =	ssyncadd.s32 @!p0 $0xFFFFFFFF  }
0xb3: {  	s25 =	simm.s32 $0x1B8E;
	s24 =	sld [smem:$0x3FFE];
	[sflag:s4] =	ssyncadd.remote.s32 @!p0 $0x1  }
0xb4: {  	s26 =	simm.s32 $execute0_lowered;
	[smem:$0x3FD2] =	sst s25  }
0xb5: {  	s5 =	sshll.u32 s26, $0x1;
	_ =	strace $0x8000004F;
	[dreg:$0x1] =	wrdreg $0xFFFFFFFF  }
0xb6: {  	s28 =	simm.s32 $_size_execute0_lowered;
	s3 =	sadd.s32 s3, s5;
	[dreg:$0x0] =	wrdreg $0x0  }
0xb7: {  	s5 =	sshll.u32 s28, $0x1;
	[dreg:$0x2] =	wrdreg s3  }
0xb8: {  	[dreg:$0x3] =	wrdreg s5  }
0xb9: {  	[dreg:$0x4] =	wrdreg $0xC0  }
0xba: {  	_ =	task [dreg:s22], $0x5FFFF  }
0xbb: {  	[dreg:$0x1] =	wrdreg $0xFFFFFFFF  }
0xbc: {  	[dreg:$0x0] =	wrdreg $0x60  }
0xbd: {  	[dreg:$0x2] =	wrdreg s24  }
0xbe: {  	[dreg:$0x3] =	wrdreg $0xB  }
0xbf: {  	_ =	task.clear_ibuf [dreg:s22], $0x4FFFF;
	_ =	strace $0x9000004F  }
0xc0: {  	s29 =	simm.s32 $0xB;
	_ =	strace $0x80000051  }
0xc1: {  	_ =	swait.ge [sflag:s29], $0x1  }
0xc2: {  	[sflag:s29] =	ssyncadd.s32 $0xFFFFFFFF  }
0xc3: {  	_ =	strace $0x90000051  }
0xc4: {  	_ =	sfence  }
0xc5: {  	s30 =	sld [smem:$0x0];
	_ =	sdelay $0x2  }
0xc6: {  	s31 =	sshll.u32 s1, $0xD;
	s1 =	sshrl.u32 s1, $0x2  }
0xc7: {  	s4 =	sand.u32 $0x4000, s31;
	s1 =	sadd.s32 s1, s30  }
0xc8: {  	s0 =	sor.u32 s4, s0;
	s1 =	sshll.u32 s1, $0x11  }
0xc9: {  	s0 =	sor.u32 s1, s0  }
0xca: {  	s0 =	sadd.s32 $0x8F2B, s0  }
0xcb: {  	[sflag:s0] =	ssyncadd.remote.s32 $0x1  }
0xcc: {  	_ =	sfence.sel $0xFFFF  }
0xcd: {  	[dreg:$0x0] =	wrdreg $0xFFFFFFFF;
	(pc) =	sbr.abs _section_cstart, $3  }
0xce: {  	[dreg:$0x1] =	wrdreg $0xFFFFFFFF  }
0xcf: {  	_ =	task.clear_ibuf [dreg:s22], $0x2FFFF;
	_ =	strace $0x9FFFFFFF  }
0xd0: {  	(tm) =	ssettm $0x7FFFFFFF  }
0xd1: {  	_ =	shalt  }
tec
execute0_lowered:
.L_overlay_start_1:
0x0: {  	(tag) =	ssettag $0x1  }
0x1: {  	s12 =	rddreg [dreg:$0x0];
	s2 =	srdreg.scid  }
0x2: {  	s0 =	rddreg [dreg:$0x1];
	s1 =	stileid.u32;
	s20 =	sand.u32 $0x1, s2  }
0x3: {  	s2 =	simm.s32 $0x0;
	s3 =	sshll.u32 s1, $0xD;
	s4 =	sshll.u32 s20, $0xC  }
0x4: {  	s16 =	sadd.s32 $0x484A00, s12;
	[smem:$0x7FF] =	sst s2;
	s17 =	sor.u32 s4, s3  }
0x5: {  	_ =	strace $0x80000050;
	s3 =	sadd.s32 s16, s17;
	s15 =	sor.u32 $0x400, s17  }
0x6: {  	[tilespmem:s2], [sflag:$0x1] =	stream.linear.gather [hbm4b:s3+s2], $0x2000, $0x38;
	[tilespmem:$0x8000] =	vst v63  }
0x7: {  	s5 =	simm.s32 $0x2000;
	s6 =	simm.s32 $0x1;
	s4 =	sadd.s32 s16, s15  }
0x8: {  	[tilespmem:s5], [sflag:$0x2] =	stream.linear.gather [hbm4b:s4+s2], $0x2000, $0x38;
	[tilespmem:$0x8000] =	vst v63  }
0x9: {  	_ =	swait.ge [sflag:s6], $0x2000  }
0xa: {  	s8 =	simm.s32 $0x4000;
	[sflag:s6] =	ssyncset.done $0x0  }
0xb: {  	s9 =	simm.s32 $0x2;
	s7 =	sadd.s32 $0x4A00, s12;
	[sflag:s6] =	ssyncadd.s32 $0xFFFFE000  }
0xc: {  	[tilespmem:s8], [sflag:$0x3] =	stream.indirect.gather [hbm4b:s7+s5], $0x1, s2, s5, $0xb8;
	[tilespmem:$0x8000] =	vst v63  }
0xd: {  	_ =	swait.ge [sflag:s9], $0x2000  }
0xe: {  	[sflag:s9] =	ssyncset.done $0x0  }
0xf: {  	s10 =	simm.s32 $0x6000;
	s11 =	simm.s32 $0x3;
	[sflag:s9] =	ssyncadd.s32 $0xFFFFE000  }
0x10: {  	[tilespmem:s10], [sflag:$0x4] =	stream.indirect.gather [hbm4b:s7+s5], $0x1, s5, s5, $0xb8;
	[tilespmem:$0x8000] =	vst v63  }
0x11: {  	_ =	swait.ge [sflag:s11], $0x2000  }
0x12: {  	s21 =	sadd.s32 $0x4E4A00, s12;
	[sflag:s11] =	ssyncset.done $0x0  }
0x13: {  	s12 =	sadd.s32 s21, s17;
	s19 =	sor.u32 $0x800, s17;
	[sflag:s11] =	ssyncadd.s32 $0xFFFFE000  }
0x14: {  	[hbm4b:s12+s2] =	stream.linear.scatter [tilespmem:s8], [sflag:$0x5], $0x2000, $0x38;
	[tilespmem:$0x8000] =	vst v63  }
0x15: {  	s14 =	simm.s32 $0x4;
	s13 =	sadd.s32 s16, s19  }
0x16: {  	[tilespmem:s2], [sflag:$0x1] =	stream.linear.gather [hbm4b:s13+s2], $0x2000, $0x38;
	[tilespmem:$0x8000] =	vst v63  }
0x17: {  	_ =	swait.ge [sflag:s14], $0x2000  }
0x18: {  	[sflag:s14] =	ssyncset.done $0x0  }
0x19: {  	s22 =	sor.u32 $0xC00, s17;
	s15 =	sadd.s32 s21, s15;
	[sflag:s14] =	ssyncadd.s32 $0xFFFFE000  }
0x1a: {  	[hbm4b:s15+s2] =	stream.linear.scatter [tilespmem:s10], [sflag:$0x6], $0x2000, $0x38;
	[tilespmem:$0x8000] =	vst v63  }
0x1b: {  	s16 =	sadd.s32 s16, s22  }
0x1c: {  	[tilespmem:s5], [sflag:$0x2] =	stream.linear.gather [hbm4b:s16+s2], $0x2000, $0x38;
	[tilespmem:$0x8000] =	vst v63  }
0x1d: {  	_ =	swait.ge [sflag:s6], $0x2000  }
0x1e: {  	[sflag:s6] =	ssyncset.done $0x0  }
0x1f: {  	s17 =	simm.s32 $0x5;
	[sflag:s6] =	ssyncadd.s32 $0xFFFFE000  }
0x20: {  	_ =	swait.ge [sflag:s17], $0x2000  }
0x21: {  	[sflag:s17] =	ssyncset.done $0x0  }
0x22: {  	[sflag:s17] =	ssyncadd.s32 $0xFFFFE000  }
0x23: {  	[tilespmem:s8], [sflag:$0x3] =	stream.indirect.gather [hbm4b:s7+s5], $0x1, s2, s5, $0xb8;
	[tilespmem:$0x8000] =	vst v63  }
0x24: {  	_ =	swait.ge [sflag:s9], $0x2000  }
0x25: {  	[sflag:s9] =	ssyncset.done $0x0  }
0x26: {  	s18 =	simm.s32 $0x6;
	[sflag:s9] =	ssyncadd.s32 $0xFFFFE000  }
0x27: {  	_ =	swait.ge [sflag:s18], $0x2000  }
0x28: {  	[sflag:s18] =	ssyncset.done $0x0  }
0x29: {  	[sflag:s18] =	ssyncadd.s32 $0xFFFFE000  }
0x2a: {  	[tilespmem:s10], [sflag:$0x4] =	stream.indirect.gather [hbm4b:s7+s5], $0x1, s5, s5, $0xb8;
	[tilespmem:$0x8000] =	vst v63  }
0x2b: {  	_ =	swait.ge [sflag:s11], $0x2000  }
0x2c: {  	s23 =	ssub.s32 $0x2, s20;
	[sflag:s11] =	ssyncset.done $0x0  }
0x2d: {  	s31 =	sshrl.u32 s23, $0x1;
	s19 =	sadd.s32 s21, s19;
	[sflag:s11] =	ssyncadd.s32 $0xFFFFE000  }
0x2e: {  	[hbm4b:s19+s2] =	stream.linear.scatter [tilespmem:s8], [sflag:$0x5], $0x2000, $0x38;
	[tilespmem:$0x8000] =	vst v63  }
0x2f: {  	s20 =	sadd.s32 s21, s22;
	s21 =	ssub.s32 s23, s31;
	_ =	swait.ge [sflag:s14], $0x2000  }
0x30: {  	s21 =	smax.u32 s21, $0x1;
	[sflag:s14] =	ssyncset.done $0x0  }
0x31: {  	p0 =	sne.s32 s21, $0x1;
	[sflag:s14] =	ssyncadd.s32 $0xFFFFE000  }
0x32: {  	[hbm4b:s20+s2] =	stream.linear.scatter [tilespmem:s10], [sflag:$0x6], $0x2000, $0x38;
	[tilespmem:$0x8000] =	vst v63  }
.Ltmp0:
0x33: {  	_ =	swait.ge [sflag:s17], $0x2000;
	(pc) =	sbr.rel @!p0 .LBB2_2-.Ltmp0, $4  }
0x34: {  	[sflag:s17] =	ssyncset.done $0x0  }
0x35: {  	[sflag:s17] =	ssyncadd.s32 $0xFFFFE000  }
0x36: {  	_ =	swait.ge [sflag:s18], $0x2000  }
0x37: {  	s21 =	sadd.s32 $0xFFFFFFFF, s21;
	[sflag:s18] =	ssyncset.done $0x0  }
.LBB2_1:
0x38: {  	p0 =	sne.s32 s21, $0x1;
	s21 =	sadd.s32 $0xFFFFFFFF, s21;
	[sflag:s18] =	ssyncadd.s32 $0xFFFFE000  }
0x39: {  	[tilespmem:s2], [sflag:$0x1] =	stream.linear.gather [hbm4b:s3+s2], $0x2000, $0x38;
	[tilespmem:$0x8000] =	vst v63  }
0x3a: {  	_ = 	snop  }
0x3b: {  	[tilespmem:s5], [sflag:$0x2] =	stream.linear.gather [hbm4b:s4+s2], $0x2000, $0x38;
	[tilespmem:$0x8000] =	vst v63  }
0x3c: {  	_ =	swait.ge [sflag:s6], $0x2000  }
0x3d: {  	[sflag:s6] =	ssyncset.done $0x0  }
0x3e: {  	[sflag:s6] =	ssyncadd.s32 $0xFFFFE000  }
0x3f: {  	[tilespmem:s8], [sflag:$0x3] =	stream.indirect.gather [hbm4b:s7+s5], $0x1, s2, s5, $0xb8;
	[tilespmem:$0x8000] =	vst v63  }
0x40: {  	_ =	swait.ge [sflag:s9], $0x2000  }
0x41: {  	[sflag:s9] =	ssyncset.done $0x0  }
0x42: {  	[sflag:s9] =	ssyncadd.s32 $0xFFFFE000  }
0x43: {  	[tilespmem:s10], [sflag:$0x4] =	stream.indirect.gather [hbm4b:s7+s5], $0x1, s5, s5, $0xb8;
	[tilespmem:$0x8000] =	vst v63  }
0x44: {  	_ =	swait.ge [sflag:s11], $0x2000  }
0x45: {  	[sflag:s11] =	ssyncset.done $0x0  }
0x46: {  	[sflag:s11] =	ssyncadd.s32 $0xFFFFE000  }
0x47: {  	[hbm4b:s12+s2] =	stream.linear.scatter [tilespmem:s8], [sflag:$0x5], $0x2000, $0x38;
	[tilespmem:$0x8000] =	vst v63  }
0x48: {  	_ = 	snop  }
0x49: {  	[tilespmem:s2], [sflag:$0x1] =	stream.linear.gather [hbm4b:s13+s2], $0x2000, $0x38;
	[tilespmem:$0x8000] =	vst v63  }
0x4a: {  	_ =	swait.ge [sflag:s14], $0x2000  }
0x4b: {  	[sflag:s14] =	ssyncset.done $0x0  }
0x4c: {  	[sflag:s14] =	ssyncadd.s32 $0xFFFFE000  }
0x4d: {  	[hbm4b:s15+s2] =	stream.linear.scatter [tilespmem:s10], [sflag:$0x6], $0x2000, $0x38;
	[tilespmem:$0x8000] =	vst v63  }
0x4e: {  	_ = 	snop  }
0x4f: {  	[tilespmem:s5], [sflag:$0x2] =	stream.linear.gather [hbm4b:s16+s2], $0x2000, $0x38;
	[tilespmem:$0x8000] =	vst v63  }
0x50: {  	_ =	swait.ge [sflag:s6], $0x2000  }
0x51: {  	[sflag:s6] =	ssyncset.done $0x0  }
0x52: {  	[sflag:s6] =	ssyncadd.s32 $0xFFFFE000  }
0x53: {  	_ =	swait.ge [sflag:s17], $0x2000  }
0x54: {  	[sflag:s17] =	ssyncset.done $0x0  }
0x55: {  	[sflag:s17] =	ssyncadd.s32 $0xFFFFE000  }
0x56: {  	[tilespmem:s8], [sflag:$0x3] =	stream.indirect.gather [hbm4b:s7+s5], $0x1, s2, s5, $0xb8;
	[tilespmem:$0x8000] =	vst v63  }
0x57: {  	_ =	swait.ge [sflag:s9], $0x2000  }
0x58: {  	[sflag:s9] =	ssyncset.done $0x0  }
0x59: {  	[sflag:s9] =	ssyncadd.s32 $0xFFFFE000  }
0x5a: {  	_ =	swait.ge [sflag:s18], $0x2000  }
0x5b: {  	[sflag:s18] =	ssyncset.done $0x0  }
0x5c: {  	[sflag:s18] =	ssyncadd.s32 $0xFFFFE000  }
0x5d: {  	[tilespmem:s10], [sflag:$0x4] =	stream.indirect.gather [hbm4b:s7+s5], $0x1, s5, s5, $0xb8;
	[tilespmem:$0x8000] =	vst v63  }
0x5e: {  	_ =	swait.ge [sflag:s11], $0x2000  }
0x5f: {  	[sflag:s11] =	ssyncset.done $0x0  }
0x60: {  	[sflag:s11] =	ssyncadd.s32 $0xFFFFE000  }
0x61: {  	[hbm4b:s19+s2] =	stream.linear.scatter [tilespmem:s8], [sflag:$0x5], $0x2000, $0x38;
	[tilespmem:$0x8000] =	vst v63  }
0x62: {  	_ =	swait.ge [sflag:s14], $0x2000  }
0x63: {  	[sflag:s14] =	ssyncset.done $0x0  }
0x64: {  	[sflag:s14] =	ssyncadd.s32 $0xFFFFE000  }
0x65: {  	[hbm4b:s20+s2] =	stream.linear.scatter [tilespmem:s10], [sflag:$0x6], $0x2000, $0x38;
	[tilespmem:$0x8000] =	vst v63  }
.Ltmp1:
0x66: {  	_ =	swait.ge [sflag:s17], $0x2000;
	(pc) =	sbr.rel @p0 .LBB2_1-.Ltmp1, $4  }
0x67: {  	[sflag:s17] =	ssyncset.done $0x0  }
0x68: {  	[sflag:s17] =	ssyncadd.s32 $0xFFFFE000  }
0x69: {  	_ =	swait.ge [sflag:s18], $0x2000  }
0x6a: {  	[sflag:s18] =	ssyncset.done $0x0  }
.LBB2_2:
0x6b: {  	[sflag:s18] =	ssyncadd.s32 $0xFFFFE000  }
0x6c: {  	_ =	sfence.sel $0x180000  }
0x6d: {  	[bflag:$0x0] =	sbarrier.arrive $0xFFFF  }
0x6e: {  	p0 =	sne.s32 s1, $0x0;
	_ =	strace $0x90000050  }
0x6f: {  	s0 =	sadd.s32 @!p0 $0x100000, s0;
	[bflag:$0x2] =	sbarrier.arrive $0xFFFF  }
0x70: {  	[sflag:s0] =	ssyncadd.tile.s32 @!p0 $0x1;
	_ =	shalt  }
.Lfunc_end2:
_tile_overlayer_lowered:
.L_overlay_start_2:
0x71: {  	(tag) =	ssettag $0x2  }
0x72: {  	s0 =	rddreg [dreg:$0x0];
	s2 =	stileid.u32  }
0x73: {  	s1 =	rddreg [dreg:$0x1];
	p0 =	sne.s32 s2, $0x0  }
0x74: {  	s3 =	rddreg [dreg:$0x2];
	[bflag:$0x3] =	sbarrier.arrive $0xFFFF;
	s2 =	simm.s32 @!p0 $0x1C07  }
0x75: {  	[timem:s3], [sflag:s2] =	dma.local @!p0 [hbm:s0], s1  }
0x76: {  	s0 =	simm.s32 @!p0 $0x7  }
0x77: {  	_ =	swait.ge @!p0 [sflag:s0], s1  }
0x78: {  	s1 =	ssub.s32 @!p0 $0x0, s1;
	[sflag:s0] =	ssyncset.done @!p0 $0x0  }
0x79: {  	[sflag:s0] =	ssyncadd.s32 @!p0 s1  }
0x7a: {  	[bflag:$0x3] =	sbarrier.arrive $0xFFFF  }
0x7b: {  	_ =	shalt  }

// kernel: sparse-core-data-format-call.cloned.1.call-start
scs
called_computation_lowered:
.L_overlay_start_0:
0x0: {  	s2 =	sld [smem:$0x3FD9]  }
0x1: {  	s3 =	sld [smem:$0x3FFE];
	_ =	sdelay $0x1  }
0x2: {  	s1 =	srdreg.scid  }
0x3: {  	s0 =	sand.u32 $0x1, s1  }
0x4: {  	s18 =	sshll.u32 s0, $0xA;
	s2 =	sadd.s32 s3, s2  }
0x5: {  	s2 =	sadd.s32 s2, s18  }
0x6: {  	[smem:$0x3FC3] =	sst s2  }
0x7: {  	_ = 	snop  }
0x8: {  	s2 =	sld [smem:$0x3FC7];
	(tm) =	ssettm $0x1  }
0x9: {  	s19 =	sld [smem:$0x3FFB];
	_ =	sdelay $0x3  }
0xa: {  	_ =	strace s19  }
0xb: {  	s3 =	sld [smem:$0x3FFC];
	_ =	sdelay $0x3  }
0xc: {  	_ =	strace s3  }
0xd: {  	s3 =	sld [smem:$0x3FFD];
	_ =	sdelay $0x3  }
0xe: {  	_ =	strace s3  }
0xf: {  	_ =	strace $0x8FFFFFFF  }
0x10: {  	s20 =	sld [smem:$0x3FDB];
	_ =	sdelay $0x1  }
0x11: {  	s4 =	simm.s32 $_scs_section_size  }
0x12: {  	s5 =	simm.s32 $_size__tile_overlayer_lowered;
	s6 =	simm.s32 $_tile_overlayer_lowered  }
0x13: {  	s23 =	simm.s32 $0x1BFF;
	s22 =	sshll.u32 s6, $0x1;
	s3 =	sadd.s32 s4, s20  }
0x14: {  	s7 =	simm.s32 $0x0;
	s21 =	sshll.u32 s5, $0x1;
	s5 =	sadd.s32 s22, s3  }
0x15: {  	[timem:s7], [sflag:s23] =	dma.local [hbm:s5], s21  }
0x16: {  	_ =	swait.ge [sflag:s23], s21  }
0x17: {  	s4 =	ssub.s32 $0x0, s21;
	[sflag:s23] =	ssyncset.done $0x0  }
0x18: {  	[sflag:s23] =	ssyncadd.s32 s4;
	_ =	sdelay $0x1  }
0x19: {  	s24 =	simm.s32 $0x1B8B  }
0x1a: {  	_ =	swait.ge [sflag:s24], $0x1  }
0x1b: {  	[sflag:s24] =	ssyncset.done $0x0  }
0x1c: {  	s26 =	simm.s32 $0x1B8E;
	s25 =	sld [smem:$0x3FFE];
	[sflag:s24] =	ssyncadd.s32 $0xFFFFFFFF  }
0x1d: {  	s27 =	simm.s32 $execute0_lowered;
	[smem:$0x3FD2] =	sst s26  }
0x1e: {  	s5 =	sshll.u32 s27, $0x1;
	_ =	strace $0x80000046;
	[dreg:$0x1] =	wrdreg $0xFFFFFFFF  }
0x1f: {  	s28 =	simm.s32 $_size_execute0_lowered;
	s3 =	sadd.s32 s3, s5;
	[dreg:$0x0] =	wrdreg $0x0  }
0x20: {  	s5 =	sshll.u32 s28, $0x1;
	[dreg:$0x2] =	wrdreg s3  }
0x21: {  	[dreg:$0x3] =	wrdreg s5  }
0x22: {  	[dreg:$0x4] =	wrdreg $0xC0  }
0x23: {  	_ =	task [dreg:s7], $0x5FFFF  }
0x24: {  	[dreg:$0x1] =	wrdreg $0xFFFFFFFF  }
0x25: {  	[dreg:$0x0] =	wrdreg $0x60  }
0x26: {  	[dreg:$0x2] =	wrdreg s2  }
0x27: {  	[dreg:$0x3] =	wrdreg s25  }
0x28: {  	[dreg:$0x4] =	wrdreg $0x9  }
0x29: {  	_ =	task.clear_ibuf [dreg:s7], $0x5FFFF;
	_ =	strace $0x90000046  }
0x2a: {  	s29 =	simm.s32 $0x9;
	_ =	strace $0x80000048  }
0x2b: {  	_ =	swait.ge [sflag:s29], $0x1  }
0x2c: {  	[sflag:s29] =	ssyncadd.s32 $0xFFFFFFFF  }
0x2d: {  	_ =	strace $0x90000048  }
0x2e: {  	_ =	sfence  }
0x2f: {  	s30 =	sld [smem:$0x0];
	_ =	sdelay $0x2  }
0x30: {  	s31 =	sshll.u32 s1, $0xD;
	s1 =	sshrl.u32 s1, $0x2  }
0x31: {  	s3 =	sand.u32 $0x4000, s31;
	s1 =	sadd.s32 s1, s30  }
0x32: {  	s0 =	sor.u32 s3, s0;
	s1 =	sshll.u32 s1, $0x11  }
0x33: {  	s0 =	sor.u32 s1, s0  }
0x34: {  	s0 =	sadd.s32 $0x8F2B, s0  }
0x35: {  	[sflag:s0] =	ssyncadd.remote.s32 $0x1  }
0x36: {  	_ =	sfence.sel $0xFFFF  }
0x37: {  	[dreg:$0x0] =	wrdreg $0xFFFFFFFF;
	(pc) =	sbr.abs _section_cstart, $3  }
0x38: {  	[dreg:$0x1] =	wrdreg $0xFFFFFFFF  }
0x39: {  	_ =	task.clear_ibuf [dreg:s7], $0x2FFFF;
	_ =	strace $0x9FFFFFFF  }
0x3a: {  	(tm) =	ssettm $0x7FFFFFFF  }
0x3b: {  	_ =	shalt  }
tec
execute0_lowered:
.L_overlay_start_1:
0x0: {  	(tag) =	ssettag $0x1  }
0x1: {  	s0 =	srdreg.scid  }
0x2: {  	s1 =	sshll.u32 s0, $0x4  }
0x3: {  	s2 =	rddreg [dreg:$0x0];
	s0 =	stileid.u32;
	s1 =	sand.u32 $0x10, s1  }
0x4: {  	s4 =	rddreg [dreg:$0x1];
	s7 =	simm.s32 $0x1;
	s1 =	sor.u32 s0, s1  }
0x5: {  	s8 =	simm.s32 $0x2;
	s9 =	simm.s32 $0x0;
	s3 =	sshll.u32 s1, $0x3  }
0x6: {  	s12 =	simm.s32 $0x0;
	s11 =	simm.s32 $0x0;
	s6 =	ssub.s32 $0x2000, s3  }
.Ltmp0:
0x7: {  	s4 =	sadd.s32 $0x4A00, s4;
	s5 =	sand.u32 $0xF8, s6;
	(pc) =	sbr.rel .LBB1_1-.Ltmp0, $4  }
0x8: {  	s1 =	rddreg [dreg:$0x2];
	_ =	strace $0x80000047;
	p0 =	sne.s32 s5, $0x0  }
0x9: {  	s6 =	sshrl.u32 s6, $0x8;
	s5 =	simm.s32 $0x1;
	s7 =	simm.s32 @!p0 $0x0  }
0xa: {  	s10 =	smov.u32 s3;
	[sflag:s5] =	ssyncpa.u1 $0x0;
	s6 =	sadd.s32 s7, s6  }
0xb: {  	[sflag:s8] =	ssyncpa.u1 $0x0;
	s8 =	simm.s32 $0x0;
	s7 =	sadd.s32 $0x1, s6  }
.LBB1_9:
0xc: {  	s14 =	sadd.s32 $0x100, s10  }
0xd: {  	p1 =	sgt.s32 s14, $0x1FFF  }
0xe: {  	s14 =	smov.u32 @p1 s3;
	p1 =	sne.s32 s11, s7  }
.Ltmp1:
0xf: {  	p0 =	slt.u32 s11, $0x2;
	(pc) =	sbr.rel @!p1 .LBB1_10-.Ltmp1, $4  }
0x10: {  	s13 =	simm.s32 @!p0 $0x2  }
0x11: {  	s15 =	sadd.s32 $0x1, s11;
	_ =	swait.ge @!p0 [sflag:s13], $0x4000  }
0x12: {  	s12 =	smov.u32 s10;
	s9 =	sadd.s32 $0x4000, s9;
	[sflag:s13] =	ssyncset.done @!p0 $0x0  }
0x13: {  	s11 =	smov.u32 s15;
	s10 =	smov.u32 s14;
	[sflag:s13] =	ssyncadd.s32 @!p0 $0xFFFFC000  }
.LBB1_1:
0x14: {  	p0 =	sge.u32 s11, s6  }
0x15: {  	s13 =	sxor.u32 @!p0 $0xFFFFFFFF, s11  }
0x16: {  	s31 =	sadd.s32 $0xFFFFFFFF, s11;
	s14 =	sshll.u32 @!p0 s10, $0x8;
	s13 =	sshll.u32 @!p0 s13, $0xE  }
0x17: {  	s15 =	simm.s32 @!p0 $0x0;
	s14 =	sadd.s32 @!p0 s2, s14;
	s13 =	sand.u32 @!p0 $0x4000, s13  }
0x18: {  	[tilespmem:s13], [sflag:$0x1] =	stream.linear.gather @!p0 [hbm4b:s14+s15], $0x4000, $0x38;
	[tilespmem:$0x10000] =	vst v63  }
0x19: {  	p0 =	sge.u32 s31, s6  }
.Ltmp2:
0x1a: {  	_ = 	snop;
	(pc) =	sbr.rel @p0 .LBB1_9-.Ltmp2, $1  }
0x1b: {  	_ =	sdelay $0x3  }
0x1c: {  	s13 =	sshll.u32 s9, $0x2;
	_ =	swait.ge [sflag:s5], $0x4000;
	s14 =	sshll.u32 s11, $0xE  }
0x1d: {  	s16 =	simm.s32 $0x0;
	s17 =	simm.s32 $0x0;
	s15 =	sand.u32 $0x10000, s13  }
0x1e: {  	[sflag:s5] =	ssyncset.done $0x0;
	s31 =	sand.u32 $0x4000, s14;
	s14 =	sshrl.u32 s15, $0x2  }
0x1f: {  	[sflag:s5] =	ssyncadd.s32 $0xFFFFC000;
	s13 =	sor.u32 $0x8000, s31;
	s15 =	sor.u32 $0x8000, s14  }
.LBB1_3:
0x20: {  	s18 =	sshra.s32 s16, $0x2  }
0x21: {  	v0 =	vmov s18;
	_ =	sdelay $0x3  }
0x22: {  	p1 =	por $0x1, $0x1;
	s18 =	simm.s32 $0x0  }
.LBB1_4:
0x23: {  	_ = 	snop  }
0x24: {  	s19 =	sshll.u32 s18, $0xA  }
0x25: {  	s19 =	sand.u32 $0x3FFFFC00, s19  }
0x26: {  	s19 =	sadd.s32 s19, s14  }
0x27: {  	v5 =	vld.idx.msk [tilespmem:v0+s19+$0x70 ss:$0x1], $0xffff  }
0x28: {  	v6 =	vld.idx.msk [tilespmem:v0+s19+$0x10 ss:$0x1], $0xffff  }
0x29: {  	v7 =	vld.idx.msk [tilespmem:v0+s19+$0x20 ss:$0x1], $0xffff  }
0x2a: {  	s31 =	sshll.u32 s18, $0x7;
	v1 =	vld.idx.msk [tilespmem:v0+s19+$0x30 ss:$0x1], $0xffff  }
0x2b: {  	s18 =	sand.u32 $0x3FFFFF80, s31;
	v2 =	vld.idx.msk [tilespmem:v0+s19+$0x40 ss:$0x1], $0xffff  }
0x2c: {  	s18 =	sadd.s32 s18, s15;
	v3 =	vld.idx.msk [tilespmem:v0+s19+$0x50 ss:$0x1], $0xffff  }
0x2d: {  	v4 =	vld.idx.msk [tilespmem:v0+s19+$0x60 ss:$0x1], $0xffff;
	[tilespmem:v0+s18+$0x70 ss:$0x1] =	vst.idx.msk $0xffff, v5  }
0x2e: {  	v5 =	vld.idx.msk [tilespmem:v0+s19+$0x0 ss:$0x1], $0xffff;
	[tilespmem:v0+s18+$0x10 ss:$0x1] =	vst.idx.msk $0xffff, v6;
	s19 =	sadd.s32 $0x80, s19  }
0x2f: {  	p0 =	por p1, p1;
	s20 =	simm.s32 $0x6;
	[tilespmem:v0+s18+$0x20 ss:$0x1] =	vst.idx.msk $0xffff, v7;
	v6 =	vld.idx.msk [tilespmem:v0+s19+$0x70 ss:$0x1], $0xffff  }
.LBB1_5:
0x30: {  	p1 =	sne.s32 s20, $0x1;
	v7 =	vld.idx.msk [tilespmem:v0+s19+$0x10 ss:$0x1], $0xffff;
	[tilespmem:v0+s18+$0x30 ss:$0x1] =	vst.idx.msk $0xffff, v1  }
0x31: {  	v8 =	vld.idx.msk [tilespmem:v0+s19+$0x20 ss:$0x1], $0xffff;
	[tilespmem:v0+s18+$0x40 ss:$0x1] =	vst.idx.msk $0xffff, v2  }
0x32: {  	v1 =	vld.idx.msk [tilespmem:v0+s19+$0x30 ss:$0x1], $0xffff;
	[tilespmem:v0+s18+$0x50 ss:$0x1] =	vst.idx.msk $0xffff, v3  }
.Ltmp3:
0x33: {  	v2 =	vld.idx.msk [tilespmem:v0+s19+$0x40 ss:$0x1], $0xffff;
	[tilespmem:v0+s18+$0x60 ss:$0x1] =	vst.idx.msk $0xffff, v4;
	(pc) =	sbr.rel @p1 .LBB1_5-.Ltmp3, $4  }
0x34: {  	v3 =	vld.idx.msk [tilespmem:v0+s19+$0x50 ss:$0x1], $0xffff;
	[tilespmem:v0+s18+$0x0 ss:$0x1] =	vst.idx.msk $0xffff, v5;
	s18 =	sadd.s32 $0x100, s18  }
0x35: {  	v4 =	vld.idx.msk [tilespmem:v0+s19+$0x60 ss:$0x1], $0xffff;
	[tilespmem:v0+s18+$0x70 ss:$0x1] =	vst.idx.msk $0xffff, v6  }
0x36: {  	v5 =	vld.idx.msk [tilespmem:v0+s19+$0x0 ss:$0x1], $0xffff;
	[tilespmem:v0+s18+$0x10 ss:$0x1] =	vst.idx.msk $0xffff, v7;
	s19 =	sadd.s32 $0x80, s19  }
0x37: {  	s20 =	sadd.s32 $0xFFFFFFFF, s20;
	v6 =	vld.idx.msk [tilespmem:v0+s19+$0x70 ss:$0x1], $0xffff;
	[tilespmem:v0+s18+$0x20 ss:$0x1] =	vst.idx.msk $0xffff, v8  }
0x38: {  	_ =	sdelay $0x3  }
0x39: {  	[tilespmem:v0+s18+$0x30 ss:$0x1] =	vst.idx.msk $0xffff, v1  }
0x3a: {  	v1 =	vld.idx.msk [tilespmem:v0+s19+$0x10 ss:$0x1], $0xffff;
	[tilespmem:v0+s18+$0x40 ss:$0x1] =	vst.idx.msk $0xffff, v2  }
0x3b: {  	v2 =	vld.idx.msk [tilespmem:v0+s19+$0x20 ss:$0x1], $0xffff;
	[tilespmem:v0+s18+$0x50 ss:$0x1] =	vst.idx.msk $0xffff, v3  }
0x3c: {  	v61 =	vld.idx.msk [tilespmem:v0+s19+$0x40 ss:$0x1], $0xffff;
	[tilespmem:v0+s18+$0x60 ss:$0x1] =	vst.idx.msk $0xffff, v4  }
0x3d: {  	s31 =	sadd.s32 $0x100, s18;
	v62 =	vld.idx.msk [tilespmem:v0+s19+$0x50 ss:$0x1], $0xffff;
	[tilespmem:v0+s18+$0x0 ss:$0x1] =	vst.idx.msk $0xffff, v5  }
0x3e: {  	v63 =	vld.idx.msk [tilespmem:v0+s19+$0x60 ss:$0x1], $0xffff;
	[tilespmem:v0+s31+$0x70 ss:$0x1] =	vst.idx.msk $0xffff, v6  }
0x3f: {  	v3 =	vld.idx.msk [tilespmem:v0+s19+$0x30 ss:$0x1], $0xffff;
	[tilespmem:v0+s31+$0x10 ss:$0x1] =	vst.idx.msk $0xffff, v1  }
0x40: {  	v1 =	vld.idx.msk [tilespmem:v0+s19+$0x0 ss:$0x1], $0xffff;
	[tilespmem:v0+s31+$0x20 ss:$0x1] =	vst.idx.msk $0xffff, v2  }
.Ltmp4:
0x41: {  	[tilespmem:v0+s31+$0x40 ss:$0x1] =	vst.idx.msk $0xffff, v61;
	(pc) =	sbr.rel @p0 .LBB1_4-.Ltmp4, $4  }
0x42: {  	[tilespmem:v0+s31+$0x50 ss:$0x1] =	vst.idx.msk $0xffff, v62  }
0x43: {  	[tilespmem:v0+s31+$0x60 ss:$0x1] =	vst.idx.msk $0xffff, v63  }
0x44: {  	[tilespmem:v0+s31+$0x30 ss:$0x1] =	vst.idx.msk $0xffff, v3  }
0x45: {  	p1 =	por $0x0, $0x0;
	s18 =	simm.s32 $0x1;
	[tilespmem:v0+s31+$0x0 ss:$0x1] =	vst.idx.msk $0xffff, v1  }
0x46: {  	s17 =	sadd.s32 $0x1, s17  }
0x47: {  	p0 =	sne.s32 s17, $0x8  }
.Ltmp5:
0x48: {  	_ = 	snop;
	(pc) =	sbr.rel @p0 .LBB1_3-.Ltmp5, $2  }
0x49: {  	_ =	sdelay $0x2  }
0x4a: {  	s16 =	sadd.s32 $0x2000, s16  }
.Ltmp6:
0x4b: {  	(pc) =	sbr.rel .LBB1_9-.Ltmp6, $4  }
0x4c: {  	_ = 	snop  }
0x4d: {  	s12 =	sshll.u32 s12, $0x8  }
0x4e: {  	s12 =	sadd.s32 s4, s12  }
0x4f: {  	[hbm4b:s12+s8] =	stream.linear.scatter [tilespmem:s13], [sflag:$0x2], $0x4000, $0x38;
	[tilespmem:$0x10000] =	vst v63  }
.LBB1_10:
0x50: {  	_ =	sfence.sel $0x180000  }
0x51: {  	s2 =	simm.s32 $0x1;
	[bflag:$0x0] =	sbarrier.arrive $0xFFFF  }
0x52: {  	s31 =	simm.s32 $0x2;
	[sflag:s2] =	ssyncpa.u1 $0x1  }
0x53: {  	[sflag:s31] =	ssyncpa.u1 $0x1  }
0x54: {  	p0 =	sne.s32 s0, $0x0;
	_ =	strace $0x90000047  }
0x55: {  	s0 =	sadd.s32 @!p0 $0x100000, s1;
	[bflag:$0x2] =	sbarrier.arrive $0xFFFF  }
0x56: {  	[sflag:s0] =	ssyncadd.tile.s32 @!p0 $0x1;
	_ =	shalt  }
.Lfunc_end1:
_tile_overlayer_lowered:
.L_overlay_start_2:
0x57: {  	(tag) =	ssettag $0x2  }
0x58: {  	s0 =	rddreg [dreg:$0x0];
	s2 =	stileid.u32  }
0x59: {  	s1 =	rddreg [dreg:$0x1];
	p0 =	sne.s32 s2, $0x0  }
0x5a: {  	s3 =	rddreg [dreg:$0x2];
	[bflag:$0x3] =	sbarrier.arrive $0xFFFF;
	s2 =	simm.s32 @!p0 $0x1C01  }
0x5b: {  	[timem:s3], [sflag:s2] =	dma.local @!p0 [hbm:s0], s1  }
0x5c: {  	s0 =	simm.s32 @!p0 $0x1  }
0x5d: {  	_ =	swait.ge @!p0 [sflag:s0], s1  }
0x5e: {  	s1 =	ssub.s32 @!p0 $0x0, s1;
	[sflag:s0] =	ssyncset.done @!p0 $0x0  }
0x5f: {  	[sflag:s0] =	ssyncadd.s32 @!p0 s1  }
0x60: {  	[bflag:$0x3] =	sbarrier.arrive $0xFFFF  }
0x61: {  	_ =	shalt  }

</sc_bundles>
